<compile_context>
chip_gen: v7x
topology: tpu7x:2x2x1
jax: 0.10.2.dev20260603
libtpu: 0.0.44.dev20260713+nightly
codegen_flags: <defaults>
</compile_context>

<pallas_src>
import functools

import jax
import jax.numpy as jnp
from jax import lax
from jax.experimental import pallas as pl
from jax.experimental.pallas import tpu as pltpu
from jax.experimental.pallas import tpu_sc as plsc

NN = 10000
NP = 10240
ACCN = 10240
EE = 160000
EP = 163840
D = 256
DH = 128
BN_ROWS = 2048
GRID = NP // BN_ROWS
W_SEG = 80
W_EDGE = 128
W_HALF = 2
W_CHUNK = W_SEG // W_HALF
W_CNT = 40
DEPTH = 2


def _seg_mesh():
    return plsc.VectorSubcoreMesh(core_axis_name="c", subcore_axis_name="s")


def _count_body(dst_hbm, zeros_hbm, ones_hbm, cnt_hbm, didx, ones_v, acc):
    c = lax.axis_index("c")
    s = lax.axis_index("s")
    pltpu.sync_copy(zeros_hbm, acc.at[pl.ds(s * 640, 640)])
    pltpu.sync_copy(ones_hbm, ones_v)
    pltpu.sync_copy(dst_hbm.at[c, s], didx)
    plsc.subcore_barrier()

    def body(j, carry):
        pltpu.sync_copy(ones_v, acc.at[didx.at[j]], add=True)
        return carry

    lax.fori_loop(0, W_CNT, body, 0)
    plsc.subcore_barrier()
    pltpu.sync_copy(acc.at[pl.ds(s * 640, 640)],
                    cnt_hbm.at[c, pl.ds(s * 640, 640)])


def _sc_count(dst_cnt, zeros_cnt, ones128):
    return pl.kernel(
        _count_body,
        out_type=jax.ShapeDtypeStruct((2, NP), jnp.float32),
        mesh=_seg_mesh(),
        scratch_types=[
            pltpu.VMEM((W_CNT, 128), jnp.int32),
            pltpu.VMEM((128,), jnp.float32),
            pltpu.VMEM_SHARED((NP,), jnp.float32),
        ],
    )(dst_cnt, zeros_cnt, ones128)


def _segsum_body(tab_hbm, src_hbm, dst_hbm, zeros_hbm, agg_hbm,
                 sidx, didx, rows, acc, sem_g, sem_s):
    c = lax.axis_index("c")
    s = lax.axis_index("s")
    pltpu.sync_copy(zeros_hbm, acc.at[pl.ds(s * 640, 640)])
    plsc.subcore_barrier()

    for h in range(W_HALF):
        pltpu.sync_copy(src_hbm.at[c, s, pl.ds(h * W_CHUNK, W_CHUNK)], sidx)
        pltpu.sync_copy(dst_hbm.at[s, pl.ds(h * W_CHUNK, W_CHUNK)], didx)
        for j in range(DEPTH - 1):
            pltpu.async_copy(tab_hbm.at[sidx.at[j]], rows.at[j], sem_g.at[j])

        def body(j, carry):
            b = j % DEPTH
            pltpu.make_async_copy(tab_hbm.at[sidx.at[j]], rows.at[b],
                                  sem_g.at[b]).wait()
            pltpu.async_copy(rows.at[b], acc.at[didx.at[j]], sem_s.at[b],
                             add=True)

            @pl.when(j + DEPTH - 1 < W_CHUNK)
            def _():
                bn = (j + DEPTH - 1) % DEPTH

                @pl.when(j >= 1)
                def _():
                    pltpu.make_async_copy(rows.at[bn],
                                          acc.at[didx.at[j - 1]],
                                          sem_s.at[bn]).wait()

                pltpu.async_copy(tab_hbm.at[sidx.at[j + DEPTH - 1]],
                                 rows.at[bn], sem_g.at[bn])

            return carry

        lax.fori_loop(0, W_CHUNK, body, 0)
        for k in range(W_CHUNK - DEPTH, W_CHUNK):
            pltpu.make_async_copy(rows.at[k % DEPTH], acc.at[didx.at[k]],
                                  sem_s.at[k % DEPTH]).wait()
    plsc.subcore_barrier()
    pltpu.sync_copy(acc.at[pl.ds(s * 640, 640)],
                    agg_hbm.at[c, pl.ds(s * 640, 640)])


def _sc_segsum(tab_flat, srcs, dsts, zeros_row):
    return pl.kernel(
        _segsum_body,
        out_type=jax.ShapeDtypeStruct((2, NP, DH), jnp.float32),
        mesh=_seg_mesh(),
        scratch_types=[
            pltpu.VMEM((W_CHUNK, W_EDGE), jnp.int32),
            pltpu.VMEM((W_CHUNK, W_EDGE), jnp.int32),
            pltpu.VMEM((DEPTH, W_EDGE, DH), jnp.float32),
            pltpu.VMEM_SHARED((ACCN, DH), jnp.float32),
            pltpu.SemaphoreType.DMA((DEPTH,)),
            pltpu.SemaphoreType.DMA((DEPTH,)),
        ],
    )(tab_flat, srcs, dsts, zeros_row)


def _linear_body(do_stats, agg_ref, cnt_ref, tab_ref, w_ref, b_ref,
                 h_ref, *rest):
    if do_stats:
        stats_ref, sacc = rest
    else:
        (sacc,) = rest
    i = pl.program_id(0)
    cnt = cnt_ref[0] + cnt_ref[1]
    inv = 1.0 / jnp.clip(cnt, 1.0, None)
    mean = jnp.concatenate([agg_ref[0], agg_ref[1]], axis=1) * inv
    xb = jnp.concatenate([tab_ref[0], tab_ref[1]], axis=1)
    hcat = jnp.concatenate([mean, xb], axis=1)
    h = jnp.dot(hcat, w_ref[...], preferred_element_type=jnp.float32)
    h = h + b_ref[...]
    h_ref[...] = h
    if do_stats:
        rows = i * BN_ROWS + lax.broadcasted_iota(jnp.int32, (BN_ROWS, D), 0)
        hm = jnp.where(rows < NN, h, 0.0)

        @pl.when(i == 0)
        def _():
            sacc[...] = jnp.zeros_like(sacc)

        sacc[0:1, :] += jnp.sum(hm, axis=0, keepdims=True)
        sacc[1:2, :] += jnp.sum(hm * hm, axis=0, keepdims=True)

        @pl.when(i == GRID - 1)
        def _():
            mu = sacc[0:1, :] / float(NN)
            stats_ref[0:1, :] = mu
            stats_ref[1:2, :] = sacc[1:2, :] / float(NN) - mu * mu


def _tc_linear(agg, cnt3, tab, w_cat, b_row, do_stats):
    out_shape = [jax.ShapeDtypeStruct((NP, D), jnp.float32)]
    out_specs = [pl.BlockSpec((BN_ROWS, D), lambda i: (i, 0))]
    if do_stats:
        out_shape.append(jax.ShapeDtypeStruct((2, D), jnp.float32))
        out_specs.append(pl.BlockSpec((2, D), lambda i: (0, 0)))
    res = pl.pallas_call(
        functools.partial(_linear_body, do_stats),
        grid=(GRID,),
        in_specs=[
            pl.BlockSpec((2, BN_ROWS, DH), lambda i: (0, i, 0)),
            pl.BlockSpec((2, BN_ROWS, 1), lambda i: (0, i, 0)),
            pl.BlockSpec((2, BN_ROWS, DH), lambda i: (0, i, 0)),
            pl.BlockSpec((2 * D, D), lambda i: (0, 0)),
            pl.BlockSpec((1, D), lambda i: (0, 0)),
        ],
        out_specs=out_specs if do_stats else out_specs[0],
        out_shape=out_shape if do_stats else out_shape[0],
        scratch_shapes=[pltpu.VMEM((2, D), jnp.float32)],
    )(agg, cnt3, tab, w_cat, b_row)
    return res if do_stats else (res, None)


def _bn_relu_body(h_ref, stats_ref, gam_ref, bet_ref, out_ref):
    h = h_ref[...]
    mu = stats_ref[0:1, :]
    var = stats_ref[1:2, :]
    y = gam_ref[...] * (h - mu) * lax.rsqrt(var + 1e-5) + bet_ref[...]
    y = jnp.maximum(y, 0.0)
    out_ref[0] = y[:, :DH]
    out_ref[1] = y[:, DH:]


def _tc_bn_relu(h, stats, gamma, beta):
    return pl.pallas_call(
        _bn_relu_body,
        grid=(GRID,),
        in_specs=[
            pl.BlockSpec((BN_ROWS, D), lambda i: (i, 0)),
            pl.BlockSpec((2, D), lambda i: (0, 0)),
            pl.BlockSpec((1, D), lambda i: (0, 0)),
            pl.BlockSpec((1, D), lambda i: (0, 0)),
        ],
        out_specs=pl.BlockSpec((2, BN_ROWS, DH), lambda i: (0, i, 0)),
        out_shape=jax.ShapeDtypeStruct((2, NP, DH), jnp.float32),
    )(h, stats, gamma.reshape(1, D), beta.reshape(1, D))


def kernel(x, adj_t, W_l1, b_l1, W_r1, gamma1, beta1,
           W_l2, b_l2, W_r2, gamma2, beta2, W_l3, b_l3, W_r3):
    src = adj_t[0]
    dst = adj_t[1]
    pad = EP - EE
    src_p = jnp.concatenate([src, jnp.zeros((pad,), jnp.int32)])
    dst_p = jnp.concatenate(
        [dst, NN + (jnp.arange(pad, dtype=jnp.int32) % (ACCN - NN))])
    srcs = jnp.stack([src_p, src_p + NP]).reshape(2, 16, W_SEG, W_EDGE)
    dsts_seg = dst_p.reshape(16, W_SEG, W_EDGE)
    dsts_cnt = dst_p.reshape(2, 16, W_CNT, 128)

    zeros_row = jnp.zeros((640, DH), jnp.float32)
    zeros_cnt = jnp.zeros((640,), jnp.float32)
    ones128 = jnp.ones((128,), jnp.float32)

    cnt = _sc_count(dsts_cnt, zeros_cnt, ones128)
    cnt3 = cnt.reshape(2, NP, 1)

    xs = jnp.pad(x, ((0, NP - NN), (0, 0))).reshape(NP, 2, DH)
    xs = xs.transpose(1, 0, 2)

    wc1 = jnp.concatenate([W_l1.T, W_r1.T], axis=0)
    wc2 = jnp.concatenate([W_l2.T, W_r2.T], axis=0)
    wc3 = jnp.concatenate([W_l3.T, W_r3.T], axis=0)

    agg1 = _sc_segsum(xs.reshape(2 * NP, DH), srcs, dsts_seg, zeros_row)
    h1, st1 = _tc_linear(agg1, cnt3, xs, wc1, b_l1.reshape(1, D), True)
    t2 = _tc_bn_relu(h1, st1, gamma1, beta1)

    agg2 = _sc_segsum(t2.reshape(2 * NP, DH), srcs, dsts_seg, zeros_row)
    h2, st2 = _tc_linear(agg2, cnt3, t2, wc2, b_l2.reshape(1, D), True)
    t3 = _tc_bn_relu(h2, st2, gamma2, beta2)

    agg3 = _sc_segsum(t3.reshape(2 * NP, DH), srcs, dsts_seg, zeros_row)
    out_p, _ = _tc_linear(agg3, cnt3, t3, wc3, b_l3.reshape(1, D), False)
    return out_p[:NN]

# --- scband reference (transcript-rebuilt; emitter-appended) ---
"""Pipeline reference for scband-sage-27315992002882 (READ-ONLY COPY).

The authoritative reference and input builder live on the scoring server;
editing this copy changes nothing except your own understanding.
"""

import jax, jax.numpy as jnp
import numpy as np

N = 10000
E = 160000
D_IN = 256
D_HID = 256
D_OUT = 256


def _sage_conv(x, edge_index, W_l, b_l, W_r):
    # PyG SAGEConv with mean aggregation:
    #   out = lin_l(mean_{j in N(i)} x_j) + lin_r(x_i)
    src = edge_index[0]
    dst = edge_index[1]
    msgs = jnp.take(x, src, axis=0)
    agg = jax.ops.segment_sum(msgs, dst, num_segments=N)
    cnt = jax.ops.segment_sum(jnp.ones((msgs.shape[0],), msgs.dtype), dst, num_segments=N)
    mean = agg / jnp.clip(cnt, 1.0, None)[:, None]
    return mean @ W_l.T + b_l + x @ W_r.T


def _batch_norm(h, gamma, beta, eps=1e-5):
    mu = jnp.mean(h, axis=0)
    var = jnp.var(h, axis=0)
    return gamma * (h - mu) / jnp.sqrt(var + eps) + beta


def setup_inputs(seed: int = 0):
    key = jax.random.key(seed)
    ks = jax.random.split(key, 20)
    x = jax.random.normal(ks[0], (N, D_IN), dtype=jnp.float32)
    adj_t = jax.random.randint(ks[1], (2, E), 0, N, dtype=jnp.int32)
    s_in = 1.0 / np.sqrt(D_IN)
    s_hid = 1.0 / np.sqrt(D_HID)
    return {
        "x": x,
        "adj_t": adj_t,
        "W_l1": jax.random.normal(ks[2], (D_HID, D_IN), jnp.float32) * s_in,
        "b_l1": jnp.zeros((D_HID,), jnp.float32),
        "W_r1": jax.random.normal(ks[3], (D_HID, D_IN), jnp.float32) * s_in,
        "gamma1": jnp.ones((D_HID,), jnp.float32),
        "beta1": jnp.zeros((D_HID,), jnp.float32),
        "W_l2": jax.random.normal(ks[4], (D_HID, D_HID), jnp.float32) * s_hid,
        "b_l2": jnp.zeros((D_HID,), jnp.float32),
        "W_r2": jax.random.normal(ks[5], (D_HID, D_HID), jnp.float32) * s_hid,
        "gamma2": jnp.ones((D_HID,), jnp.float32),
        "beta2": jnp.zeros((D_HID,), jnp.float32),
        "W_l3": jax.random.normal(ks[6], (D_OUT, D_HID), jnp.float32) * s_hid,
        "b_l3": jnp.zeros((D_OUT,), jnp.float32),
        "W_r3": jax.random.normal(ks[7], (D_OUT, D_HID), jnp.float32) * s_hid,
    }


def reference(x, adj_t, W_l1, b_l1, W_r1, gamma1, beta1, W_l2, b_l2, W_r2, gamma2, beta2, W_l3, b_l3, W_r3):
    # layer 1
    h = _sage_conv(x, adj_t, W_l1, b_l1, W_r1)
    h = _batch_norm(h, gamma1, beta1)
    h = jax.nn.relu(h)
    # dropout p=0.0 -> identity
    # layer 2
    h = _sage_conv(h, adj_t, W_l2, b_l2, W_r2)
    h = _batch_norm(h, gamma2, beta2)
    h = jax.nn.relu(h)
    # layer 3 (no norm/activation)
    out = _sage_conv(h, adj_t, W_l3, b_l3, W_r3)
    return out

if __name__ == "__main__":
    import jax
    _d = setup_inputs()
    print(jax.jit(kernel)(*tuple(_d.values())))

</pallas_src>

<mosaic_0001>
#map = affine_map<(d0, d1) -> (0, 0)>
#map1 = affine_map<(d0, d1) -> (0, 0, 0, 0)>
#map2 = affine_map<(d0, d1) -> (0, 0, 0)>
module attributes {stable_mosaic.version = 14 : i64} {
  func.func @_segsum_body(%arg0: i32, %arg1: i32, %arg2: memref<20480x128xf32, #tpu.memory_space<hbm>>, %arg3: memref<2x16x80x128xi32, #tpu.memory_space<hbm>>, %arg4: memref<16x80x128xi32, #tpu.memory_space<hbm>>, %arg5: memref<640x128xf32, #tpu.memory_space<hbm>>, %arg6: memref<2x10240x128xf32, #tpu.memory_space<hbm>>, %arg7: memref<40x128xi32, #tpu.memory_space<vmem>>, %arg8: memref<40x128xi32, #tpu.memory_space<vmem>>, %arg9: memref<2x128x128xf32, #tpu.memory_space<vmem>>, %arg10: memref<10240x128xf32, #tpu.memory_space<vmem_shared>>, %arg11: memref<2x!tpu.dma_semaphore, #tpu.memory_space<semaphore_mem>>, %arg12: memref<2x!tpu.dma_semaphore, #tpu.memory_space<semaphore_mem>>) attributes {dimension_semantics = [#tpu.dimension_semantics<core_parallel>, #tpu.dimension_semantics<subcore_parallel>], iteration_bounds = array<i64: 2, 16>, scalar_prefetch = 0 : i64, scratch_operands = 6 : i64, tpu.core_type = #tpu.core_type<sc_vector_subcore>, window_params = [{transform_indices = #map}, {transform_indices = #map1}, {transform_indices = #map2}, {transform_indices = #map}, {transform_indices = #map2}]} {
    %mul3A = arith.constant 640 : i32
    %mul3A_0 = arith.muli %arg1, %mul3A : i32
    "tpu.region"() ({
      %run_scoped3A = tpu.sem_alloc : memref<!tpu.dma_semaphore, #tpu.memory_space<semaphore_mem>>
      %dma_start3A_105 = arith.constant 0 : i32
      %dma_start3A_106 = tpu.memref_slice %arg10[%mul3A_0, %dma_start3A_105] : memref<10240x128xf32, #tpu.memory_space<vmem_shared>> -> memref<640x128xf32, #tpu.memory_space<vmem_shared>>
      tpu.enqueue_dma source(%arg5 : memref<640x128xf32, #tpu.memory_space<hbm>>) target(%dma_start3A_106 : memref<640x128xf32, #tpu.memory_space<vmem_shared>>) target_semaphore(%run_scoped3A : memref<!tpu.dma_semaphore, #tpu.memory_space<semaphore_mem>>)
      %dma_wait3A_107 = arith.constant 0 : i32
      %dma_wait3A_108 = tpu.memref_slice %arg10[%mul3A_0, %dma_wait3A_107] : memref<10240x128xf32, #tpu.memory_space<vmem_shared>> -> memref<640x128xf32, #tpu.memory_space<vmem_shared>>
      tpu.wait_dma2 semaphore(%run_scoped3A : memref<!tpu.dma_semaphore, #tpu.memory_space<semaphore_mem>>) src(%arg5 : memref<640x128xf32, #tpu.memory_space<hbm>>) dst(%dma_wait3A_108 : memref<640x128xf32, #tpu.memory_space<vmem_shared>>)
      tpu.yield
    }) : () -> ()
    %barrier3A = arith.constant 0 : index
    tpu.barrier barrier_id(%barrier3A)
    "tpu.region"() ({
      %run_scoped3A = tpu.sem_alloc : memref<!tpu.dma_semaphore, #tpu.memory_space<semaphore_mem>>
      %dma_start3A_105 = arith.constant 0 : i32
      %dma_start3A_106 = arith.constant 0 : i32
      %dma_start3A_107 = tpu.memref_slice %arg3[%arg0, %arg1, %dma_start3A_105, %dma_start3A_106] : memref<2x16x80x128xi32, #tpu.memory_space<hbm>> -> memref<1x1x40x128xi32, #tpu.memory_space<hbm>>
      %dma_start3A_108 = tpu.memref_squeeze %dma_start3A_107 : memref<1x1x40x128xi32, #tpu.memory_space<hbm>> -> memref<40x128xi32, #tpu.memory_space<hbm>>
      %dma_start3A_109 = arith.constant 0 : i32
      %dma_start3A_110 = arith.constant 0 : i32
      %dma_start3A_111 = tpu.memref_slice %arg3[%arg0, %arg1, %dma_start3A_109, %dma_start3A_110] : memref<2x16x80x128xi32, #tpu.memory_space<hbm>> -> memref<1x1x40x128xi32, #tpu.memory_space<hbm>>
      %dma_start3A_112 = tpu.memref_squeeze %dma_start3A_111 : memref<1x1x40x128xi32, #tpu.memory_space<hbm>> -> memref<40x128xi32, #tpu.memory_space<hbm>>
      tpu.enqueue_dma source(%dma_start3A_112 : memref<40x128xi32, #tpu.memory_space<hbm>>) target(%arg7 : memref<40x128xi32, #tpu.memory_space<vmem>>) target_semaphore(%run_scoped3A : memref<!tpu.dma_semaphore, #tpu.memory_space<semaphore_mem>>)
      %dma_wait3A_113 = arith.constant 0 : i32
      %dma_wait3A_114 = arith.constant 0 : i32
      %dma_wait3A_115 = tpu.memref_slice %arg3[%arg0, %arg1, %dma_wait3A_113, %dma_wait3A_114] : memref<2x16x80x128xi32, #tpu.memory_space<hbm>> -> memref<1x1x40x128xi32, #tpu.memory_space<hbm>>
      %dma_wait3A_116 = tpu.memref_squeeze %dma_wait3A_115 : memref<1x1x40x128xi32, #tpu.memory_space<hbm>> -> memref<40x128xi32, #tpu.memory_space<hbm>>
      %dma_wait3A_117 = arith.constant 0 : i32
      %dma_wait3A_118 = arith.constant 0 : i32
      %dma_wait3A_119 = tpu.memref_slice %arg3[%arg0, %arg1, %dma_wait3A_117, %dma_wait3A_118] : memref<2x16x80x128xi32, #tpu.memory_space<hbm>> -> memref<1x1x40x128xi32, #tpu.memory_space<hbm>>
      %dma_wait3A_120 = tpu.memref_squeeze %dma_wait3A_119 : memref<1x1x40x128xi32, #tpu.memory_space<hbm>> -> memref<40x128xi32, #tpu.memory_space<hbm>>
      tpu.wait_dma2 semaphore(%run_scoped3A : memref<!tpu.dma_semaphore, #tpu.memory_space<semaphore_mem>>) src(%dma_wait3A_120 : memref<40x128xi32, #tpu.memory_space<hbm>>) dst(%arg7 : memref<40x128xi32, #tpu.memory_space<vmem>>)
      tpu.yield
    }) : () -> ()
    "tpu.region"() ({
      %run_scoped3A = tpu.sem_alloc : memref<!tpu.dma_semaphore, #tpu.memory_space<semaphore_mem>>
      %dma_start3A_105 = arith.constant 0 : i32
      %dma_start3A_106 = arith.constant 0 : i32
      %dma_start3A_107 = tpu.memref_slice %arg4[%arg1, %dma_start3A_105, %dma_start3A_106] : memref<16x80x128xi32, #tpu.memory_space<hbm>> -> memref<1x40x128xi32, #tpu.memory_space<hbm>>
      %dma_start3A_108 = tpu.memref_squeeze %dma_start3A_107 : memref<1x40x128xi32, #tpu.memory_space<hbm>> -> memref<40x128xi32, #tpu.memory_space<hbm>>
      %dma_start3A_109 = arith.constant 0 : i32
      %dma_start3A_110 = arith.constant 0 : i32
      %dma_start3A_111 = tpu.memref_slice %arg4[%arg1, %dma_start3A_109, %dma_start3A_110] : memref<16x80x128xi32, #tpu.memory_space<hbm>> -> memref<1x40x128xi32, #tpu.memory_space<hbm>>
      %dma_start3A_112 = tpu.memref_squeeze %dma_start3A_111 : memref<1x40x128xi32, #tpu.memory_space<hbm>> -> memref<40x128xi32, #tpu.memory_space<hbm>>
      tpu.enqueue_dma source(%dma_start3A_112 : memref<40x128xi32, #tpu.memory_space<hbm>>) target(%arg8 : memref<40x128xi32, #tpu.memory_space<vmem>>) target_semaphore(%run_scoped3A : memref<!tpu.dma_semaphore, #tpu.memory_space<semaphore_mem>>)
      %dma_wait3A_113 = arith.constant 0 : i32
      %dma_wait3A_114 = arith.constant 0 : i32
      %dma_wait3A_115 = tpu.memref_slice %arg4[%arg1, %dma_wait3A_113, %dma_wait3A_114] : memref<16x80x128xi32, #tpu.memory_space<hbm>> -> memref<1x40x128xi32, #tpu.memory_space<hbm>>
      %dma_wait3A_116 = tpu.memref_squeeze %dma_wait3A_115 : memref<1x40x128xi32, #tpu.memory_space<hbm>> -> memref<40x128xi32, #tpu.memory_space<hbm>>
      %dma_wait3A_117 = arith.constant 0 : i32
      %dma_wait3A_118 = arith.constant 0 : i32
      %dma_wait3A_119 = tpu.memref_slice %arg4[%arg1, %dma_wait3A_117, %dma_wait3A_118] : memref<16x80x128xi32, #tpu.memory_space<hbm>> -> memref<1x40x128xi32, #tpu.memory_space<hbm>>
      %dma_wait3A_120 = tpu.memref_squeeze %dma_wait3A_119 : memref<1x40x128xi32, #tpu.memory_space<hbm>> -> memref<40x128xi32, #tpu.memory_space<hbm>>
      tpu.wait_dma2 semaphore(%run_scoped3A : memref<!tpu.dma_semaphore, #tpu.memory_space<semaphore_mem>>) src(%dma_wait3A_120 : memref<40x128xi32, #tpu.memory_space<hbm>>) dst(%arg8 : memref<40x128xi32, #tpu.memory_space<vmem>>)
      tpu.yield
    }) : () -> ()
    %dma_start3A = arith.constant 0 : i32
    %dma_start3A_1 = arith.constant 0 : i32
    %dma_start3A_2 = arith.constant 0 : i32
    %dma_start3A_3 = arith.constant 0 : i32
    %dma_start3A_4 = arith.constant 0 : i32
    %dma_start3A_5 = tpu.memref_slice %arg9[%dma_start3A_1, %dma_start3A_3, %dma_start3A_4] : memref<2x128x128xf32, #tpu.memory_space<vmem>> -> memref<1x128x128xf32, #tpu.memory_space<vmem>>
    %dma_start3A_6 = tpu.memref_squeeze %dma_start3A_5 : memref<1x128x128xf32, #tpu.memory_space<vmem>> -> memref<128x128xf32, #tpu.memory_space<vmem>>
    %dma_start3A_7 = arith.constant 0 : i32
    %dma_start3A_8 = tpu.memref_slice %arg7[%dma_start3A, %dma_start3A_7] : memref<40x128xi32, #tpu.memory_space<vmem>> -> memref<1x128xi32, #tpu.memory_space<vmem>>
    %dma_start3A_9 = tpu.memref_squeeze %dma_start3A_8 : memref<1x128xi32, #tpu.memory_space<vmem>> -> memref<128xi32, #tpu.memory_space<vmem>>
    %dma_start3A_10 = arith.constant 0 : i32
    %dma_start3A_11 = arith.constant 0 : i32
    %dma_start3A_12 = tpu.memref_slice %arg2[%dma_start3A_10, %dma_start3A_11] : memref<20480x128xf32, #tpu.memory_space<hbm>> -> memref<20480x128xf32, #tpu.memory_space<hbm>>
    %dma_start3A_13 = tpu.memref_slice %arg11[%dma_start3A_2] : memref<2x!tpu.dma_semaphore, #tpu.memory_space<semaphore_mem>> -> memref<1x!tpu.dma_semaphore, #tpu.memory_space<semaphore_mem>>
    %dma_start3A_14 = tpu.memref_squeeze %dma_start3A_13 : memref<1x!tpu.dma_semaphore, #tpu.memory_space<semaphore_mem>> -> memref<!tpu.dma_semaphore, #tpu.memory_space<semaphore_mem>>
    tpu.enqueue_indirect_dma source(%dma_start3A_12 : memref<20480x128xf32, #tpu.memory_space<hbm>>) target(%dma_start3A_6 : memref<128x128xf32, #tpu.memory_space<vmem>>) offsets(%dma_start3A_9 : memref<128xi32, #tpu.memory_space<vmem>>) semaphore(%dma_start3A_14 : memref<!tpu.dma_semaphore, #tpu.memory_space<semaphore_mem>>)
    %scan3A = arith.constant 0 : i32
    %scan3A_15 = arith.constant 0 : i32
    %scan3A_16 = arith.constant 40 : i32
    %scan3A_17 = arith.addi %scan3A_15, %scan3A_16 : i32
    %scan3A_18 = arith.constant 1 : i32
    scf.for %scan3A_105 = %scan3A_15 to %scan3A_17 step %scan3A_18  : i32 {
      %jit3A = arith.constant 2 : i32
      %eq3A = arith.constant 0 : i32
      %eq3A_106 = arith.cmpi eq, %jit3A, %eq3A : i32
      %jit3A_107 = arith.constant 1 : i32
      %select_n3A = arith.select %eq3A_106, %jit3A_107, %jit3A : i32
      %rem3A = arith.remsi %scan3A_105, %select_n3A : i32
      %ne3A = arith.constant 0 : i32
      %ne3A_108 = arith.cmpi ne, %rem3A, %ne3A : i32
      %lt3A = arith.constant 0 : i32
      %lt3A_109 = arith.cmpi slt, %rem3A, %lt3A : i32
      %lt3A_110 = arith.constant 0 : i32
      %lt3A_111 = arith.cmpi slt, %select_n3A, %lt3A_110 : i32
      %ne3A_112 = arith.xori %lt3A_109, %lt3A_111 : i1
      %and3A = arith.andi %ne3A_112, %ne3A_108 : i1
      %add3A = arith.addi %rem3A, %select_n3A : i32
      %select_n3A_113 = arith.select %and3A, %add3A, %rem3A : i32
      %dma_wait3A_114 = arith.constant 0 : i32
      %dma_wait3A_115 = arith.constant 0 : i32
      %dma_wait3A_116 = tpu.memref_slice %arg9[%select_n3A_113, %dma_wait3A_114, %dma_wait3A_115] : memref<2x128x128xf32, #tpu.memory_space<vmem>> -> memref<1x128x128xf32, #tpu.memory_space<vmem>>
      %dma_wait3A_117 = tpu.memref_squeeze %dma_wait3A_116 : memref<1x128x128xf32, #tpu.memory_space<vmem>> -> memref<128x128xf32, #tpu.memory_space<vmem>>
      %dma_wait3A_118 = arith.constant 0 : i32
      %dma_wait3A_119 = tpu.memref_slice %arg7[%scan3A_105, %dma_wait3A_118] : memref<40x128xi32, #tpu.memory_space<vmem>> -> memref<1x128xi32, #tpu.memory_space<vmem>>
      %dma_wait3A_120 = tpu.memref_squeeze %dma_wait3A_119 : memref<1x128xi32, #tpu.memory_space<vmem>> -> memref<128xi32, #tpu.memory_space<vmem>>
      %dma_wait3A_121 = arith.constant 0 : i32
      %dma_wait3A_122 = arith.constant 0 : i32
      %dma_wait3A_123 = tpu.memref_slice %arg2[%dma_wait3A_121, %dma_wait3A_122] : memref<20480x128xf32, #tpu.memory_space<hbm>> -> memref<20480x128xf32, #tpu.memory_space<hbm>>
      %dma_wait3A_124 = tpu.memref_slice %arg11[%select_n3A_113] : memref<2x!tpu.dma_semaphore, #tpu.memory_space<semaphore_mem>> -> memref<1x!tpu.dma_semaphore, #tpu.memory_space<semaphore_mem>>
      %dma_wait3A_125 = tpu.memref_squeeze %dma_wait3A_124 : memref<1x!tpu.dma_semaphore, #tpu.memory_space<semaphore_mem>> -> memref<!tpu.dma_semaphore, #tpu.memory_space<semaphore_mem>>
      tpu.wait_indirect_dma semaphore(%dma_wait3A_125 : memref<!tpu.dma_semaphore, #tpu.memory_space<semaphore_mem>>) src(%dma_wait3A_123 : memref<20480x128xf32, #tpu.memory_space<hbm>>) dst(%dma_wait3A_117 : memref<128x128xf32, #tpu.memory_space<vmem>>)
      %dma_start3A_126 = arith.constant 0 : i32
      %dma_start3A_127 = arith.constant 0 : i32
      %dma_start3A_128 = tpu.memref_slice %arg9[%select_n3A_113, %dma_start3A_126, %dma_start3A_127] : memref<2x128x128xf32, #tpu.memory_space<vmem>> -> memref<1x128x128xf32, #tpu.memory_space<vmem>>
      %dma_start3A_129 = tpu.memref_squeeze %dma_start3A_128 : memref<1x128x128xf32, #tpu.memory_space<vmem>> -> memref<128x128xf32, #tpu.memory_space<vmem>>
      %dma_start3A_130 = arith.constant 0 : i32
      %dma_start3A_131 = tpu.memref_slice %arg8[%scan3A_105, %dma_start3A_130] : memref<40x128xi32, #tpu.memory_space<vmem>> -> memref<1x128xi32, #tpu.memory_space<vmem>>
      %dma_start3A_132 = tpu.memref_squeeze %dma_start3A_131 : memref<1x128xi32, #tpu.memory_space<vmem>> -> memref<128xi32, #tpu.memory_space<vmem>>
      %dma_start3A_133 = arith.constant 0 : i32
      %dma_start3A_134 = arith.constant 0 : i32
      %dma_start3A_135 = tpu.memref_slice %arg10[%dma_start3A_133, %dma_start3A_134] : memref<10240x128xf32, #tpu.memory_space<vmem_shared>> -> memref<10240x128xf32, #tpu.memory_space<vmem_shared>>
      %dma_start3A_136 = tpu.memref_slice %arg12[%select_n3A_113] : memref<2x!tpu.dma_semaphore, #tpu.memory_space<semaphore_mem>> -> memref<1x!tpu.dma_semaphore, #tpu.memory_space<semaphore_mem>>
      %dma_start3A_137 = tpu.memref_squeeze %dma_start3A_136 : memref<1x!tpu.dma_semaphore, #tpu.memory_space<semaphore_mem>> -> memref<!tpu.dma_semaphore, #tpu.memory_space<semaphore_mem>>
      tpu.enqueue_indirect_dma source(%dma_start3A_129 : memref<128x128xf32, #tpu.memory_space<vmem>>) target(%dma_start3A_135 : memref<10240x128xf32, #tpu.memory_space<vmem_shared>>) offsets(%dma_start3A_132 : memref<128xi32, #tpu.memory_space<vmem>>) semaphore(%dma_start3A_137 : memref<!tpu.dma_semaphore, #tpu.memory_space<semaphore_mem>>) {add = true}
      %add3A_138 = arith.constant 2 : i32
      %add3A_139 = arith.addi %scan3A_105, %add3A_138 : i32
      %sub3A = arith.constant 1 : i32
      %sub3A_140 = arith.subi %add3A_139, %sub3A : i32
      %lt3A_141 = arith.constant 40 : i32
      %lt3A_142 = arith.cmpi slt, %sub3A_140, %lt3A_141 : i32
      %convert_element_type3A = arith.extui %lt3A_142 : i1 to i32
      %cond3A = arith.constant 0 : i32
      %cond3A_143 = arith.cmpi ne, %convert_element_type3A, %cond3A : i32
      scf.if %cond3A_143 {
        %add3A_144 = arith.constant 2 : i32
        %add3A_145 = arith.addi %scan3A_105, %add3A_144 : i32
        %sub3A_146 = arith.constant 1 : i32
        %sub3A_147 = arith.subi %add3A_145, %sub3A_146 : i32
        %jit3A_148 = arith.constant 2 : i32
        %eq3A_149 = arith.constant 0 : i32
        %eq3A_150 = arith.cmpi eq, %jit3A_148, %eq3A_149 : i32
        %jit3A_151 = arith.constant 1 : i32
        %select_n3A_152 = arith.select %eq3A_150, %jit3A_151, %jit3A_148 : i32
        %rem3A_153 = arith.remsi %sub3A_147, %select_n3A_152 : i32
        %ne3A_154 = arith.constant 0 : i32
        %ne3A_155 = arith.cmpi ne, %rem3A_153, %ne3A_154 : i32
        %lt3A_156 = arith.constant 0 : i32
        %lt3A_157 = arith.cmpi slt, %rem3A_153, %lt3A_156 : i32
        %lt3A_158 = arith.constant 0 : i32
        %lt3A_159 = arith.cmpi slt, %select_n3A_152, %lt3A_158 : i32
        %ne3A_160 = arith.xori %lt3A_157, %lt3A_159 : i1
        %and3A_161 = arith.andi %ne3A_160, %ne3A_155 : i1
        %add3A_162 = arith.addi %rem3A_153, %select_n3A_152 : i32
        %select_n3A_163 = arith.select %and3A_161, %add3A_162, %rem3A_153 : i32
        %ge3A = arith.constant 1 : i32
        %ge3A_164 = arith.cmpi sge, %scan3A_105, %ge3A : i32
        %convert_element_type3A_165 = arith.extui %ge3A_164 : i1 to i32
        %cond3A_166 = arith.constant 0 : i32
        %cond3A_167 = arith.cmpi ne, %convert_element_type3A_165, %cond3A_166 : i32
        scf.if %cond3A_167 {
          %sub3A_184 = arith.constant 1 : i32
          %sub3A_185 = arith.subi %scan3A_105, %sub3A_184 : i32
          %dma_wait3A_186 = arith.constant 0 : i32
          %dma_wait3A_187 = arith.constant 0 : i32
          %dma_wait3A_188 = tpu.memref_slice %arg9[%select_n3A_163, %dma_wait3A_186, %dma_wait3A_187] : memref<2x128x128xf32, #tpu.memory_space<vmem>> -> memref<1x128x128xf32, #tpu.memory_space<vmem>>
          %dma_wait3A_189 = tpu.memref_squeeze %dma_wait3A_188 : memref<1x128x128xf32, #tpu.memory_space<vmem>> -> memref<128x128xf32, #tpu.memory_space<vmem>>
          %dma_wait3A_190 = arith.constant 0 : i32
          %dma_wait3A_191 = tpu.memref_slice %arg8[%sub3A_185, %dma_wait3A_190] : memref<40x128xi32, #tpu.memory_space<vmem>> -> memref<1x128xi32, #tpu.memory_space<vmem>>
          %dma_wait3A_192 = tpu.memref_squeeze %dma_wait3A_191 : memref<1x128xi32, #tpu.memory_space<vmem>> -> memref<128xi32, #tpu.memory_space<vmem>>
          %dma_wait3A_193 = arith.constant 0 : i32
          %dma_wait3A_194 = arith.constant 0 : i32
          %dma_wait3A_195 = tpu.memref_slice %arg10[%dma_wait3A_193, %dma_wait3A_194] : memref<10240x128xf32, #tpu.memory_space<vmem_shared>> -> memref<10240x128xf32, #tpu.memory_space<vmem_shared>>
          %dma_wait3A_196 = tpu.memref_slice %arg12[%select_n3A_163] : memref<2x!tpu.dma_semaphore, #tpu.memory_space<semaphore_mem>> -> memref<1x!tpu.dma_semaphore, #tpu.memory_space<semaphore_mem>>
          %dma_wait3A_197 = tpu.memref_squeeze %dma_wait3A_196 : memref<1x!tpu.dma_semaphore, #tpu.memory_space<semaphore_mem>> -> memref<!tpu.dma_semaphore, #tpu.memory_space<semaphore_mem>>
          tpu.wait_indirect_dma semaphore(%dma_wait3A_197 : memref<!tpu.dma_semaphore, #tpu.memory_space<semaphore_mem>>) src(%dma_wait3A_189 : memref<128x128xf32, #tpu.memory_space<vmem>>) dst(%dma_wait3A_195 : memref<10240x128xf32, #tpu.memory_space<vmem_shared>>)
        } else {
        }
        %add3A_168 = arith.constant 2 : i32
        %add3A_169 = arith.addi %scan3A_105, %add3A_168 : i32
        %sub3A_170 = arith.constant 1 : i32
        %sub3A_171 = arith.subi %add3A_169, %sub3A_170 : i32
        %dma_start3A_172 = arith.constant 0 : i32
        %dma_start3A_173 = arith.constant 0 : i32
        %dma_start3A_174 = tpu.memref_slice %arg9[%select_n3A_163, %dma_start3A_172, %dma_start3A_173] : memref<2x128x128xf32, #tpu.memory_space<vmem>> -> memref<1x128x128xf32, #tpu.memory_space<vmem>>
        %dma_start3A_175 = tpu.memref_squeeze %dma_start3A_174 : memref<1x128x128xf32, #tpu.memory_space<vmem>> -> memref<128x128xf32, #tpu.memory_space<vmem>>
        %dma_start3A_176 = arith.constant 0 : i32
        %dma_start3A_177 = tpu.memref_slice %arg7[%sub3A_171, %dma_start3A_176] : memref<40x128xi32, #tpu.memory_space<vmem>> -> memref<1x128xi32, #tpu.memory_space<vmem>>
        %dma_start3A_178 = tpu.memref_squeeze %dma_start3A_177 : memref<1x128xi32, #tpu.memory_space<vmem>> -> memref<128xi32, #tpu.memory_space<vmem>>
        %dma_start3A_179 = arith.constant 0 : i32
        %dma_start3A_180 = arith.constant 0 : i32
        %dma_start3A_181 = tpu.memref_slice %arg2[%dma_start3A_179, %dma_start3A_180] : memref<20480x128xf32, #tpu.memory_space<hbm>> -> memref<20480x128xf32, #tpu.memory_space<hbm>>
        %dma_start3A_182 = tpu.memref_slice %arg11[%select_n3A_163] : memref<2x!tpu.dma_semaphore, #tpu.memory_space<semaphore_mem>> -> memref<1x!tpu.dma_semaphore, #tpu.memory_space<semaphore_mem>>
        %dma_start3A_183 = tpu.memref_squeeze %dma_start3A_182 : memref<1x!tpu.dma_semaphore, #tpu.memory_space<semaphore_mem>> -> memref<!tpu.dma_semaphore, #tpu.memory_space<semaphore_mem>>
        tpu.enqueue_indirect_dma source(%dma_start3A_181 : memref<20480x128xf32, #tpu.memory_space<hbm>>) target(%dma_start3A_175 : memref<128x128xf32, #tpu.memory_space<vmem>>) offsets(%dma_start3A_178 : memref<128xi32, #tpu.memory_space<vmem>>) semaphore(%dma_start3A_183 : memref<!tpu.dma_semaphore, #tpu.memory_space<semaphore_mem>>)
      } else {
      }
    }
    %scan3A_19 = arith.constant 40 : i32
    %dma_wait3A = arith.constant 0 : i32
    %dma_wait3A_20 = arith.constant 38 : i32
    %dma_wait3A_21 = arith.constant 0 : i32
    %dma_wait3A_22 = arith.constant 0 : i32
    %dma_wait3A_23 = arith.constant 0 : i32
    %dma_wait3A_24 = tpu.memref_slice %arg9[%dma_wait3A, %dma_wait3A_22, %dma_wait3A_23] : memref<2x128x128xf32, #tpu.memory_space<vmem>> -> memref<1x128x128xf32, #tpu.memory_space<vmem>>
    %dma_wait3A_25 = tpu.memref_squeeze %dma_wait3A_24 : memref<1x128x128xf32, #tpu.memory_space<vmem>> -> memref<128x128xf32, #tpu.memory_space<vmem>>
    %dma_wait3A_26 = arith.constant 0 : i32
    %dma_wait3A_27 = tpu.memref_slice %arg8[%dma_wait3A_20, %dma_wait3A_26] : memref<40x128xi32, #tpu.memory_space<vmem>> -> memref<1x128xi32, #tpu.memory_space<vmem>>
    %dma_wait3A_28 = tpu.memref_squeeze %dma_wait3A_27 : memref<1x128xi32, #tpu.memory_space<vmem>> -> memref<128xi32, #tpu.memory_space<vmem>>
    %dma_wait3A_29 = arith.constant 0 : i32
    %dma_wait3A_30 = arith.constant 0 : i32
    %dma_wait3A_31 = tpu.memref_slice %arg10[%dma_wait3A_29, %dma_wait3A_30] : memref<10240x128xf32, #tpu.memory_space<vmem_shared>> -> memref<10240x128xf32, #tpu.memory_space<vmem_shared>>
    %dma_wait3A_32 = tpu.memref_slice %arg12[%dma_wait3A_21] : memref<2x!tpu.dma_semaphore, #tpu.memory_space<semaphore_mem>> -> memref<1x!tpu.dma_semaphore, #tpu.memory_space<semaphore_mem>>
    %dma_wait3A_33 = tpu.memref_squeeze %dma_wait3A_32 : memref<1x!tpu.dma_semaphore, #tpu.memory_space<semaphore_mem>> -> memref<!tpu.dma_semaphore, #tpu.memory_space<semaphore_mem>>
    tpu.wait_indirect_dma semaphore(%dma_wait3A_33 : memref<!tpu.dma_semaphore, #tpu.memory_space<semaphore_mem>>) src(%dma_wait3A_25 : memref<128x128xf32, #tpu.memory_space<vmem>>) dst(%dma_wait3A_31 : memref<10240x128xf32, #tpu.memory_space<vmem_shared>>)
    %dma_wait3A_34 = arith.constant 1 : i32
    %dma_wait3A_35 = arith.constant 39 : i32
    %dma_wait3A_36 = arith.constant 1 : i32
    %dma_wait3A_37 = arith.constant 0 : i32
    %dma_wait3A_38 = arith.constant 0 : i32
    %dma_wait3A_39 = tpu.memref_slice %arg9[%dma_wait3A_34, %dma_wait3A_37, %dma_wait3A_38] : memref<2x128x128xf32, #tpu.memory_space<vmem>> -> memref<1x128x128xf32, #tpu.memory_space<vmem>>
    %dma_wait3A_40 = tpu.memref_squeeze %dma_wait3A_39 : memref<1x128x128xf32, #tpu.memory_space<vmem>> -> memref<128x128xf32, #tpu.memory_space<vmem>>
    %dma_wait3A_41 = arith.constant 0 : i32
    %dma_wait3A_42 = tpu.memref_slice %arg8[%dma_wait3A_35, %dma_wait3A_41] : memref<40x128xi32, #tpu.memory_space<vmem>> -> memref<1x128xi32, #tpu.memory_space<vmem>>
    %dma_wait3A_43 = tpu.memref_squeeze %dma_wait3A_42 : memref<1x128xi32, #tpu.memory_space<vmem>> -> memref<128xi32, #tpu.memory_space<vmem>>
    %dma_wait3A_44 = arith.constant 0 : i32
    %dma_wait3A_45 = arith.constant 0 : i32
    %dma_wait3A_46 = tpu.memref_slice %arg10[%dma_wait3A_44, %dma_wait3A_45] : memref<10240x128xf32, #tpu.memory_space<vmem_shared>> -> memref<10240x128xf32, #tpu.memory_space<vmem_shared>>
    %dma_wait3A_47 = tpu.memref_slice %arg12[%dma_wait3A_36] : memref<2x!tpu.dma_semaphore, #tpu.memory_space<semaphore_mem>> -> memref<1x!tpu.dma_semaphore, #tpu.memory_space<semaphore_mem>>
    %dma_wait3A_48 = tpu.memref_squeeze %dma_wait3A_47 : memref<1x!tpu.dma_semaphore, #tpu.memory_space<semaphore_mem>> -> memref<!tpu.dma_semaphore, #tpu.memory_space<semaphore_mem>>
    tpu.wait_indirect_dma semaphore(%dma_wait3A_48 : memref<!tpu.dma_semaphore, #tpu.memory_space<semaphore_mem>>) src(%dma_wait3A_40 : memref<128x128xf32, #tpu.memory_space<vmem>>) dst(%dma_wait3A_46 : memref<10240x128xf32, #tpu.memory_space<vmem_shared>>)
    "tpu.region"() ({
      %run_scoped3A = tpu.sem_alloc : memref<!tpu.dma_semaphore, #tpu.memory_space<semaphore_mem>>
      %dma_start3A_105 = arith.constant 40 : i32
      %dma_start3A_106 = arith.constant 0 : i32
      %dma_start3A_107 = tpu.memref_slice %arg3[%arg0, %arg1, %dma_start3A_105, %dma_start3A_106] : memref<2x16x80x128xi32, #tpu.memory_space<hbm>> -> memref<1x1x40x128xi32, #tpu.memory_space<hbm>>
      %dma_start3A_108 = tpu.memref_squeeze %dma_start3A_107 : memref<1x1x40x128xi32, #tpu.memory_space<hbm>> -> memref<40x128xi32, #tpu.memory_space<hbm>>
      %dma_start3A_109 = arith.constant 40 : i32
      %dma_start3A_110 = arith.constant 0 : i32
      %dma_start3A_111 = tpu.memref_slice %arg3[%arg0, %arg1, %dma_start3A_109, %dma_start3A_110] : memref<2x16x80x128xi32, #tpu.memory_space<hbm>> -> memref<1x1x40x128xi32, #tpu.memory_space<hbm>>
      %dma_start3A_112 = tpu.memref_squeeze %dma_start3A_111 : memref<1x1x40x128xi32, #tpu.memory_space<hbm>> -> memref<40x128xi32, #tpu.memory_space<hbm>>
      tpu.enqueue_dma source(%dma_start3A_112 : memref<40x128xi32, #tpu.memory_space<hbm>>) target(%arg7 : memref<40x128xi32, #tpu.memory_space<vmem>>) target_semaphore(%run_scoped3A : memref<!tpu.dma_semaphore, #tpu.memory_space<semaphore_mem>>)
      %dma_wait3A_113 = arith.constant 40 : i32
      %dma_wait3A_114 = arith.constant 0 : i32
      %dma_wait3A_115 = tpu.memref_slice %arg3[%arg0, %arg1, %dma_wait3A_113, %dma_wait3A_114] : memref<2x16x80x128xi32, #tpu.memory_space<hbm>> -> memref<1x1x40x128xi32, #tpu.memory_space<hbm>>
      %dma_wait3A_116 = tpu.memref_squeeze %dma_wait3A_115 : memref<1x1x40x128xi32, #tpu.memory_space<hbm>> -> memref<40x128xi32, #tpu.memory_space<hbm>>
      %dma_wait3A_117 = arith.constant 40 : i32
      %dma_wait3A_118 = arith.constant 0 : i32
      %dma_wait3A_119 = tpu.memref_slice %arg3[%arg0, %arg1, %dma_wait3A_117, %dma_wait3A_118] : memref<2x16x80x128xi32, #tpu.memory_space<hbm>> -> memref<1x1x40x128xi32, #tpu.memory_space<hbm>>
      %dma_wait3A_120 = tpu.memref_squeeze %dma_wait3A_119 : memref<1x1x40x128xi32, #tpu.memory_space<hbm>> -> memref<40x128xi32, #tpu.memory_space<hbm>>
      tpu.wait_dma2 semaphore(%run_scoped3A : memref<!tpu.dma_semaphore, #tpu.memory_space<semaphore_mem>>) src(%dma_wait3A_120 : memref<40x128xi32, #tpu.memory_space<hbm>>) dst(%arg7 : memref<40x128xi32, #tpu.memory_space<vmem>>)
      tpu.yield
    }) : () -> ()
    "tpu.region"() ({
      %run_scoped3A = tpu.sem_alloc : memref<!tpu.dma_semaphore, #tpu.memory_space<semaphore_mem>>
      %dma_start3A_105 = arith.constant 40 : i32
      %dma_start3A_106 = arith.constant 0 : i32
      %dma_start3A_107 = tpu.memref_slice %arg4[%arg1, %dma_start3A_105, %dma_start3A_106] : memref<16x80x128xi32, #tpu.memory_space<hbm>> -> memref<1x40x128xi32, #tpu.memory_space<hbm>>
      %dma_start3A_108 = tpu.memref_squeeze %dma_start3A_107 : memref<1x40x128xi32, #tpu.memory_space<hbm>> -> memref<40x128xi32, #tpu.memory_space<hbm>>
      %dma_start3A_109 = arith.constant 40 : i32
      %dma_start3A_110 = arith.constant 0 : i32
      %dma_start3A_111 = tpu.memref_slice %arg4[%arg1, %dma_start3A_109, %dma_start3A_110] : memref<16x80x128xi32, #tpu.memory_space<hbm>> -> memref<1x40x128xi32, #tpu.memory_space<hbm>>
      %dma_start3A_112 = tpu.memref_squeeze %dma_start3A_111 : memref<1x40x128xi32, #tpu.memory_space<hbm>> -> memref<40x128xi32, #tpu.memory_space<hbm>>
      tpu.enqueue_dma source(%dma_start3A_112 : memref<40x128xi32, #tpu.memory_space<hbm>>) target(%arg8 : memref<40x128xi32, #tpu.memory_space<vmem>>) target_semaphore(%run_scoped3A : memref<!tpu.dma_semaphore, #tpu.memory_space<semaphore_mem>>)
      %dma_wait3A_113 = arith.constant 40 : i32
      %dma_wait3A_114 = arith.constant 0 : i32
      %dma_wait3A_115 = tpu.memref_slice %arg4[%arg1, %dma_wait3A_113, %dma_wait3A_114] : memref<16x80x128xi32, #tpu.memory_space<hbm>> -> memref<1x40x128xi32, #tpu.memory_space<hbm>>
      %dma_wait3A_116 = tpu.memref_squeeze %dma_wait3A_115 : memref<1x40x128xi32, #tpu.memory_space<hbm>> -> memref<40x128xi32, #tpu.memory_space<hbm>>
      %dma_wait3A_117 = arith.constant 40 : i32
      %dma_wait3A_118 = arith.constant 0 : i32
      %dma_wait3A_119 = tpu.memref_slice %arg4[%arg1, %dma_wait3A_117, %dma_wait3A_118] : memref<16x80x128xi32, #tpu.memory_space<hbm>> -> memref<1x40x128xi32, #tpu.memory_space<hbm>>
      %dma_wait3A_120 = tpu.memref_squeeze %dma_wait3A_119 : memref<1x40x128xi32, #tpu.memory_space<hbm>> -> memref<40x128xi32, #tpu.memory_space<hbm>>
      tpu.wait_dma2 semaphore(%run_scoped3A : memref<!tpu.dma_semaphore, #tpu.memory_space<semaphore_mem>>) src(%dma_wait3A_120 : memref<40x128xi32, #tpu.memory_space<hbm>>) dst(%arg8 : memref<40x128xi32, #tpu.memory_space<vmem>>)
      tpu.yield
    }) : () -> ()
    %dma_start3A_49 = arith.constant 0 : i32
    %dma_start3A_50 = arith.constant 0 : i32
    %dma_start3A_51 = arith.constant 0 : i32
    %dma_start3A_52 = arith.constant 0 : i32
    %dma_start3A_53 = arith.constant 0 : i32
    %dma_start3A_54 = tpu.memref_slice %arg9[%dma_start3A_50, %dma_start3A_52, %dma_start3A_53] : memref<2x128x128xf32, #tpu.memory_space<vmem>> -> memref<1x128x128xf32, #tpu.memory_space<vmem>>
    %dma_start3A_55 = tpu.memref_squeeze %dma_start3A_54 : memref<1x128x128xf32, #tpu.memory_space<vmem>> -> memref<128x128xf32, #tpu.memory_space<vmem>>
    %dma_start3A_56 = arith.constant 0 : i32
    %dma_start3A_57 = tpu.memref_slice %arg7[%dma_start3A_49, %dma_start3A_56] : memref<40x128xi32, #tpu.memory_space<vmem>> -> memref<1x128xi32, #tpu.memory_space<vmem>>
    %dma_start3A_58 = tpu.memref_squeeze %dma_start3A_57 : memref<1x128xi32, #tpu.memory_space<vmem>> -> memref<128xi32, #tpu.memory_space<vmem>>
    %dma_start3A_59 = arith.constant 0 : i32
    %dma_start3A_60 = arith.constant 0 : i32
    %dma_start3A_61 = tpu.memref_slice %arg2[%dma_start3A_59, %dma_start3A_60] : memref<20480x128xf32, #tpu.memory_space<hbm>> -> memref<20480x128xf32, #tpu.memory_space<hbm>>
    %dma_start3A_62 = tpu.memref_slice %arg11[%dma_start3A_51] : memref<2x!tpu.dma_semaphore, #tpu.memory_space<semaphore_mem>> -> memref<1x!tpu.dma_semaphore, #tpu.memory_space<semaphore_mem>>
    %dma_start3A_63 = tpu.memref_squeeze %dma_start3A_62 : memref<1x!tpu.dma_semaphore, #tpu.memory_space<semaphore_mem>> -> memref<!tpu.dma_semaphore, #tpu.memory_space<semaphore_mem>>
    tpu.enqueue_indirect_dma source(%dma_start3A_61 : memref<20480x128xf32, #tpu.memory_space<hbm>>) target(%dma_start3A_55 : memref<128x128xf32, #tpu.memory_space<vmem>>) offsets(%dma_start3A_58 : memref<128xi32, #tpu.memory_space<vmem>>) semaphore(%dma_start3A_63 : memref<!tpu.dma_semaphore, #tpu.memory_space<semaphore_mem>>)
    %scan3A_64 = arith.constant 0 : i32
    %scan3A_65 = arith.constant 0 : i32
    %scan3A_66 = arith.constant 40 : i32
    %scan3A_67 = arith.addi %scan3A_65, %scan3A_66 : i32
    %scan3A_68 = arith.constant 1 : i32
    scf.for %scan3A_105 = %scan3A_65 to %scan3A_67 step %scan3A_68  : i32 {
      %jit3A = arith.constant 2 : i32
      %eq3A = arith.constant 0 : i32
      %eq3A_106 = arith.cmpi eq, %jit3A, %eq3A : i32
      %jit3A_107 = arith.constant 1 : i32
      %select_n3A = arith.select %eq3A_106, %jit3A_107, %jit3A : i32
      %rem3A = arith.remsi %scan3A_105, %select_n3A : i32
      %ne3A = arith.constant 0 : i32
      %ne3A_108 = arith.cmpi ne, %rem3A, %ne3A : i32
      %lt3A = arith.constant 0 : i32
      %lt3A_109 = arith.cmpi slt, %rem3A, %lt3A : i32
      %lt3A_110 = arith.constant 0 : i32
      %lt3A_111 = arith.cmpi slt, %select_n3A, %lt3A_110 : i32
      %ne3A_112 = arith.xori %lt3A_109, %lt3A_111 : i1
      %and3A = arith.andi %ne3A_112, %ne3A_108 : i1
      %add3A = arith.addi %rem3A, %select_n3A : i32
      %select_n3A_113 = arith.select %and3A, %add3A, %rem3A : i32
      %dma_wait3A_114 = arith.constant 0 : i32
      %dma_wait3A_115 = arith.constant 0 : i32
      %dma_wait3A_116 = tpu.memref_slice %arg9[%select_n3A_113, %dma_wait3A_114, %dma_wait3A_115] : memref<2x128x128xf32, #tpu.memory_space<vmem>> -> memref<1x128x128xf32, #tpu.memory_space<vmem>>
      %dma_wait3A_117 = tpu.memref_squeeze %dma_wait3A_116 : memref<1x128x128xf32, #tpu.memory_space<vmem>> -> memref<128x128xf32, #tpu.memory_space<vmem>>
      %dma_wait3A_118 = arith.constant 0 : i32
      %dma_wait3A_119 = tpu.memref_slice %arg7[%scan3A_105, %dma_wait3A_118] : memref<40x128xi32, #tpu.memory_space<vmem>> -> memref<1x128xi32, #tpu.memory_space<vmem>>
      %dma_wait3A_120 = tpu.memref_squeeze %dma_wait3A_119 : memref<1x128xi32, #tpu.memory_space<vmem>> -> memref<128xi32, #tpu.memory_space<vmem>>
      %dma_wait3A_121 = arith.constant 0 : i32
      %dma_wait3A_122 = arith.constant 0 : i32
      %dma_wait3A_123 = tpu.memref_slice %arg2[%dma_wait3A_121, %dma_wait3A_122] : memref<20480x128xf32, #tpu.memory_space<hbm>> -> memref<20480x128xf32, #tpu.memory_space<hbm>>
      %dma_wait3A_124 = tpu.memref_slice %arg11[%select_n3A_113] : memref<2x!tpu.dma_semaphore, #tpu.memory_space<semaphore_mem>> -> memref<1x!tpu.dma_semaphore, #tpu.memory_space<semaphore_mem>>
      %dma_wait3A_125 = tpu.memref_squeeze %dma_wait3A_124 : memref<1x!tpu.dma_semaphore, #tpu.memory_space<semaphore_mem>> -> memref<!tpu.dma_semaphore, #tpu.memory_space<semaphore_mem>>
      tpu.wait_indirect_dma semaphore(%dma_wait3A_125 : memref<!tpu.dma_semaphore, #tpu.memory_space<semaphore_mem>>) src(%dma_wait3A_123 : memref<20480x128xf32, #tpu.memory_space<hbm>>) dst(%dma_wait3A_117 : memref<128x128xf32, #tpu.memory_space<vmem>>)
      %dma_start3A_126 = arith.constant 0 : i32
      %dma_start3A_127 = arith.constant 0 : i32
      %dma_start3A_128 = tpu.memref_slice %arg9[%select_n3A_113, %dma_start3A_126, %dma_start3A_127] : memref<2x128x128xf32, #tpu.memory_space<vmem>> -> memref<1x128x128xf32, #tpu.memory_space<vmem>>
      %dma_start3A_129 = tpu.memref_squeeze %dma_start3A_128 : memref<1x128x128xf32, #tpu.memory_space<vmem>> -> memref<128x128xf32, #tpu.memory_space<vmem>>
      %dma_start3A_130 = arith.constant 0 : i32
      %dma_start3A_131 = tpu.memref_slice %arg8[%scan3A_105, %dma_start3A_130] : memref<40x128xi32, #tpu.memory_space<vmem>> -> memref<1x128xi32, #tpu.memory_space<vmem>>
      %dma_start3A_132 = tpu.memref_squeeze %dma_start3A_131 : memref<1x128xi32, #tpu.memory_space<vmem>> -> memref<128xi32, #tpu.memory_space<vmem>>
      %dma_start3A_133 = arith.constant 0 : i32
      %dma_start3A_134 = arith.constant 0 : i32
      %dma_start3A_135 = tpu.memref_slice %arg10[%dma_start3A_133, %dma_start3A_134] : memref<10240x128xf32, #tpu.memory_space<vmem_shared>> -> memref<10240x128xf32, #tpu.memory_space<vmem_shared>>
      %dma_start3A_136 = tpu.memref_slice %arg12[%select_n3A_113] : memref<2x!tpu.dma_semaphore, #tpu.memory_space<semaphore_mem>> -> memref<1x!tpu.dma_semaphore, #tpu.memory_space<semaphore_mem>>
      %dma_start3A_137 = tpu.memref_squeeze %dma_start3A_136 : memref<1x!tpu.dma_semaphore, #tpu.memory_space<semaphore_mem>> -> memref<!tpu.dma_semaphore, #tpu.memory_space<semaphore_mem>>
      tpu.enqueue_indirect_dma source(%dma_start3A_129 : memref<128x128xf32, #tpu.memory_space<vmem>>) target(%dma_start3A_135 : memref<10240x128xf32, #tpu.memory_space<vmem_shared>>) offsets(%dma_start3A_132 : memref<128xi32, #tpu.memory_space<vmem>>) semaphore(%dma_start3A_137 : memref<!tpu.dma_semaphore, #tpu.memory_space<semaphore_mem>>) {add = true}
      %add3A_138 = arith.constant 2 : i32
      %add3A_139 = arith.addi %scan3A_105, %add3A_138 : i32
      %sub3A = arith.constant 1 : i32
      %sub3A_140 = arith.subi %add3A_139, %sub3A : i32
      %lt3A_141 = arith.constant 40 : i32
      %lt3A_142 = arith.cmpi slt, %sub3A_140, %lt3A_141 : i32
      %convert_element_type3A = arith.extui %lt3A_142 : i1 to i32
      %cond3A = arith.constant 0 : i32
      %cond3A_143 = arith.cmpi ne, %convert_element_type3A, %cond3A : i32
      scf.if %cond3A_143 {
        %add3A_144 = arith.constant 2 : i32
        %add3A_145 = arith.addi %scan3A_105, %add3A_144 : i32
        %sub3A_146 = arith.constant 1 : i32
        %sub3A_147 = arith.subi %add3A_145, %sub3A_146 : i32
        %jit3A_148 = arith.constant 2 : i32
        %eq3A_149 = arith.constant 0 : i32
        %eq3A_150 = arith.cmpi eq, %jit3A_148, %eq3A_149 : i32
        %jit3A_151 = arith.constant 1 : i32
        %select_n3A_152 = arith.select %eq3A_150, %jit3A_151, %jit3A_148 : i32
        %rem3A_153 = arith.remsi %sub3A_147, %select_n3A_152 : i32
        %ne3A_154 = arith.constant 0 : i32
        %ne3A_155 = arith.cmpi ne, %rem3A_153, %ne3A_154 : i32
        %lt3A_156 = arith.constant 0 : i32
        %lt3A_157 = arith.cmpi slt, %rem3A_153, %lt3A_156 : i32
        %lt3A_158 = arith.constant 0 : i32
        %lt3A_159 = arith.cmpi slt, %select_n3A_152, %lt3A_158 : i32
        %ne3A_160 = arith.xori %lt3A_157, %lt3A_159 : i1
        %and3A_161 = arith.andi %ne3A_160, %ne3A_155 : i1
        %add3A_162 = arith.addi %rem3A_153, %select_n3A_152 : i32
        %select_n3A_163 = arith.select %and3A_161, %add3A_162, %rem3A_153 : i32
        %ge3A = arith.constant 1 : i32
        %ge3A_164 = arith.cmpi sge, %scan3A_105, %ge3A : i32
        %convert_element_type3A_165 = arith.extui %ge3A_164 : i1 to i32
        %cond3A_166 = arith.constant 0 : i32
        %cond3A_167 = arith.cmpi ne, %convert_element_type3A_165, %cond3A_166 : i32
        scf.if %cond3A_167 {
          %sub3A_184 = arith.constant 1 : i32
          %sub3A_185 = arith.subi %scan3A_105, %sub3A_184 : i32
          %dma_wait3A_186 = arith.constant 0 : i32
          %dma_wait3A_187 = arith.constant 0 : i32
          %dma_wait3A_188 = tpu.memref_slice %arg9[%select_n3A_163, %dma_wait3A_186, %dma_wait3A_187] : memref<2x128x128xf32, #tpu.memory_space<vmem>> -> memref<1x128x128xf32, #tpu.memory_space<vmem>>
          %dma_wait3A_189 = tpu.memref_squeeze %dma_wait3A_188 : memref<1x128x128xf32, #tpu.memory_space<vmem>> -> memref<128x128xf32, #tpu.memory_space<vmem>>
          %dma_wait3A_190 = arith.constant 0 : i32
          %dma_wait3A_191 = tpu.memref_slice %arg8[%sub3A_185, %dma_wait3A_190] : memref<40x128xi32, #tpu.memory_space<vmem>> -> memref<1x128xi32, #tpu.memory_space<vmem>>
          %dma_wait3A_192 = tpu.memref_squeeze %dma_wait3A_191 : memref<1x128xi32, #tpu.memory_space<vmem>> -> memref<128xi32, #tpu.memory_space<vmem>>
          %dma_wait3A_193 = arith.constant 0 : i32
          %dma_wait3A_194 = arith.constant 0 : i32
          %dma_wait3A_195 = tpu.memref_slice %arg10[%dma_wait3A_193, %dma_wait3A_194] : memref<10240x128xf32, #tpu.memory_space<vmem_shared>> -> memref<10240x128xf32, #tpu.memory_space<vmem_shared>>
          %dma_wait3A_196 = tpu.memref_slice %arg12[%select_n3A_163] : memref<2x!tpu.dma_semaphore, #tpu.memory_space<semaphore_mem>> -> memref<1x!tpu.dma_semaphore, #tpu.memory_space<semaphore_mem>>
          %dma_wait3A_197 = tpu.memref_squeeze %dma_wait3A_196 : memref<1x!tpu.dma_semaphore, #tpu.memory_space<semaphore_mem>> -> memref<!tpu.dma_semaphore, #tpu.memory_space<semaphore_mem>>
          tpu.wait_indirect_dma semaphore(%dma_wait3A_197 : memref<!tpu.dma_semaphore, #tpu.memory_space<semaphore_mem>>) src(%dma_wait3A_189 : memref<128x128xf32, #tpu.memory_space<vmem>>) dst(%dma_wait3A_195 : memref<10240x128xf32, #tpu.memory_space<vmem_shared>>)
        } else {
        }
        %add3A_168 = arith.constant 2 : i32
        %add3A_169 = arith.addi %scan3A_105, %add3A_168 : i32
        %sub3A_170 = arith.constant 1 : i32
        %sub3A_171 = arith.subi %add3A_169, %sub3A_170 : i32
        %dma_start3A_172 = arith.constant 0 : i32
        %dma_start3A_173 = arith.constant 0 : i32
        %dma_start3A_174 = tpu.memref_slice %arg9[%select_n3A_163, %dma_start3A_172, %dma_start3A_173] : memref<2x128x128xf32, #tpu.memory_space<vmem>> -> memref<1x128x128xf32, #tpu.memory_space<vmem>>
        %dma_start3A_175 = tpu.memref_squeeze %dma_start3A_174 : memref<1x128x128xf32, #tpu.memory_space<vmem>> -> memref<128x128xf32, #tpu.memory_space<vmem>>
        %dma_start3A_176 = arith.constant 0 : i32
        %dma_start3A_177 = tpu.memref_slice %arg7[%sub3A_171, %dma_start3A_176] : memref<40x128xi32, #tpu.memory_space<vmem>> -> memref<1x128xi32, #tpu.memory_space<vmem>>
        %dma_start3A_178 = tpu.memref_squeeze %dma_start3A_177 : memref<1x128xi32, #tpu.memory_space<vmem>> -> memref<128xi32, #tpu.memory_space<vmem>>
        %dma_start3A_179 = arith.constant 0 : i32
        %dma_start3A_180 = arith.constant 0 : i32
        %dma_start3A_181 = tpu.memref_slice %arg2[%dma_start3A_179, %dma_start3A_180] : memref<20480x128xf32, #tpu.memory_space<hbm>> -> memref<20480x128xf32, #tpu.memory_space<hbm>>
        %dma_start3A_182 = tpu.memref_slice %arg11[%select_n3A_163] : memref<2x!tpu.dma_semaphore, #tpu.memory_space<semaphore_mem>> -> memref<1x!tpu.dma_semaphore, #tpu.memory_space<semaphore_mem>>
        %dma_start3A_183 = tpu.memref_squeeze %dma_start3A_182 : memref<1x!tpu.dma_semaphore, #tpu.memory_space<semaphore_mem>> -> memref<!tpu.dma_semaphore, #tpu.memory_space<semaphore_mem>>
        tpu.enqueue_indirect_dma source(%dma_start3A_181 : memref<20480x128xf32, #tpu.memory_space<hbm>>) target(%dma_start3A_175 : memref<128x128xf32, #tpu.memory_space<vmem>>) offsets(%dma_start3A_178 : memref<128xi32, #tpu.memory_space<vmem>>) semaphore(%dma_start3A_183 : memref<!tpu.dma_semaphore, #tpu.memory_space<semaphore_mem>>)
      } else {
      }
    }
    %scan3A_69 = arith.constant 40 : i32
    %dma_wait3A_70 = arith.constant 0 : i32
    %dma_wait3A_71 = arith.constant 38 : i32
    %dma_wait3A_72 = arith.constant 0 : i32
    %dma_wait3A_73 = arith.constant 0 : i32
    %dma_wait3A_74 = arith.constant 0 : i32
    %dma_wait3A_75 = tpu.memref_slice %arg9[%dma_wait3A_70, %dma_wait3A_73, %dma_wait3A_74] : memref<2x128x128xf32, #tpu.memory_space<vmem>> -> memref<1x128x128xf32, #tpu.memory_space<vmem>>
    %dma_wait3A_76 = tpu.memref_squeeze %dma_wait3A_75 : memref<1x128x128xf32, #tpu.memory_space<vmem>> -> memref<128x128xf32, #tpu.memory_space<vmem>>
    %dma_wait3A_77 = arith.constant 0 : i32
    %dma_wait3A_78 = tpu.memref_slice %arg8[%dma_wait3A_71, %dma_wait3A_77] : memref<40x128xi32, #tpu.memory_space<vmem>> -> memref<1x128xi32, #tpu.memory_space<vmem>>
    %dma_wait3A_79 = tpu.memref_squeeze %dma_wait3A_78 : memref<1x128xi32, #tpu.memory_space<vmem>> -> memref<128xi32, #tpu.memory_space<vmem>>
    %dma_wait3A_80 = arith.constant 0 : i32
    %dma_wait3A_81 = arith.constant 0 : i32
    %dma_wait3A_82 = tpu.memref_slice %arg10[%dma_wait3A_80, %dma_wait3A_81] : memref<10240x128xf32, #tpu.memory_space<vmem_shared>> -> memref<10240x128xf32, #tpu.memory_space<vmem_shared>>
    %dma_wait3A_83 = tpu.memref_slice %arg12[%dma_wait3A_72] : memref<2x!tpu.dma_semaphore, #tpu.memory_space<semaphore_mem>> -> memref<1x!tpu.dma_semaphore, #tpu.memory_space<semaphore_mem>>
    %dma_wait3A_84 = tpu.memref_squeeze %dma_wait3A_83 : memref<1x!tpu.dma_semaphore, #tpu.memory_space<semaphore_mem>> -> memref<!tpu.dma_semaphore, #tpu.memory_space<semaphore_mem>>
    tpu.wait_indirect_dma semaphore(%dma_wait3A_84 : memref<!tpu.dma_semaphore, #tpu.memory_space<semaphore_mem>>) src(%dma_wait3A_76 : memref<128x128xf32, #tpu.memory_space<vmem>>) dst(%dma_wait3A_82 : memref<10240x128xf32, #tpu.memory_space<vmem_shared>>)
    %dma_wait3A_85 = arith.constant 1 : i32
    %dma_wait3A_86 = arith.constant 39 : i32
    %dma_wait3A_87 = arith.constant 1 : i32
    %dma_wait3A_88 = arith.constant 0 : i32
    %dma_wait3A_89 = arith.constant 0 : i32
    %dma_wait3A_90 = tpu.memref_slice %arg9[%dma_wait3A_85, %dma_wait3A_88, %dma_wait3A_89] : memref<2x128x128xf32, #tpu.memory_space<vmem>> -> memref<1x128x128xf32, #tpu.memory_space<vmem>>
    %dma_wait3A_91 = tpu.memref_squeeze %dma_wait3A_90 : memref<1x128x128xf32, #tpu.memory_space<vmem>> -> memref<128x128xf32, #tpu.memory_space<vmem>>
    %dma_wait3A_92 = arith.constant 0 : i32
    %dma_wait3A_93 = tpu.memref_slice %arg8[%dma_wait3A_86, %dma_wait3A_92] : memref<40x128xi32, #tpu.memory_space<vmem>> -> memref<1x128xi32, #tpu.memory_space<vmem>>
    %dma_wait3A_94 = tpu.memref_squeeze %dma_wait3A_93 : memref<1x128xi32, #tpu.memory_space<vmem>> -> memref<128xi32, #tpu.memory_space<vmem>>
    %dma_wait3A_95 = arith.constant 0 : i32
    %dma_wait3A_96 = arith.constant 0 : i32
    %dma_wait3A_97 = tpu.memref_slice %arg10[%dma_wait3A_95, %dma_wait3A_96] : memref<10240x128xf32, #tpu.memory_space<vmem_shared>> -> memref<10240x128xf32, #tpu.memory_space<vmem_shared>>
    %dma_wait3A_98 = tpu.memref_slice %arg12[%dma_wait3A_87] : memref<2x!tpu.dma_semaphore, #tpu.memory_space<semaphore_mem>> -> memref<1x!tpu.dma_semaphore, #tpu.memory_space<semaphore_mem>>
    %dma_wait3A_99 = tpu.memref_squeeze %dma_wait3A_98 : memref<1x!tpu.dma_semaphore, #tpu.memory_space<semaphore_mem>> -> memref<!tpu.dma_semaphore, #tpu.memory_space<semaphore_mem>>
    tpu.wait_indirect_dma semaphore(%dma_wait3A_99 : memref<!tpu.dma_semaphore, #tpu.memory_space<semaphore_mem>>) src(%dma_wait3A_91 : memref<128x128xf32, #tpu.memory_space<vmem>>) dst(%dma_wait3A_97 : memref<10240x128xf32, #tpu.memory_space<vmem_shared>>)
    %barrier3A_100 = arith.constant 0 : index
    tpu.barrier barrier_id(%barrier3A_100)
    %mul3A_101 = arith.constant 640 : i32
    %mul3A_102 = arith.muli %arg1, %mul3A_101 : i32
    %mul3A_103 = arith.constant 640 : i32
    %mul3A_104 = arith.muli %arg1, %mul3A_103 : i32
    "tpu.region"() ({
      %run_scoped3A = tpu.sem_alloc : memref<!tpu.dma_semaphore, #tpu.memory_space<semaphore_mem>>
      %dma_start3A_105 = arith.constant 0 : i32
      %dma_start3A_106 = tpu.memref_slice %arg6[%arg0, %mul3A_104, %dma_start3A_105] : memref<2x10240x128xf32, #tpu.memory_space<hbm>> -> memref<1x640x128xf32, #tpu.memory_space<hbm>>
      %dma_start3A_107 = tpu.memref_squeeze %dma_start3A_106 : memref<1x640x128xf32, #tpu.memory_space<hbm>> -> memref<640x128xf32, #tpu.memory_space<hbm>>
      %dma_start3A_108 = arith.constant 0 : i32
      %dma_start3A_109 = tpu.memref_slice %arg10[%mul3A_102, %dma_start3A_108] : memref<10240x128xf32, #tpu.memory_space<vmem_shared>> -> memref<640x128xf32, #tpu.memory_space<vmem_shared>>
      tpu.enqueue_dma source(%dma_start3A_109 : memref<640x128xf32, #tpu.memory_space<vmem_shared>>) target(%dma_start3A_107 : memref<640x128xf32, #tpu.memory_space<hbm>>) target_semaphore(%run_scoped3A : memref<!tpu.dma_semaphore, #tpu.memory_space<semaphore_mem>>)
      %dma_wait3A_110 = arith.constant 0 : i32
      %dma_wait3A_111 = tpu.memref_slice %arg6[%arg0, %mul3A_104, %dma_wait3A_110] : memref<2x10240x128xf32, #tpu.memory_space<hbm>> -> memref<1x640x128xf32, #tpu.memory_space<hbm>>
      %dma_wait3A_112 = tpu.memref_squeeze %dma_wait3A_111 : memref<1x640x128xf32, #tpu.memory_space<hbm>> -> memref<640x128xf32, #tpu.memory_space<hbm>>
      %dma_wait3A_113 = arith.constant 0 : i32
      %dma_wait3A_114 = tpu.memref_slice %arg10[%mul3A_102, %dma_wait3A_113] : memref<10240x128xf32, #tpu.memory_space<vmem_shared>> -> memref<640x128xf32, #tpu.memory_space<vmem_shared>>
      tpu.wait_dma2 semaphore(%run_scoped3A : memref<!tpu.dma_semaphore, #tpu.memory_space<semaphore_mem>>) src(%dma_wait3A_114 : memref<640x128xf32, #tpu.memory_space<vmem_shared>>) dst(%dma_wait3A_112 : memref<640x128xf32, #tpu.memory_space<hbm>>)
      tpu.yield
    }) : () -> ()
    return
  }
}

#map = affine_map<(d0, d1) -> (0, 0)>
#map1 = affine_map<(d0, d1) -> (0, 0, 0, 0)>
#map2 = affine_map<(d0, d1) -> (0, 0, 0)>
module attributes {stable_mosaic.version = 14 : i64} {
  func.func @_segsum_body(%arg0: i32, %arg1: i32, %arg2: memref<20480x128xf32, #tpu.memory_space<hbm>>, %arg3: memref<2x16x80x128xi32, #tpu.memory_space<hbm>>, %arg4: memref<16x80x128xi32, #tpu.memory_space<hbm>>, %arg5: memref<640x128xf32, #tpu.memory_space<hbm>>, %arg6: memref<2x10240x128xf32, #tpu.memory_space<hbm>>, %arg7: memref<40x128xi32, #tpu.memory_space<vmem>>, %arg8: memref<40x128xi32, #tpu.memory_space<vmem>>, %arg9: memref<2x128x128xf32, #tpu.memory_space<vmem>>, %arg10: memref<10240x128xf32, #tpu.memory_space<vmem_shared>>, %arg11: memref<2x!tpu.dma_semaphore, #tpu.memory_space<semaphore_mem>>, %arg12: memref<2x!tpu.dma_semaphore, #tpu.memory_space<semaphore_mem>>) attributes {dimension_semantics = [#tpu.dimension_semantics<core_parallel>, #tpu.dimension_semantics<subcore_parallel>], iteration_bounds = array<i64: 2, 16>, scalar_prefetch = 0 : i64, scratch_operands = 6 : i64, tpu.core_type = #tpu.core_type<sc_vector_subcore>, window_params = [{transform_indices = #map}, {transform_indices = #map1}, {transform_indices = #map2}, {transform_indices = #map}, {transform_indices = #map2}]} {
    %mul3A = arith.constant 640 : i32
    %mul3A_0 = arith.muli %arg1, %mul3A : i32
    "tpu.region"() ({
      %run_scoped3A = tpu.sem_alloc : memref<!tpu.dma_semaphore, #tpu.memory_space<semaphore_mem>>
      %dma_start3A_105 = arith.constant 0 : i32
      %dma_start3A_106 = tpu.memref_slice %arg10[%mul3A_0, %dma_start3A_105] : memref<10240x128xf32, #tpu.memory_space<vmem_shared>> -> memref<640x128xf32, #tpu.memory_space<vmem_shared>>
      tpu.enqueue_dma source(%arg5 : memref<640x128xf32, #tpu.memory_space<hbm>>) target(%dma_start3A_106 : memref<640x128xf32, #tpu.memory_space<vmem_shared>>) target_semaphore(%run_scoped3A : memref<!tpu.dma_semaphore, #tpu.memory_space<semaphore_mem>>)
      %dma_wait3A_107 = arith.constant 0 : i32
      %dma_wait3A_108 = tpu.memref_slice %arg10[%mul3A_0, %dma_wait3A_107] : memref<10240x128xf32, #tpu.memory_space<vmem_shared>> -> memref<640x128xf32, #tpu.memory_space<vmem_shared>>
      tpu.wait_dma2 semaphore(%run_scoped3A : memref<!tpu.dma_semaphore, #tpu.memory_space<semaphore_mem>>) src(%arg5 : memref<640x128xf32, #tpu.memory_space<hbm>>) dst(%dma_wait3A_108 : memref<640x128xf32, #tpu.memory_space<vmem_shared>>)
      tpu.yield
    }) : () -> ()
    %barrier3A = arith.constant 0 : index
    tpu.barrier barrier_id(%barrier3A)
    "tpu.region"() ({
      %run_scoped3A = tpu.sem_alloc : memref<!tpu.dma_semaphore, #tpu.memory_space<semaphore_mem>>
      %dma_start3A_105 = arith.constant 0 : i32
      %dma_start3A_106 = arith.constant 0 : i32
      %dma_start3A_107 = tpu.memref_slice %arg3[%arg0, %arg1, %dma_start3A_105, %dma_start3A_106] : memref<2x16x80x128xi32, #tpu.memory_space<hbm>> -> memref<1x1x40x128xi32, #tpu.memory_space<hbm>>
      %dma_start3A_108 = tpu.memref_squeeze %dma_start3A_107 : memref<1x1x40x128xi32, #tpu.memory_space<hbm>> -> memref<40x128xi32, #tpu.memory_space<hbm>>
      %dma_start3A_109 = arith.constant 0 : i32
      %dma_start3A_110 = arith.constant 0 : i32
      %dma_start3A_111 = tpu.memref_slice %arg3[%arg0, %arg1, %dma_start3A_109, %dma_start3A_110] : memref<2x16x80x128xi32, #tpu.memory_space<hbm>> -> memref<1x1x40x128xi32, #tpu.memory_space<hbm>>
      %dma_start3A_112 = tpu.memref_squeeze %dma_start3A_111 : memref<1x1x40x128xi32, #tpu.memory_space<hbm>> -> memref<40x128xi32, #tpu.memory_space<hbm>>
      tpu.enqueue_dma source(%dma_start3A_112 : memref<40x128xi32, #tpu.memory_space<hbm>>) target(%arg7 : memref<40x128xi32, #tpu.memory_space<vmem>>) target_semaphore(%run_scoped3A : memref<!tpu.dma_semaphore, #tpu.memory_space<semaphore_mem>>)
      %dma_wait3A_113 = arith.constant 0 : i32
      %dma_wait3A_114 = arith.constant 0 : i32
      %dma_wait3A_115 = tpu.memref_slice %arg3[%arg0, %arg1, %dma_wait3A_113, %dma_wait3A_114] : memref<2x16x80x128xi32, #tpu.memory_space<hbm>> -> memref<1x1x40x128xi32, #tpu.memory_space<hbm>>
      %dma_wait3A_116 = tpu.memref_squeeze %dma_wait3A_115 : memref<1x1x40x128xi32, #tpu.memory_space<hbm>> -> memref<40x128xi32, #tpu.memory_space<hbm>>
      %dma_wait3A_117 = arith.constant 0 : i32
      %dma_wait3A_118 = arith.constant 0 : i32
      %dma_wait3A_119 = tpu.memref_slice %arg3[%arg0, %arg1, %dma_wait3A_117, %dma_wait3A_118] : memref<2x16x80x128xi32, #tpu.memory_space<hbm>> -> memref<1x1x40x128xi32, #tpu.memory_space<hbm>>
      %dma_wait3A_120 = tpu.memref_squeeze %dma_wait3A_119 : memref<1x1x40x128xi32, #tpu.memory_space<hbm>> -> memref<40x128xi32, #tpu.memory_space<hbm>>
      tpu.wait_dma2 semaphore(%run_scoped3A : memref<!tpu.dma_semaphore, #tpu.memory_space<semaphore_mem>>) src(%dma_wait3A_120 : memref<40x128xi32, #tpu.memory_space<hbm>>) dst(%arg7 : memref<40x128xi32, #tpu.memory_space<vmem>>)
      tpu.yield
    }) : () -> ()
    "tpu.region"() ({
      %run_scoped3A = tpu.sem_alloc : memref<!tpu.dma_semaphore, #tpu.memory_space<semaphore_mem>>
      %dma_start3A_105 = arith.constant 0 : i32
      %dma_start3A_106 = arith.constant 0 : i32
      %dma_start3A_107 = tpu.memref_slice %arg4[%arg1, %dma_start3A_105, %dma_start3A_106] : memref<16x80x128xi32, #tpu.memory_space<hbm>> -> memref<1x40x128xi32, #tpu.memory_space<hbm>>
      %dma_start3A_108 = tpu.memref_squeeze %dma_start3A_107 : memref<1x40x128xi32, #tpu.memory_space<hbm>> -> memref<40x128xi32, #tpu.memory_space<hbm>>
      %dma_start3A_109 = arith.constant 0 : i32
      %dma_start3A_110 = arith.constant 0 : i32
      %dma_start3A_111 = tpu.memref_slice %arg4[%arg1, %dma_start3A_109, %dma_start3A_110] : memref<16x80x128xi32, #tpu.memory_space<hbm>> -> memref<1x40x128xi32, #tpu.memory_space<hbm>>
      %dma_start3A_112 = tpu.memref_squeeze %dma_start3A_111 : memref<1x40x128xi32, #tpu.memory_space<hbm>> -> memref<40x128xi32, #tpu.memory_space<hbm>>
      tpu.enqueue_dma source(%dma_start3A_112 : memref<40x128xi32, #tpu.memory_space<hbm>>) target(%arg8 : memref<40x128xi32, #tpu.memory_space<vmem>>) target_semaphore(%run_scoped3A : memref<!tpu.dma_semaphore, #tpu.memory_space<semaphore_mem>>)
      %dma_wait3A_113 = arith.constant 0 : i32
      %dma_wait3A_114 = arith.constant 0 : i32
      %dma_wait3A_115 = tpu.memref_slice %arg4[%arg1, %dma_wait3A_113, %dma_wait3A_114] : memref<16x80x128xi32, #tpu.memory_space<hbm>> -> memref<1x40x128xi32, #tpu.memory_space<hbm>>
      %dma_wait3A_116 = tpu.memref_squeeze %dma_wait3A_115 : memref<1x40x128xi32, #tpu.memory_space<hbm>> -> memref<40x128xi32, #tpu.memory_space<hbm>>
      %dma_wait3A_117 = arith.constant 0 : i32
      %dma_wait3A_118 = arith.constant 0 : i32
      %dma_wait3A_119 = tpu.memref_slice %arg4[%arg1, %dma_wait3A_117, %dma_wait3A_118] : memref<16x80x128xi32, #tpu.memory_space<hbm>> -> memref<1x40x128xi32, #tpu.memory_space<hbm>>
      %dma_wait3A_120 = tpu.memref_squeeze %dma_wait3A_119 : memref<1x40x128xi32, #tpu.memory_space<hbm>> -> memref<40x128xi32, #tpu.memory_space<hbm>>
      tpu.wait_dma2 semaphore(%run_scoped3A : memref<!tpu.dma_semaphore, #tpu.memory_space<semaphore_mem>>) src(%dma_wait3A_120 : memref<40x128xi32, #tpu.memory_space<hbm>>) dst(%arg8 : memref<40x128xi32, #tpu.memory_space<vmem>>)
      tpu.yield
    }) : () -> ()
    %dma_start3A = arith.constant 0 : i32
    %dma_start3A_1 = arith.constant 0 : i32
    %dma_start3A_2 = arith.constant 0 : i32
    %dma_start3A_3 = arith.constant 0 : i32
    %dma_start3A_4 = arith.constant 0 : i32
    %dma_start3A_5 = tpu.memref_slice %arg9[%dma_start3A_1, %dma_start3A_3, %dma_start3A_4] : memref<2x128x128xf32, #tpu.memory_space<vmem>> -> memref<1x128x128xf32, #tpu.memory_space<vmem>>
    %dma_start3A_6 = tpu.memref_squeeze %dma_start3A_5 : memref<1x128x128xf32, #tpu.memory_space<vmem>> -> memref<128x128xf32, #tpu.memory_space<vmem>>
    %dma_start3A_7 = arith.constant 0 : i32
    %dma_start3A_8 = tpu.memref_slice %arg7[%dma_start3A, %dma_start3A_7] : memref<40x128xi32, #tpu.memory_space<vmem>> -> memref<1x128xi32, #tpu.memory_space<vmem>>
    %dma_start3A_9 = tpu.memref_squeeze %dma_start3A_8 : memref<1x128xi32, #tpu.memory_space<vmem>> -> memref<128xi32, #tpu.memory_space<vmem>>
    %dma_start3A_10 = arith.constant 0 : i32
    %dma_start3A_11 = arith.constant 0 : i32
    %dma_start3A_12 = tpu.memref_slice %arg2[%dma_start3A_10, %dma_start3A_11] : memref<20480x128xf32, #tpu.memory_space<hbm>> -> memref<20480x128xf32, #tpu.memory_space<hbm>>
    %dma_start3A_13 = tpu.memref_slice %arg11[%dma_start3A_2] : memref<2x!tpu.dma_semaphore, #tpu.memory_space<semaphore_mem>> -> memref<1x!tpu.dma_semaphore, #tpu.memory_space<semaphore_mem>>
    %dma_start3A_14 = tpu.memref_squeeze %dma_start3A_13 : memref<1x!tpu.dma_semaphore, #tpu.memory_space<semaphore_mem>> -> memref<!tpu.dma_semaphore, #tpu.memory_space<semaphore_mem>>
    tpu.enqueue_indirect_dma source(%dma_start3A_12 : memref<20480x128xf32, #tpu.memory_space<hbm>>) target(%dma_start3A_6 : memref<128x128xf32, #tpu.memory_space<vmem>>) offsets(%dma_start3A_9 : memref<128xi32, #tpu.memory_space<vmem>>) semaphore(%dma_start3A_14 : memref<!tpu.dma_semaphore, #tpu.memory_space<semaphore_mem>>)
    %scan3A = arith.constant 0 : i32
    %scan3A_15 = arith.constant 0 : i32
    %scan3A_16 = arith.constant 40 : i32
    %scan3A_17 = arith.addi %scan3A_15, %scan3A_16 : i32
    %scan3A_18 = arith.constant 1 : i32
    scf.for %scan3A_105 = %scan3A_15 to %scan3A_17 step %scan3A_18  : i32 {
      %jit3A = arith.constant 2 : i32
      %eq3A = arith.constant 0 : i32
      %eq3A_106 = arith.cmpi eq, %jit3A, %eq3A : i32
      %jit3A_107 = arith.constant 1 : i32
      %select_n3A = arith.select %eq3A_106, %jit3A_107, %jit3A : i32
      %rem3A = arith.remsi %scan3A_105, %select_n3A : i32
      %ne3A = arith.constant 0 : i32
      %ne3A_108 = arith.cmpi ne, %rem3A, %ne3A : i32
      %lt3A = arith.constant 0 : i32
      %lt3A_109 = arith.cmpi slt, %rem3A, %lt3A : i32
      %lt3A_110 = arith.constant 0 : i32
      %lt3A_111 = arith.cmpi slt, %select_n3A, %lt3A_110 : i32
      %ne3A_112 = arith.xori %lt3A_109, %lt3A_111 : i1
      %and3A = arith.andi %ne3A_112, %ne3A_108 : i1
      %add3A = arith.addi %rem3A, %select_n3A : i32
      %select_n3A_113 = arith.select %and3A, %add3A, %rem3A : i32
      %dma_wait3A_114 = arith.constant 0 : i32
      %dma_wait3A_115 = arith.constant 0 : i32
      %dma_wait3A_116 = tpu.memref_slice %arg9[%select_n3A_113, %dma_wait3A_114, %dma_wait3A_115] : memref<2x128x128xf32, #tpu.memory_space<vmem>> -> memref<1x128x128xf32, #tpu.memory_space<vmem>>
      %dma_wait3A_117 = tpu.memref_squeeze %dma_wait3A_116 : memref<1x128x128xf32, #tpu.memory_space<vmem>> -> memref<128x128xf32, #tpu.memory_space<vmem>>
      %dma_wait3A_118 = arith.constant 0 : i32
      %dma_wait3A_119 = tpu.memref_slice %arg7[%scan3A_105, %dma_wait3A_118] : memref<40x128xi32, #tpu.memory_space<vmem>> -> memref<1x128xi32, #tpu.memory_space<vmem>>
      %dma_wait3A_120 = tpu.memref_squeeze %dma_wait3A_119 : memref<1x128xi32, #tpu.memory_space<vmem>> -> memref<128xi32, #tpu.memory_space<vmem>>
      %dma_wait3A_121 = arith.constant 0 : i32
      %dma_wait3A_122 = arith.constant 0 : i32
      %dma_wait3A_123 = tpu.memref_slice %arg2[%dma_wait3A_121, %dma_wait3A_122] : memref<20480x128xf32, #tpu.memory_space<hbm>> -> memref<20480x128xf32, #tpu.memory_space<hbm>>
      %dma_wait3A_124 = tpu.memref_slice %arg11[%select_n3A_113] : memref<2x!tpu.dma_semaphore, #tpu.memory_space<semaphore_mem>> -> memref<1x!tpu.dma_semaphore, #tpu.memory_space<semaphore_mem>>
      %dma_wait3A_125 = tpu.memref_squeeze %dma_wait3A_124 : memref<1x!tpu.dma_semaphore, #tpu.memory_space<semaphore_mem>> -> memref<!tpu.dma_semaphore, #tpu.memory_space<semaphore_mem>>
      tpu.wait_indirect_dma semaphore(%dma_wait3A_125 : memref<!tpu.dma_semaphore, #tpu.memory_space<semaphore_mem>>) src(%dma_wait3A_123 : memref<20480x128xf32, #tpu.memory_space<hbm>>) dst(%dma_wait3A_117 : memref<128x128xf32, #tpu.memory_space<vmem>>)
      %dma_start3A_126 = arith.constant 0 : i32
      %dma_start3A_127 = arith.constant 0 : i32
      %dma_start3A_128 = tpu.memref_slice %arg9[%select_n3A_113, %dma_start3A_126, %dma_start3A_127] : memref<2x128x128xf32, #tpu.memory_space<vmem>> -> memref<1x128x128xf32, #tpu.memory_space<vmem>>
      %dma_start3A_129 = tpu.memref_squeeze %dma_start3A_128 : memref<1x128x128xf32, #tpu.memory_space<vmem>> -> memref<128x128xf32, #tpu.memory_space<vmem>>
      %dma_start3A_130 = arith.constant 0 : i32
      %dma_start3A_131 = tpu.memref_slice %arg8[%scan3A_105, %dma_start3A_130] : memref<40x128xi32, #tpu.memory_space<vmem>> -> memref<1x128xi32, #tpu.memory_space<vmem>>
      %dma_start3A_132 = tpu.memref_squeeze %dma_start3A_131 : memref<1x128xi32, #tpu.memory_space<vmem>> -> memref<128xi32, #tpu.memory_space<vmem>>
      %dma_start3A_133 = arith.constant 0 : i32
      %dma_start3A_134 = arith.constant 0 : i32
      %dma_start3A_135 = tpu.memref_slice %arg10[%dma_start3A_133, %dma_start3A_134] : memref<10240x128xf32, #tpu.memory_space<vmem_shared>> -> memref<10240x128xf32, #tpu.memory_space<vmem_shared>>
      %dma_start3A_136 = tpu.memref_slice %arg12[%select_n3A_113] : memref<2x!tpu.dma_semaphore, #tpu.memory_space<semaphore_mem>> -> memref<1x!tpu.dma_semaphore, #tpu.memory_space<semaphore_mem>>
      %dma_start3A_137 = tpu.memref_squeeze %dma_start3A_136 : memref<1x!tpu.dma_semaphore, #tpu.memory_space<semaphore_mem>> -> memref<!tpu.dma_semaphore, #tpu.memory_space<semaphore_mem>>
      tpu.enqueue_indirect_dma source(%dma_start3A_129 : memref<128x128xf32, #tpu.memory_space<vmem>>) target(%dma_start3A_135 : memref<10240x128xf32, #tpu.memory_space<vmem_shared>>) offsets(%dma_start3A_132 : memref<128xi32, #tpu.memory_space<vmem>>) semaphore(%dma_start3A_137 : memref<!tpu.dma_semaphore, #tpu.memory_space<semaphore_mem>>) {add = true}
      %add3A_138 = arith.constant 2 : i32
      %add3A_139 = arith.addi %scan3A_105, %add3A_138 : i32
      %sub3A = arith.constant 1 : i32
      %sub3A_140 = arith.subi %add3A_139, %sub3A : i32
      %lt3A_141 = arith.constant 40 : i32
      %lt3A_142 = arith.cmpi slt, %sub3A_140, %lt3A_141 : i32
      %convert_element_type3A = arith.extui %lt3A_142 : i1 to i32
      %cond3A = arith.constant 0 : i32
      %cond3A_143 = arith.cmpi ne, %convert_element_type3A, %cond3A : i32
      scf.if %cond3A_143 {
        %add3A_144 = arith.constant 2 : i32
        %add3A_145 = arith.addi %scan3A_105, %add3A_144 : i32
        %sub3A_146 = arith.constant 1 : i32
        %sub3A_147 = arith.subi %add3A_145, %sub3A_146 : i32
        %jit3A_148 = arith.constant 2 : i32
        %eq3A_149 = arith.constant 0 : i32
        %eq3A_150 = arith.cmpi eq, %jit3A_148, %eq3A_149 : i32
        %jit3A_151 = arith.constant 1 : i32
        %select_n3A_152 = arith.select %eq3A_150, %jit3A_151, %jit3A_148 : i32
        %rem3A_153 = arith.remsi %sub3A_147, %select_n3A_152 : i32
        %ne3A_154 = arith.constant 0 : i32
        %ne3A_155 = arith.cmpi ne, %rem3A_153, %ne3A_154 : i32
        %lt3A_156 = arith.constant 0 : i32
        %lt3A_157 = arith.cmpi slt, %rem3A_153, %lt3A_156 : i32
        %lt3A_158 = arith.constant 0 : i32
        %lt3A_159 = arith.cmpi slt, %select_n3A_152, %lt3A_158 : i32
        %ne3A_160 = arith.xori %lt3A_157, %lt3A_159 : i1
        %and3A_161 = arith.andi %ne3A_160, %ne3A_155 : i1
        %add3A_162 = arith.addi %rem3A_153, %select_n3A_152 : i32
        %select_n3A_163 = arith.select %and3A_161, %add3A_162, %rem3A_153 : i32
        %ge3A = arith.constant 1 : i32
        %ge3A_164 = arith.cmpi sge, %scan3A_105, %ge3A : i32
        %convert_element_type3A_165 = arith.extui %ge3A_164 : i1 to i32
        %cond3A_166 = arith.constant 0 : i32
        %cond3A_167 = arith.cmpi ne, %convert_element_type3A_165, %cond3A_166 : i32
        scf.if %cond3A_167 {
          %sub3A_184 = arith.constant 1 : i32
          %sub3A_185 = arith.subi %scan3A_105, %sub3A_184 : i32
          %dma_wait3A_186 = arith.constant 0 : i32
          %dma_wait3A_187 = arith.constant 0 : i32
          %dma_wait3A_188 = tpu.memref_slice %arg9[%select_n3A_163, %dma_wait3A_186, %dma_wait3A_187] : memref<2x128x128xf32, #tpu.memory_space<vmem>> -> memref<1x128x128xf32, #tpu.memory_space<vmem>>
          %dma_wait3A_189 = tpu.memref_squeeze %dma_wait3A_188 : memref<1x128x128xf32, #tpu.memory_space<vmem>> -> memref<128x128xf32, #tpu.memory_space<vmem>>
          %dma_wait3A_190 = arith.constant 0 : i32
          %dma_wait3A_191 = tpu.memref_slice %arg8[%sub3A_185, %dma_wait3A_190] : memref<40x128xi32, #tpu.memory_space<vmem>> -> memref<1x128xi32, #tpu.memory_space<vmem>>
          %dma_wait3A_192 = tpu.memref_squeeze %dma_wait3A_191 : memref<1x128xi32, #tpu.memory_space<vmem>> -> memref<128xi32, #tpu.memory_space<vmem>>
          %dma_wait3A_193 = arith.constant 0 : i32
          %dma_wait3A_194 = arith.constant 0 : i32
          %dma_wait3A_195 = tpu.memref_slice %arg10[%dma_wait3A_193, %dma_wait3A_194] : memref<10240x128xf32, #tpu.memory_space<vmem_shared>> -> memref<10240x128xf32, #tpu.memory_space<vmem_shared>>
          %dma_wait3A_196 = tpu.memref_slice %arg12[%select_n3A_163] : memref<2x!tpu.dma_semaphore, #tpu.memory_space<semaphore_mem>> -> memref<1x!tpu.dma_semaphore, #tpu.memory_space<semaphore_mem>>
          %dma_wait3A_197 = tpu.memref_squeeze %dma_wait3A_196 : memref<1x!tpu.dma_semaphore, #tpu.memory_space<semaphore_mem>> -> memref<!tpu.dma_semaphore, #tpu.memory_space<semaphore_mem>>
          tpu.wait_indirect_dma semaphore(%dma_wait3A_197 : memref<!tpu.dma_semaphore, #tpu.memory_space<semaphore_mem>>) src(%dma_wait3A_189 : memref<128x128xf32, #tpu.memory_space<vmem>>) dst(%dma_wait3A_195 : memref<10240x128xf32, #tpu.memory_space<vmem_shared>>)
        } else {
        }
        %add3A_168 = arith.constant 2 : i32
        %add3A_169 = arith.addi %scan3A_105, %add3A_168 : i32
        %sub3A_170 = arith.constant 1 : i32
        %sub3A_171 = arith.subi %add3A_169, %sub3A_170 : i32
        %dma_start3A_172 = arith.constant 0 : i32
        %dma_start3A_173 = arith.constant 0 : i32
        %dma_start3A_174 = tpu.memref_slice %arg9[%select_n3A_163, %dma_start3A_172, %dma_start3A_173] : memref<2x128x128xf32, #tpu.memory_space<vmem>> -> memref<1x128x128xf32, #tpu.memory_space<vmem>>
        %dma_start3A_175 = tpu.memref_squeeze %dma_start3A_174 : memref<1x128x128xf32, #tpu.memory_space<vmem>> -> memref<128x128xf32, #tpu.memory_space<vmem>>
        %dma_start3A_176 = arith.constant 0 : i32
        %dma_start3A_177 = tpu.memref_slice %arg7[%sub3A_171, %dma_start3A_176] : memref<40x128xi32, #tpu.memory_space<vmem>> -> memref<1x128xi32, #tpu.memory_space<vmem>>
        %dma_start3A_178 = tpu.memref_squeeze %dma_start3A_177 : memref<1x128xi32, #tpu.memory_space<vmem>> -> memref<128xi32, #tpu.memory_space<vmem>>
        %dma_start3A_179 = arith.constant 0 : i32
        %dma_start3A_180 = arith.constant 0 : i32
        %dma_start3A_181 = tpu.memref_slice %arg2[%dma_start3A_179, %dma_start3A_180] : memref<20480x128xf32, #tpu.memory_space<hbm>> -> memref<20480x128xf32, #tpu.memory_space<hbm>>
        %dma_start3A_182 = tpu.memref_slice %arg11[%select_n3A_163] : memref<2x!tpu.dma_semaphore, #tpu.memory_space<semaphore_mem>> -> memref<1x!tpu.dma_semaphore, #tpu.memory_space<semaphore_mem>>
        %dma_start3A_183 = tpu.memref_squeeze %dma_start3A_182 : memref<1x!tpu.dma_semaphore, #tpu.memory_space<semaphore_mem>> -> memref<!tpu.dma_semaphore, #tpu.memory_space<semaphore_mem>>
        tpu.enqueue_indirect_dma source(%dma_start3A_181 : memref<20480x128xf32, #tpu.memory_space<hbm>>) target(%dma_start3A_175 : memref<128x128xf32, #tpu.memory_space<vmem>>) offsets(%dma_start3A_178 : memref<128xi32, #tpu.memory_space<vmem>>) semaphore(%dma_start3A_183 : memref<!tpu.dma_semaphore, #tpu.memory_space<semaphore_mem>>)
      } else {
      }
    }
    %scan3A_19 = arith.constant 40 : i32
    %dma_wait3A = arith.constant 0 : i32
    %dma_wait3A_20 = arith.constant 38 : i32
    %dma_wait3A_21 = arith.constant 0 : i32
    %dma_wait3A_22 = arith.constant 0 : i32
    %dma_wait3A_23 = arith.constant 0 : i32
    %dma_wait3A_24 = tpu.memref_slice %arg9[%dma_wait3A, %dma_wait3A_22, %dma_wait3A_23] : memref<2x128x128xf32, #tpu.memory_space<vmem>> -> memref<1x128x128xf32, #tpu.memory_space<vmem>>
    %dma_wait3A_25 = tpu.memref_squeeze %dma_wait3A_24 : memref<1x128x128xf32, #tpu.memory_space<vmem>> -> memref<128x128xf32, #tpu.memory_space<vmem>>
    %dma_wait3A_26 = arith.constant 0 : i32
    %dma_wait3A_27 = tpu.memref_slice %arg8[%dma_wait3A_20, %dma_wait3A_26] : memref<40x128xi32, #tpu.memory_space<vmem>> -> memref<1x128xi32, #tpu.memory_space<vmem>>
    %dma_wait3A_28 = tpu.memref_squeeze %dma_wait3A_27 : memref<1x128xi32, #tpu.memory_space<vmem>> -> memref<128xi32, #tpu.memory_space<vmem>>
    %dma_wait3A_29 = arith.constant 0 : i32
    %dma_wait3A_30 = arith.constant 0 : i32
    %dma_wait3A_31 = tpu.memref_slice %arg10[%dma_wait3A_29, %dma_wait3A_30] : memref<10240x128xf32, #tpu.memory_space<vmem_shared>> -> memref<10240x128xf32, #tpu.memory_space<vmem_shared>>
    %dma_wait3A_32 = tpu.memref_slice %arg12[%dma_wait3A_21] : memref<2x!tpu.dma_semaphore, #tpu.memory_space<semaphore_mem>> -> memref<1x!tpu.dma_semaphore, #tpu.memory_space<semaphore_mem>>
    %dma_wait3A_33 = tpu.memref_squeeze %dma_wait3A_32 : memref<1x!tpu.dma_semaphore, #tpu.memory_space<semaphore_mem>> -> memref<!tpu.dma_semaphore, #tpu.memory_space<semaphore_mem>>
    tpu.wait_indirect_dma semaphore(%dma_wait3A_33 : memref<!tpu.dma_semaphore, #tpu.memory_space<semaphore_mem>>) src(%dma_wait3A_25 : memref<128x128xf32, #tpu.memory_space<vmem>>) dst(%dma_wait3A_31 : memref<10240x128xf32, #tpu.memory_space<vmem_shared>>)
    %dma_wait3A_34 = arith.constant 1 : i32
    %dma_wait3A_35 = arith.constant 39 : i32
    %dma_wait3A_36 = arith.constant 1 : i32
    %dma_wait3A_37 = arith.constant 0 : i32
    %dma_wait3A_38 = arith.constant 0 : i32
    %dma_wait3A_39 = tpu.memref_slice %arg9[%dma_wait3A_34, %dma_wait3A_37, %dma_wait3A_38] : memref<2x128x128xf32, #tpu.memory_space<vmem>> -> memref<1x128x128xf32, #tpu.memory_space<vmem>>
    %dma_wait3A_40 = tpu.memref_squeeze %dma_wait3A_39 : memref<1x128x128xf32, #tpu.memory_space<vmem>> -> memref<128x128xf32, #tpu.memory_space<vmem>>
    %dma_wait3A_41 = arith.constant 0 : i32
    %dma_wait3A_42 = tpu.memref_slice %arg8[%dma_wait3A_35, %dma_wait3A_41] : memref<40x128xi32, #tpu.memory_space<vmem>> -> memref<1x128xi32, #tpu.memory_space<vmem>>
    %dma_wait3A_43 = tpu.memref_squeeze %dma_wait3A_42 : memref<1x128xi32, #tpu.memory_space<vmem>> -> memref<128xi32, #tpu.memory_space<vmem>>
    %dma_wait3A_44 = arith.constant 0 : i32
    %dma_wait3A_45 = arith.constant 0 : i32
    %dma_wait3A_46 = tpu.memref_slice %arg10[%dma_wait3A_44, %dma_wait3A_45] : memref<10240x128xf32, #tpu.memory_space<vmem_shared>> -> memref<10240x128xf32, #tpu.memory_space<vmem_shared>>
    %dma_wait3A_47 = tpu.memref_slice %arg12[%dma_wait3A_36] : memref<2x!tpu.dma_semaphore, #tpu.memory_space<semaphore_mem>> -> memref<1x!tpu.dma_semaphore, #tpu.memory_space<semaphore_mem>>
    %dma_wait3A_48 = tpu.memref_squeeze %dma_wait3A_47 : memref<1x!tpu.dma_semaphore, #tpu.memory_space<semaphore_mem>> -> memref<!tpu.dma_semaphore, #tpu.memory_space<semaphore_mem>>
    tpu.wait_indirect_dma semaphore(%dma_wait3A_48 : memref<!tpu.dma_semaphore, #tpu.memory_space<semaphore_mem>>) src(%dma_wait3A_40 : memref<128x128xf32, #tpu.memory_space<vmem>>) dst(%dma_wait3A_46 : memref<10240x128xf32, #tpu.memory_space<vmem_shared>>)
    "tpu.region"() ({
      %run_scoped3A = tpu.sem_alloc : memref<!tpu.dma_semaphore, #tpu.memory_space<semaphore_mem>>
      %dma_start3A_105 = arith.constant 40 : i32
      %dma_start3A_106 = arith.constant 0 : i32
      %dma_start3A_107 = tpu.memref_slice %arg3[%arg0, %arg1, %dma_start3A_105, %dma_start3A_106] : memref<2x16x80x128xi32, #tpu.memory_space<hbm>> -> memref<1x1x40x128xi32, #tpu.memory_space<hbm>>
      %dma_start3A_108 = tpu.memref_squeeze %dma_start3A_107 : memref<1x1x40x128xi32, #tpu.memory_space<hbm>> -> memref<40x128xi32, #tpu.memory_space<hbm>>
      %dma_start3A_109 = arith.constant 40 : i32
      %dma_start3A_110 = arith.constant 0 : i32
      %dma_start3A_111 = tpu.memref_slice %arg3[%arg0, %arg1, %dma_start3A_109, %dma_start3A_110] : memref<2x16x80x128xi32, #tpu.memory_space<hbm>> -> memref<1x1x40x128xi32, #tpu.memory_space<hbm>>
      %dma_start3A_112 = tpu.memref_squeeze %dma_start3A_111 : memref<1x1x40x128xi32, #tpu.memory_space<hbm>> -> memref<40x128xi32, #tpu.memory_space<hbm>>
      tpu.enqueue_dma source(%dma_start3A_112 : memref<40x128xi32, #tpu.memory_space<hbm>>) target(%arg7 : memref<40x128xi32, #tpu.memory_space<vmem>>) target_semaphore(%run_scoped3A : memref<!tpu.dma_semaphore, #tpu.memory_space<semaphore_mem>>)
      %dma_wait3A_113 = arith.constant 40 : i32
      %dma_wait3A_114 = arith.constant 0 : i32
      %dma_wait3A_115 = tpu.memref_slice %arg3[%arg0, %arg1, %dma_wait3A_113, %dma_wait3A_114] : memref<2x16x80x128xi32, #tpu.memory_space<hbm>> -> memref<1x1x40x128xi32, #tpu.memory_space<hbm>>
      %dma_wait3A_116 = tpu.memref_squeeze %dma_wait3A_115 : memref<1x1x40x128xi32, #tpu.memory_space<hbm>> -> memref<40x128xi32, #tpu.memory_space<hbm>>
      %dma_wait3A_117 = arith.constant 40 : i32
      %dma_wait3A_118 = arith.constant 0 : i32
      %dma_wait3A_119 = tpu.memref_slice %arg3[%arg0, %arg1, %dma_wait3A_117, %dma_wait3A_118] : memref<2x16x80x128xi32, #tpu.memory_space<hbm>> -> memref<1x1x40x128xi32, #tpu.memory_space<hbm>>
      %dma_wait3A_120 = tpu.memref_squeeze %dma_wait3A_119 : memref<1x1x40x128xi32, #tpu.memory_space<hbm>> -> memref<40x128xi32, #tpu.memory_space<hbm>>
      tpu.wait_dma2 semaphore(%run_scoped3A : memref<!tpu.dma_semaphore, #tpu.memory_space<semaphore_mem>>) src(%dma_wait3A_120 : memref<40x128xi32, #tpu.memory_space<hbm>>) dst(%arg7 : memref<40x128xi32, #tpu.memory_space<vmem>>)
      tpu.yield
    }) : () -> ()
    "tpu.region"() ({
      %run_scoped3A = tpu.sem_alloc : memref<!tpu.dma_semaphore, #tpu.memory_space<semaphore_mem>>
      %dma_start3A_105 = arith.constant 40 : i32
      %dma_start3A_106 = arith.constant 0 : i32
      %dma_start3A_107 = tpu.memref_slice %arg4[%arg1, %dma_start3A_105, %dma_start3A_106] : memref<16x80x128xi32, #tpu.memory_space<hbm>> -> memref<1x40x128xi32, #tpu.memory_space<hbm>>
      %dma_start3A_108 = tpu.memref_squeeze %dma_start3A_107 : memref<1x40x128xi32, #tpu.memory_space<hbm>> -> memref<40x128xi32, #tpu.memory_space<hbm>>
      %dma_start3A_109 = arith.constant 40 : i32
      %dma_start3A_110 = arith.constant 0 : i32
      %dma_start3A_111 = tpu.memref_slice %arg4[%arg1, %dma_start3A_109, %dma_start3A_110] : memref<16x80x128xi32, #tpu.memory_space<hbm>> -> memref<1x40x128xi32, #tpu.memory_space<hbm>>
      %dma_start3A_112 = tpu.memref_squeeze %dma_start3A_111 : memref<1x40x128xi32, #tpu.memory_space<hbm>> -> memref<40x128xi32, #tpu.memory_space<hbm>>
      tpu.enqueue_dma source(%dma_start3A_112 : memref<40x128xi32, #tpu.memory_space<hbm>>) target(%arg8 : memref<40x128xi32, #tpu.memory_space<vmem>>) target_semaphore(%run_scoped3A : memref<!tpu.dma_semaphore, #tpu.memory_space<semaphore_mem>>)
      %dma_wait3A_113 = arith.constant 40 : i32
      %dma_wait3A_114 = arith.constant 0 : i32
      %dma_wait3A_115 = tpu.memref_slice %arg4[%arg1, %dma_wait3A_113, %dma_wait3A_114] : memref<16x80x128xi32, #tpu.memory_space<hbm>> -> memref<1x40x128xi32, #tpu.memory_space<hbm>>
      %dma_wait3A_116 = tpu.memref_squeeze %dma_wait3A_115 : memref<1x40x128xi32, #tpu.memory_space<hbm>> -> memref<40x128xi32, #tpu.memory_space<hbm>>
      %dma_wait3A_117 = arith.constant 40 : i32
      %dma_wait3A_118 = arith.constant 0 : i32
      %dma_wait3A_119 = tpu.memref_slice %arg4[%arg1, %dma_wait3A_117, %dma_wait3A_118] : memref<16x80x128xi32, #tpu.memory_space<hbm>> -> memref<1x40x128xi32, #tpu.memory_space<hbm>>
      %dma_wait3A_120 = tpu.memref_squeeze %dma_wait3A_119 : memref<1x40x128xi32, #tpu.memory_space<hbm>> -> memref<40x128xi32, #tpu.memory_space<hbm>>
      tpu.wait_dma2 semaphore(%run_scoped3A : memref<!tpu.dma_semaphore, #tpu.memory_space<semaphore_mem>>) src(%dma_wait3A_120 : memref<40x128xi32, #tpu.memory_space<hbm>>) dst(%arg8 : memref<40x128xi32, #tpu.memory_space<vmem>>)
      tpu.yield
    }) : () -> ()
    %dma_start3A_49 = arith.constant 0 : i32
    %dma_start3A_50 = arith.constant 0 : i32
    %dma_start3A_51 = arith.constant 0 : i32
    %dma_start3A_52 = arith.constant 0 : i32
    %dma_start3A_53 = arith.constant 0 : i32
    %dma_start3A_54 = tpu.memref_slice %arg9[%dma_start3A_50, %dma_start3A_52, %dma_start3A_53] : memref<2x128x128xf32, #tpu.memory_space<vmem>> -> memref<1x128x128xf32, #tpu.memory_space<vmem>>
    %dma_start3A_55 = tpu.memref_squeeze %dma_start3A_54 : memref<1x128x128xf32, #tpu.memory_space<vmem>> -> memref<128x128xf32, #tpu.memory_space<vmem>>
    %dma_start3A_56 = arith.constant 0 : i32
    %dma_start3A_57 = tpu.memref_slice %arg7[%dma_start3A_49, %dma_start3A_56] : memref<40x128xi32, #tpu.memory_space<vmem>> -> memref<1x128xi32, #tpu.memory_space<vmem>>
    %dma_start3A_58 = tpu.memref_squeeze %dma_start3A_57 : memref<1x128xi32, #tpu.memory_space<vmem>> -> memref<128xi32, #tpu.memory_space<vmem>>
    %dma_start3A_59 = arith.constant 0 : i32
    %dma_start3A_60 = arith.constant 0 : i32
    %dma_start3A_61 = tpu.memref_slice %arg2[%dma_start3A_59, %dma_start3A_60] : memref<20480x128xf32, #tpu.memory_space<hbm>> -> memref<20480x128xf32, #tpu.memory_space<hbm>>
    %dma_start3A_62 = tpu.memref_slice %arg11[%dma_start3A_51] : memref<2x!tpu.dma_semaphore, #tpu.memory_space<semaphore_mem>> -> memref<1x!tpu.dma_semaphore, #tpu.memory_space<semaphore_mem>>
    %dma_start3A_63 = tpu.memref_squeeze %dma_start3A_62 : memref<1x!tpu.dma_semaphore, #tpu.memory_space<semaphore_mem>> -> memref<!tpu.dma_semaphore, #tpu.memory_space<semaphore_mem>>
    tpu.enqueue_indirect_dma source(%dma_start3A_61 : memref<20480x128xf32, #tpu.memory_space<hbm>>) target(%dma_start3A_55 : memref<128x128xf32, #tpu.memory_space<vmem>>) offsets(%dma_start3A_58 : memref<128xi32, #tpu.memory_space<vmem>>) semaphore(%dma_start3A_63 : memref<!tpu.dma_semaphore, #tpu.memory_space<semaphore_mem>>)
    %scan3A_64 = arith.constant 0 : i32
    %scan3A_65 = arith.constant 0 : i32
    %scan3A_66 = arith.constant 40 : i32
    %scan3A_67 = arith.addi %scan3A_65, %scan3A_66 : i32
    %scan3A_68 = arith.constant 1 : i32
    scf.for %scan3A_105 = %scan3A_65 to %scan3A_67 step %scan3A_68  : i32 {
      %jit3A = arith.constant 2 : i32
      %eq3A = arith.constant 0 : i32
      %eq3A_106 = arith.cmpi eq, %jit3A, %eq3A : i32
      %jit3A_107 = arith.constant 1 : i32
      %select_n3A = arith.select %eq3A_106, %jit3A_107, %jit3A : i32
      %rem3A = arith.remsi %scan3A_105, %select_n3A : i32
      %ne3A = arith.constant 0 : i32
      %ne3A_108 = arith.cmpi ne, %rem3A, %ne3A : i32
      %lt3A = arith.constant 0 : i32
      %lt3A_109 = arith.cmpi slt, %rem3A, %lt3A : i32
      %lt3A_110 = arith.constant 0 : i32
      %lt3A_111 = arith.cmpi slt, %select_n3A, %lt3A_110 : i32
      %ne3A_112 = arith.xori %lt3A_109, %lt3A_111 : i1
      %and3A = arith.andi %ne3A_112, %ne3A_108 : i1
      %add3A = arith.addi %rem3A, %select_n3A : i32
      %select_n3A_113 = arith.select %and3A, %add3A, %rem3A : i32
      %dma_wait3A_114 = arith.constant 0 : i32
      %dma_wait3A_115 = arith.constant 0 : i32
      %dma_wait3A_116 = tpu.memref_slice %arg9[%select_n3A_113, %dma_wait3A_114, %dma_wait3A_115] : memref<2x128x128xf32, #tpu.memory_space<vmem>> -> memref<1x128x128xf32, #tpu.memory_space<vmem>>
      %dma_wait3A_117 = tpu.memref_squeeze %dma_wait3A_116 : memref<1x128x128xf32, #tpu.memory_space<vmem>> -> memref<128x128xf32, #tpu.memory_space<vmem>>
      %dma_wait3A_118 = arith.constant 0 : i32
      %dma_wait3A_119 = tpu.memref_slice %arg7[%scan3A_105, %dma_wait3A_118] : memref<40x128xi32, #tpu.memory_space<vmem>> -> memref<1x128xi32, #tpu.memory_space<vmem>>
      %dma_wait3A_120 = tpu.memref_squeeze %dma_wait3A_119 : memref<1x128xi32, #tpu.memory_space<vmem>> -> memref<128xi32, #tpu.memory_space<vmem>>
      %dma_wait3A_121 = arith.constant 0 : i32
      %dma_wait3A_122 = arith.constant 0 : i32
      %dma_wait3A_123 = tpu.memref_slice %arg2[%dma_wait3A_121, %dma_wait3A_122] : memref<20480x128xf32, #tpu.memory_space<hbm>> -> memref<20480x128xf32, #tpu.memory_space<hbm>>
      %dma_wait3A_124 = tpu.memref_slice %arg11[%select_n3A_113] : memref<2x!tpu.dma_semaphore, #tpu.memory_space<semaphore_mem>> -> memref<1x!tpu.dma_semaphore, #tpu.memory_space<semaphore_mem>>
      %dma_wait3A_125 = tpu.memref_squeeze %dma_wait3A_124 : memref<1x!tpu.dma_semaphore, #tpu.memory_space<semaphore_mem>> -> memref<!tpu.dma_semaphore, #tpu.memory_space<semaphore_mem>>
      tpu.wait_indirect_dma semaphore(%dma_wait3A_125 : memref<!tpu.dma_semaphore, #tpu.memory_space<semaphore_mem>>) src(%dma_wait3A_123 : memref<20480x128xf32, #tpu.memory_space<hbm>>) dst(%dma_wait3A_117 : memref<128x128xf32, #tpu.memory_space<vmem>>)
      %dma_start3A_126 = arith.constant 0 : i32
      %dma_start3A_127 = arith.constant 0 : i32
      %dma_start3A_128 = tpu.memref_slice %arg9[%select_n3A_113, %dma_start3A_126, %dma_start3A_127] : memref<2x128x128xf32, #tpu.memory_space<vmem>> -> memref<1x128x128xf32, #tpu.memory_space<vmem>>
      %dma_start3A_129 = tpu.memref_squeeze %dma_start3A_128 : memref<1x128x128xf32, #tpu.memory_space<vmem>> -> memref<128x128xf32, #tpu.memory_space<vmem>>
      %dma_start3A_130 = arith.constant 0 : i32
      %dma_start3A_131 = tpu.memref_slice %arg8[%scan3A_105, %dma_start3A_130] : memref<40x128xi32, #tpu.memory_space<vmem>> -> memref<1x128xi32, #tpu.memory_space<vmem>>
      %dma_start3A_132 = tpu.memref_squeeze %dma_start3A_131 : memref<1x128xi32, #tpu.memory_space<vmem>> -> memref<128xi32, #tpu.memory_space<vmem>>
      %dma_start3A_133 = arith.constant 0 : i32
      %dma_start3A_134 = arith.constant 0 : i32
      %dma_start3A_135 = tpu.memref_slice %arg10[%dma_start3A_133, %dma_start3A_134] : memref<10240x128xf32, #tpu.memory_space<vmem_shared>> -> memref<10240x128xf32, #tpu.memory_space<vmem_shared>>
      %dma_start3A_136 = tpu.memref_slice %arg12[%select_n3A_113] : memref<2x!tpu.dma_semaphore, #tpu.memory_space<semaphore_mem>> -> memref<1x!tpu.dma_semaphore, #tpu.memory_space<semaphore_mem>>
      %dma_start3A_137 = tpu.memref_squeeze %dma_start3A_136 : memref<1x!tpu.dma_semaphore, #tpu.memory_space<semaphore_mem>> -> memref<!tpu.dma_semaphore, #tpu.memory_space<semaphore_mem>>
      tpu.enqueue_indirect_dma source(%dma_start3A_129 : memref<128x128xf32, #tpu.memory_space<vmem>>) target(%dma_start3A_135 : memref<10240x128xf32, #tpu.memory_space<vmem_shared>>) offsets(%dma_start3A_132 : memref<128xi32, #tpu.memory_space<vmem>>) semaphore(%dma_start3A_137 : memref<!tpu.dma_semaphore, #tpu.memory_space<semaphore_mem>>) {add = true}
      %add3A_138 = arith.constant 2 : i32
      %add3A_139 = arith.addi %scan3A_105, %add3A_138 : i32
      %sub3A = arith.constant 1 : i32
      %sub3A_140 = arith.subi %add3A_139, %sub3A : i32
      %lt3A_141 = arith.constant 40 : i32
      %lt3A_142 = arith.cmpi slt, %sub3A_140, %lt3A_141 : i32
      %convert_element_type3A = arith.extui %lt3A_142 : i1 to i32
      %cond3A = arith.constant 0 : i32
      %cond3A_143 = arith.cmpi ne, %convert_element_type3A, %cond3A : i32
      scf.if %cond3A_143 {
        %add3A_144 = arith.constant 2 : i32
        %add3A_145 = arith.addi %scan3A_105, %add3A_144 : i32
        %sub3A_146 = arith.constant 1 : i32
        %sub3A_147 = arith.subi %add3A_145, %sub3A_146 : i32
        %jit3A_148 = arith.constant 2 : i32
        %eq3A_149 = arith.constant 0 : i32
        %eq3A_150 = arith.cmpi eq, %jit3A_148, %eq3A_149 : i32
        %jit3A_151 = arith.constant 1 : i32
        %select_n3A_152 = arith.select %eq3A_150, %jit3A_151, %jit3A_148 : i32
        %rem3A_153 = arith.remsi %sub3A_147, %select_n3A_152 : i32
        %ne3A_154 = arith.constant 0 : i32
        %ne3A_155 = arith.cmpi ne, %rem3A_153, %ne3A_154 : i32
        %lt3A_156 = arith.constant 0 : i32
        %lt3A_157 = arith.cmpi slt, %rem3A_153, %lt3A_156 : i32
        %lt3A_158 = arith.constant 0 : i32
        %lt3A_159 = arith.cmpi slt, %select_n3A_152, %lt3A_158 : i32
        %ne3A_160 = arith.xori %lt3A_157, %lt3A_159 : i1
        %and3A_161 = arith.andi %ne3A_160, %ne3A_155 : i1
        %add3A_162 = arith.addi %rem3A_153, %select_n3A_152 : i32
        %select_n3A_163 = arith.select %and3A_161, %add3A_162, %rem3A_153 : i32
        %ge3A = arith.constant 1 : i32
        %ge3A_164 = arith.cmpi sge, %scan3A_105, %ge3A : i32
        %convert_element_type3A_165 = arith.extui %ge3A_164 : i1 to i32
        %cond3A_166 = arith.constant 0 : i32
        %cond3A_167 = arith.cmpi ne, %convert_element_type3A_165, %cond3A_166 : i32
        scf.if %cond3A_167 {
          %sub3A_184 = arith.constant 1 : i32
          %sub3A_185 = arith.subi %scan3A_105, %sub3A_184 : i32
          %dma_wait3A_186 = arith.constant 0 : i32
          %dma_wait3A_187 = arith.constant 0 : i32
          %dma_wait3A_188 = tpu.memref_slice %arg9[%select_n3A_163, %dma_wait3A_186, %dma_wait3A_187] : memref<2x128x128xf32, #tpu.memory_space<vmem>> -> memref<1x128x128xf32, #tpu.memory_space<vmem>>
          %dma_wait3A_189 = tpu.memref_squeeze %dma_wait3A_188 : memref<1x128x128xf32, #tpu.memory_space<vmem>> -> memref<128x128xf32, #tpu.memory_space<vmem>>
          %dma_wait3A_190 = arith.constant 0 : i32
          %dma_wait3A_191 = tpu.memref_slice %arg8[%sub3A_185, %dma_wait3A_190] : memref<40x128xi32, #tpu.memory_space<vmem>> -> memref<1x128xi32, #tpu.memory_space<vmem>>
          %dma_wait3A_192 = tpu.memref_squeeze %dma_wait3A_191 : memref<1x128xi32, #tpu.memory_space<vmem>> -> memref<128xi32, #tpu.memory_space<vmem>>
          %dma_wait3A_193 = arith.constant 0 : i32
          %dma_wait3A_194 = arith.constant 0 : i32
          %dma_wait3A_195 = tpu.memref_slice %arg10[%dma_wait3A_193, %dma_wait3A_194] : memref<10240x128xf32, #tpu.memory_space<vmem_shared>> -> memref<10240x128xf32, #tpu.memory_space<vmem_shared>>
          %dma_wait3A_196 = tpu.memref_slice %arg12[%select_n3A_163] : memref<2x!tpu.dma_semaphore, #tpu.memory_space<semaphore_mem>> -> memref<1x!tpu.dma_semaphore, #tpu.memory_space<semaphore_mem>>
          %dma_wait3A_197 = tpu.memref_squeeze %dma_wait3A_196 : memref<1x!tpu.dma_semaphore, #tpu.memory_space<semaphore_mem>> -> memref<!tpu.dma_semaphore, #tpu.memory_space<semaphore_mem>>
          tpu.wait_indirect_dma semaphore(%dma_wait3A_197 : memref<!tpu.dma_semaphore, #tpu.memory_space<semaphore_mem>>) src(%dma_wait3A_189 : memref<128x128xf32, #tpu.memory_space<vmem>>) dst(%dma_wait3A_195 : memref<10240x128xf32, #tpu.memory_space<vmem_shared>>)
        } else {
        }
        %add3A_168 = arith.constant 2 : i32
        %add3A_169 = arith.addi %scan3A_105, %add3A_168 : i32
        %sub3A_170 = arith.constant 1 : i32
        %sub3A_171 = arith.subi %add3A_169, %sub3A_170 : i32
        %dma_start3A_172 = arith.constant 0 : i32
        %dma_start3A_173 = arith.constant 0 : i32
        %dma_start3A_174 = tpu.memref_slice %arg9[%select_n3A_163, %dma_start3A_172, %dma_start3A_173] : memref<2x128x128xf32, #tpu.memory_space<vmem>> -> memref<1x128x128xf32, #tpu.memory_space<vmem>>
        %dma_start3A_175 = tpu.memref_squeeze %dma_start3A_174 : memref<1x128x128xf32, #tpu.memory_space<vmem>> -> memref<128x128xf32, #tpu.memory_space<vmem>>
        %dma_start3A_176 = arith.constant 0 : i32
        %dma_start3A_177 = tpu.memref_slice %arg7[%sub3A_171, %dma_start3A_176] : memref<40x128xi32, #tpu.memory_space<vmem>> -> memref<1x128xi32, #tpu.memory_space<vmem>>
        %dma_start3A_178 = tpu.memref_squeeze %dma_start3A_177 : memref<1x128xi32, #tpu.memory_space<vmem>> -> memref<128xi32, #tpu.memory_space<vmem>>
        %dma_start3A_179 = arith.constant 0 : i32
        %dma_start3A_180 = arith.constant 0 : i32
        %dma_start3A_181 = tpu.memref_slice %arg2[%dma_start3A_179, %dma_start3A_180] : memref<20480x128xf32, #tpu.memory_space<hbm>> -> memref<20480x128xf32, #tpu.memory_space<hbm>>
        %dma_start3A_182 = tpu.memref_slice %arg11[%select_n3A_163] : memref<2x!tpu.dma_semaphore, #tpu.memory_space<semaphore_mem>> -> memref<1x!tpu.dma_semaphore, #tpu.memory_space<semaphore_mem>>
        %dma_start3A_183 = tpu.memref_squeeze %dma_start3A_182 : memref<1x!tpu.dma_semaphore, #tpu.memory_space<semaphore_mem>> -> memref<!tpu.dma_semaphore, #tpu.memory_space<semaphore_mem>>
        tpu.enqueue_indirect_dma source(%dma_start3A_181 : memref<20480x128xf32, #tpu.memory_space<hbm>>) target(%dma_start3A_175 : memref<128x128xf32, #tpu.memory_space<vmem>>) offsets(%dma_start3A_178 : memref<128xi32, #tpu.memory_space<vmem>>) semaphore(%dma_start3A_183 : memref<!tpu.dma_semaphore, #tpu.memory_space<semaphore_mem>>)
      } else {
      }
    }
    %scan3A_69 = arith.constant 40 : i32
    %dma_wait3A_70 = arith.constant 0 : i32
    %dma_wait3A_71 = arith.constant 38 : i32
    %dma_wait3A_72 = arith.constant 0 : i32
    %dma_wait3A_73 = arith.constant 0 : i32
    %dma_wait3A_74 = arith.constant 0 : i32
    %dma_wait3A_75 = tpu.memref_slice %arg9[%dma_wait3A_70, %dma_wait3A_73, %dma_wait3A_74] : memref<2x128x128xf32, #tpu.memory_space<vmem>> -> memref<1x128x128xf32, #tpu.memory_space<vmem>>
    %dma_wait3A_76 = tpu.memref_squeeze %dma_wait3A_75 : memref<1x128x128xf32, #tpu.memory_space<vmem>> -> memref<128x128xf32, #tpu.memory_space<vmem>>
    %dma_wait3A_77 = arith.constant 0 : i32
    %dma_wait3A_78 = tpu.memref_slice %arg8[%dma_wait3A_71, %dma_wait3A_77] : memref<40x128xi32, #tpu.memory_space<vmem>> -> memref<1x128xi32, #tpu.memory_space<vmem>>
    %dma_wait3A_79 = tpu.memref_squeeze %dma_wait3A_78 : memref<1x128xi32, #tpu.memory_space<vmem>> -> memref<128xi32, #tpu.memory_space<vmem>>
    %dma_wait3A_80 = arith.constant 0 : i32
    %dma_wait3A_81 = arith.constant 0 : i32
    %dma_wait3A_82 = tpu.memref_slice %arg10[%dma_wait3A_80, %dma_wait3A_81] : memref<10240x128xf32, #tpu.memory_space<vmem_shared>> -> memref<10240x128xf32, #tpu.memory_space<vmem_shared>>
    %dma_wait3A_83 = tpu.memref_slice %arg12[%dma_wait3A_72] : memref<2x!tpu.dma_semaphore, #tpu.memory_space<semaphore_mem>> -> memref<1x!tpu.dma_semaphore, #tpu.memory_space<semaphore_mem>>
    %dma_wait3A_84 = tpu.memref_squeeze %dma_wait3A_83 : memref<1x!tpu.dma_semaphore, #tpu.memory_space<semaphore_mem>> -> memref<!tpu.dma_semaphore, #tpu.memory_space<semaphore_mem>>
    tpu.wait_indirect_dma semaphore(%dma_wait3A_84 : memref<!tpu.dma_semaphore, #tpu.memory_space<semaphore_mem>>) src(%dma_wait3A_76 : memref<128x128xf32, #tpu.memory_space<vmem>>) dst(%dma_wait3A_82 : memref<10240x128xf32, #tpu.memory_space<vmem_shared>>)
    %dma_wait3A_85 = arith.constant 1 : i32
    %dma_wait3A_86 = arith.constant 39 : i32
    %dma_wait3A_87 = arith.constant 1 : i32
    %dma_wait3A_88 = arith.constant 0 : i32
    %dma_wait3A_89 = arith.constant 0 : i32
    %dma_wait3A_90 = tpu.memref_slice %arg9[%dma_wait3A_85, %dma_wait3A_88, %dma_wait3A_89] : memref<2x128x128xf32, #tpu.memory_space<vmem>> -> memref<1x128x128xf32, #tpu.memory_space<vmem>>
    %dma_wait3A_91 = tpu.memref_squeeze %dma_wait3A_90 : memref<1x128x128xf32, #tpu.memory_space<vmem>> -> memref<128x128xf32, #tpu.memory_space<vmem>>
    %dma_wait3A_92 = arith.constant 0 : i32
    %dma_wait3A_93 = tpu.memref_slice %arg8[%dma_wait3A_86, %dma_wait3A_92] : memref<40x128xi32, #tpu.memory_space<vmem>> -> memref<1x128xi32, #tpu.memory_space<vmem>>
    %dma_wait3A_94 = tpu.memref_squeeze %dma_wait3A_93 : memref<1x128xi32, #tpu.memory_space<vmem>> -> memref<128xi32, #tpu.memory_space<vmem>>
    %dma_wait3A_95 = arith.constant 0 : i32
    %dma_wait3A_96 = arith.constant 0 : i32
    %dma_wait3A_97 = tpu.memref_slice %arg10[%dma_wait3A_95, %dma_wait3A_96] : memref<10240x128xf32, #tpu.memory_space<vmem_shared>> -> memref<10240x128xf32, #tpu.memory_space<vmem_shared>>
    %dma_wait3A_98 = tpu.memref_slice %arg12[%dma_wait3A_87] : memref<2x!tpu.dma_semaphore, #tpu.memory_space<semaphore_mem>> -> memref<1x!tpu.dma_semaphore, #tpu.memory_space<semaphore_mem>>
    %dma_wait3A_99 = tpu.memref_squeeze %dma_wait3A_98 : memref<1x!tpu.dma_semaphore, #tpu.memory_space<semaphore_mem>> -> memref<!tpu.dma_semaphore, #tpu.memory_space<semaphore_mem>>
    tpu.wait_indirect_dma semaphore(%dma_wait3A_99 : memref<!tpu.dma_semaphore, #tpu.memory_space<semaphore_mem>>) src(%dma_wait3A_91 : memref<128x128xf32, #tpu.memory_space<vmem>>) dst(%dma_wait3A_97 : memref<10240x128xf32, #tpu.memory_space<vmem_shared>>)
    %barrier3A_100 = arith.constant 0 : index
    tpu.barrier barrier_id(%barrier3A_100)
    %mul3A_101 = arith.constant 640 : i32
    %mul3A_102 = arith.muli %arg1, %mul3A_101 : i32
    %mul3A_103 = arith.constant 640 : i32
    %mul3A_104 = arith.muli %arg1, %mul3A_103 : i32
    "tpu.region"() ({
      %run_scoped3A = tpu.sem_alloc : memref<!tpu.dma_semaphore, #tpu.memory_space<semaphore_mem>>
      %dma_start3A_105 = arith.constant 0 : i32
      %dma_start3A_106 = tpu.memref_slice %arg6[%arg0, %mul3A_104, %dma_start3A_105] : memref<2x10240x128xf32, #tpu.memory_space<hbm>> -> memref<1x640x128xf32, #tpu.memory_space<hbm>>
      %dma_start3A_107 = tpu.memref_squeeze %dma_start3A_106 : memref<1x640x128xf32, #tpu.memory_space<hbm>> -> memref<640x128xf32, #tpu.memory_space<hbm>>
      %dma_start3A_108 = arith.constant 0 : i32
      %dma_start3A_109 = tpu.memref_slice %arg10[%mul3A_102, %dma_start3A_108] : memref<10240x128xf32, #tpu.memory_space<vmem_shared>> -> memref<640x128xf32, #tpu.memory_space<vmem_shared>>
      tpu.enqueue_dma source(%dma_start3A_109 : memref<640x128xf32, #tpu.memory_space<vmem_shared>>) target(%dma_start3A_107 : memref<640x128xf32, #tpu.memory_space<hbm>>) target_semaphore(%run_scoped3A : memref<!tpu.dma_semaphore, #tpu.memory_space<semaphore_mem>>)
      %dma_wait3A_110 = arith.constant 0 : i32
      %dma_wait3A_111 = tpu.memref_slice %arg6[%arg0, %mul3A_104, %dma_wait3A_110] : memref<2x10240x128xf32, #tpu.memory_space<hbm>> -> memref<1x640x128xf32, #tpu.memory_space<hbm>>
      %dma_wait3A_112 = tpu.memref_squeeze %dma_wait3A_111 : memref<1x640x128xf32, #tpu.memory_space<hbm>> -> memref<640x128xf32, #tpu.memory_space<hbm>>
      %dma_wait3A_113 = arith.constant 0 : i32
      %dma_wait3A_114 = tpu.memref_slice %arg10[%mul3A_102, %dma_wait3A_113] : memref<10240x128xf32, #tpu.memory_space<vmem_shared>> -> memref<640x128xf32, #tpu.memory_space<vmem_shared>>
      tpu.wait_dma2 semaphore(%run_scoped3A : memref<!tpu.dma_semaphore, #tpu.memory_space<semaphore_mem>>) src(%dma_wait3A_114 : memref<640x128xf32, #tpu.memory_space<vmem_shared>>) dst(%dma_wait3A_112 : memref<640x128xf32, #tpu.memory_space<hbm>>)
      tpu.yield
    }) : () -> ()
    return
  }
}

#map = affine_map<(d0, d1) -> (0, 0, 0, 0)>
#map1 = affine_map<(d0, d1) -> (0)>
#map2 = affine_map<(d0, d1) -> (0, 0)>
module attributes {stable_mosaic.version = 14 : i64} {
  func.func @_count_body(%arg0: i32, %arg1: i32, %arg2: memref<2x16x40x128xi32, #tpu.memory_space<hbm>>, %arg3: memref<640xf32, #tpu.memory_space<hbm>>, %arg4: memref<128xf32, #tpu.memory_space<hbm>>, %arg5: memref<2x10240xf32, #tpu.memory_space<hbm>>, %arg6: memref<40x128xi32, #tpu.memory_space<vmem>>, %arg7: memref<128xf32, #tpu.memory_space<vmem>>, %arg8: memref<10240xf32, #tpu.memory_space<vmem_shared>>) attributes {dimension_semantics = [#tpu.dimension_semantics<core_parallel>, #tpu.dimension_semantics<subcore_parallel>], iteration_bounds = array<i64: 2, 16>, scalar_prefetch = 0 : i64, scratch_operands = 3 : i64, tpu.core_type = #tpu.core_type<sc_vector_subcore>, window_params = [{transform_indices = #map}, {transform_indices = #map1}, {transform_indices = #map1}, {transform_indices = #map2}]} {
    %mul3A = arith.constant 640 : i32
    %mul3A_0 = arith.muli %arg1, %mul3A : i32
    "tpu.region"() ({
      %run_scoped3A = tpu.sem_alloc : memref<!tpu.dma_semaphore, #tpu.memory_space<semaphore_mem>>
      %dma_start3A = tpu.memref_slice %arg8[%mul3A_0] : memref<10240xf32, #tpu.memory_space<vmem_shared>> -> memref<640xf32, #tpu.memory_space<vmem_shared>>
      tpu.enqueue_dma source(%arg3 : memref<640xf32, #tpu.memory_space<hbm>>) target(%dma_start3A : memref<640xf32, #tpu.memory_space<vmem_shared>>) target_semaphore(%run_scoped3A : memref<!tpu.dma_semaphore, #tpu.memory_space<semaphore_mem>>)
      %dma_wait3A = tpu.memref_slice %arg8[%mul3A_0] : memref<10240xf32, #tpu.memory_space<vmem_shared>> -> memref<640xf32, #tpu.memory_space<vmem_shared>>
      tpu.wait_dma2 semaphore(%run_scoped3A : memref<!tpu.dma_semaphore, #tpu.memory_space<semaphore_mem>>) src(%arg3 : memref<640xf32, #tpu.memory_space<hbm>>) dst(%dma_wait3A : memref<640xf32, #tpu.memory_space<vmem_shared>>)
      tpu.yield
    }) : () -> ()
    "tpu.region"() ({
      %run_scoped3A = tpu.sem_alloc : memref<!tpu.dma_semaphore, #tpu.memory_space<semaphore_mem>>
      tpu.enqueue_dma source(%arg4 : memref<128xf32, #tpu.memory_space<hbm>>) target(%arg7 : memref<128xf32, #tpu.memory_space<vmem>>) target_semaphore(%run_scoped3A : memref<!tpu.dma_semaphore, #tpu.memory_space<semaphore_mem>>)
      tpu.wait_dma2 semaphore(%run_scoped3A : memref<!tpu.dma_semaphore, #tpu.memory_space<semaphore_mem>>) src(%arg4 : memref<128xf32, #tpu.memory_space<hbm>>) dst(%arg7 : memref<128xf32, #tpu.memory_space<vmem>>)
      tpu.yield
    }) : () -> ()
    "tpu.region"() ({
      %run_scoped3A = tpu.sem_alloc : memref<!tpu.dma_semaphore, #tpu.memory_space<semaphore_mem>>
      %dma_start3A = arith.constant 0 : i32
      %dma_start3A_11 = arith.constant 0 : i32
      %dma_start3A_12 = tpu.memref_slice %arg2[%arg0, %arg1, %dma_start3A, %dma_start3A_11] : memref<2x16x40x128xi32, #tpu.memory_space<hbm>> -> memref<1x1x40x128xi32, #tpu.memory_space<hbm>>
      %dma_start3A_13 = tpu.memref_squeeze %dma_start3A_12 : memref<1x1x40x128xi32, #tpu.memory_space<hbm>> -> memref<40x128xi32, #tpu.memory_space<hbm>>
      %dma_start3A_14 = arith.constant 0 : i32
      %dma_start3A_15 = arith.constant 0 : i32
      %dma_start3A_16 = tpu.memref_slice %arg2[%arg0, %arg1, %dma_start3A_14, %dma_start3A_15] : memref<2x16x40x128xi32, #tpu.memory_space<hbm>> -> memref<1x1x40x128xi32, #tpu.memory_space<hbm>>
      %dma_start3A_17 = tpu.memref_squeeze %dma_start3A_16 : memref<1x1x40x128xi32, #tpu.memory_space<hbm>> -> memref<40x128xi32, #tpu.memory_space<hbm>>
      tpu.enqueue_dma source(%dma_start3A_17 : memref<40x128xi32, #tpu.memory_space<hbm>>) target(%arg6 : memref<40x128xi32, #tpu.memory_space<vmem>>) target_semaphore(%run_scoped3A : memref<!tpu.dma_semaphore, #tpu.memory_space<semaphore_mem>>)
      %dma_wait3A = arith.constant 0 : i32
      %dma_wait3A_18 = arith.constant 0 : i32
      %dma_wait3A_19 = tpu.memref_slice %arg2[%arg0, %arg1, %dma_wait3A, %dma_wait3A_18] : memref<2x16x40x128xi32, #tpu.memory_space<hbm>> -> memref<1x1x40x128xi32, #tpu.memory_space<hbm>>
      %dma_wait3A_20 = tpu.memref_squeeze %dma_wait3A_19 : memref<1x1x40x128xi32, #tpu.memory_space<hbm>> -> memref<40x128xi32, #tpu.memory_space<hbm>>
      %dma_wait3A_21 = arith.constant 0 : i32
      %dma_wait3A_22 = arith.constant 0 : i32
      %dma_wait3A_23 = tpu.memref_slice %arg2[%arg0, %arg1, %dma_wait3A_21, %dma_wait3A_22] : memref<2x16x40x128xi32, #tpu.memory_space<hbm>> -> memref<1x1x40x128xi32, #tpu.memory_space<hbm>>
      %dma_wait3A_24 = tpu.memref_squeeze %dma_wait3A_23 : memref<1x1x40x128xi32, #tpu.memory_space<hbm>> -> memref<40x128xi32, #tpu.memory_space<hbm>>
      tpu.wait_dma2 semaphore(%run_scoped3A : memref<!tpu.dma_semaphore, #tpu.memory_space<semaphore_mem>>) src(%dma_wait3A_24 : memref<40x128xi32, #tpu.memory_space<hbm>>) dst(%arg6 : memref<40x128xi32, #tpu.memory_space<vmem>>)
      tpu.yield
    }) : () -> ()
    %barrier3A = arith.constant 0 : index
    tpu.barrier barrier_id(%barrier3A)
    %scan3A = arith.constant 0 : i32
    %scan3A_1 = arith.constant 0 : i32
    %scan3A_2 = arith.constant 40 : i32
    %scan3A_3 = arith.addi %scan3A_1, %scan3A_2 : i32
    %scan3A_4 = arith.constant 1 : i32
    scf.for %scan3A_11 = %scan3A_1 to %scan3A_3 step %scan3A_4  : i32 {
      "tpu.region"() ({
        %run_scoped3A = tpu.sem_alloc : memref<!tpu.dma_semaphore, #tpu.memory_space<semaphore_mem>>
        %dma_start3A = arith.constant 0 : i32
        %dma_start3A_12 = tpu.memref_slice %arg6[%scan3A_11, %dma_start3A] : memref<40x128xi32, #tpu.memory_space<vmem>> -> memref<1x128xi32, #tpu.memory_space<vmem>>
        %dma_start3A_13 = tpu.memref_squeeze %dma_start3A_12 : memref<1x128xi32, #tpu.memory_space<vmem>> -> memref<128xi32, #tpu.memory_space<vmem>>
        %dma_start3A_14 = arith.constant 0 : i32
        %dma_start3A_15 = tpu.memref_slice %arg8[%dma_start3A_14] : memref<10240xf32, #tpu.memory_space<vmem_shared>> -> memref<10240xf32, #tpu.memory_space<vmem_shared>>
        tpu.enqueue_indirect_dma source(%arg7 : memref<128xf32, #tpu.memory_space<vmem>>) target(%dma_start3A_15 : memref<10240xf32, #tpu.memory_space<vmem_shared>>) offsets(%dma_start3A_13 : memref<128xi32, #tpu.memory_space<vmem>>) semaphore(%run_scoped3A : memref<!tpu.dma_semaphore, #tpu.memory_space<semaphore_mem>>) {add = true}
        %dma_wait3A = arith.constant 0 : i32
        %dma_wait3A_16 = tpu.memref_slice %arg6[%scan3A_11, %dma_wait3A] : memref<40x128xi32, #tpu.memory_space<vmem>> -> memref<1x128xi32, #tpu.memory_space<vmem>>
        %dma_wait3A_17 = tpu.memref_squeeze %dma_wait3A_16 : memref<1x128xi32, #tpu.memory_space<vmem>> -> memref<128xi32, #tpu.memory_space<vmem>>
        %dma_wait3A_18 = arith.constant 0 : i32
        %dma_wait3A_19 = tpu.memref_slice %arg8[%dma_wait3A_18] : memref<10240xf32, #tpu.memory_space<vmem_shared>> -> memref<10240xf32, #tpu.memory_space<vmem_shared>>
        tpu.wait_indirect_dma semaphore(%run_scoped3A : memref<!tpu.dma_semaphore, #tpu.memory_space<semaphore_mem>>) src(%arg7 : memref<128xf32, #tpu.memory_space<vmem>>) dst(%dma_wait3A_19 : memref<10240xf32, #tpu.memory_space<vmem_shared>>)
        tpu.yield
      }) : () -> ()
    }
    %scan3A_5 = arith.constant 40 : i32
    %barrier3A_6 = arith.constant 0 : index
    tpu.barrier barrier_id(%barrier3A_6)
    %mul3A_7 = arith.constant 640 : i32
    %mul3A_8 = arith.muli %arg1, %mul3A_7 : i32
    %mul3A_9 = arith.constant 640 : i32
    %mul3A_10 = arith.muli %arg1, %mul3A_9 : i32
    "tpu.region"() ({
      %run_scoped3A = tpu.sem_alloc : memref<!tpu.dma_semaphore, #tpu.memory_space<semaphore_mem>>
      %dma_start3A = tpu.memref_slice %arg5[%arg0, %mul3A_10] : memref<2x10240xf32, #tpu.memory_space<hbm>> -> memref<1x640xf32, #tpu.memory_space<hbm>>
      %dma_start3A_11 = tpu.memref_squeeze %dma_start3A : memref<1x640xf32, #tpu.memory_space<hbm>> -> memref<640xf32, #tpu.memory_space<hbm>>
      %dma_start3A_12 = tpu.memref_slice %arg8[%mul3A_8] : memref<10240xf32, #tpu.memory_space<vmem_shared>> -> memref<640xf32, #tpu.memory_space<vmem_shared>>
      tpu.enqueue_dma source(%dma_start3A_12 : memref<640xf32, #tpu.memory_space<vmem_shared>>) target(%dma_start3A_11 : memref<640xf32, #tpu.memory_space<hbm>>) target_semaphore(%run_scoped3A : memref<!tpu.dma_semaphore, #tpu.memory_space<semaphore_mem>>)
      %dma_wait3A = tpu.memref_slice %arg5[%arg0, %mul3A_10] : memref<2x10240xf32, #tpu.memory_space<hbm>> -> memref<1x640xf32, #tpu.memory_space<hbm>>
      %dma_wait3A_13 = tpu.memref_squeeze %dma_wait3A : memref<1x640xf32, #tpu.memory_space<hbm>> -> memref<640xf32, #tpu.memory_space<hbm>>
      %dma_wait3A_14 = tpu.memref_slice %arg8[%mul3A_8] : memref<10240xf32, #tpu.memory_space<vmem_shared>> -> memref<640xf32, #tpu.memory_space<vmem_shared>>
      tpu.wait_dma2 semaphore(%run_scoped3A : memref<!tpu.dma_semaphore, #tpu.memory_space<semaphore_mem>>) src(%dma_wait3A_14 : memref<640xf32, #tpu.memory_space<vmem_shared>>) dst(%dma_wait3A_13 : memref<640xf32, #tpu.memory_space<hbm>>)
      tpu.yield
    }) : () -> ()
    return
  }
}

#map = affine_map<(d0, d1) -> (0, 0)>
#map1 = affine_map<(d0, d1) -> (0, 0, 0, 0)>
#map2 = affine_map<(d0, d1) -> (0, 0, 0)>
module attributes {stable_mosaic.version = 14 : i64} {
  func.func @_segsum_body(%arg0: i32, %arg1: i32, %arg2: memref<20480x128xf32, #tpu.memory_space<hbm>>, %arg3: memref<2x16x80x128xi32, #tpu.memory_space<hbm>>, %arg4: memref<16x80x128xi32, #tpu.memory_space<hbm>>, %arg5: memref<640x128xf32, #tpu.memory_space<hbm>>, %arg6: memref<2x10240x128xf32, #tpu.memory_space<hbm>>, %arg7: memref<40x128xi32, #tpu.memory_space<vmem>>, %arg8: memref<40x128xi32, #tpu.memory_space<vmem>>, %arg9: memref<2x128x128xf32, #tpu.memory_space<vmem>>, %arg10: memref<10240x128xf32, #tpu.memory_space<vmem_shared>>, %arg11: memref<2x!tpu.dma_semaphore, #tpu.memory_space<semaphore_mem>>, %arg12: memref<2x!tpu.dma_semaphore, #tpu.memory_space<semaphore_mem>>) attributes {dimension_semantics = [#tpu.dimension_semantics<core_parallel>, #tpu.dimension_semantics<subcore_parallel>], iteration_bounds = array<i64: 2, 16>, scalar_prefetch = 0 : i64, scratch_operands = 6 : i64, tpu.core_type = #tpu.core_type<sc_vector_subcore>, window_params = [{transform_indices = #map}, {transform_indices = #map1}, {transform_indices = #map2}, {transform_indices = #map}, {transform_indices = #map2}]} {
    %mul3A = arith.constant 640 : i32
    %mul3A_0 = arith.muli %arg1, %mul3A : i32
    "tpu.region"() ({
      %run_scoped3A = tpu.sem_alloc : memref<!tpu.dma_semaphore, #tpu.memory_space<semaphore_mem>>
      %dma_start3A_105 = arith.constant 0 : i32
      %dma_start3A_106 = tpu.memref_slice %arg10[%mul3A_0, %dma_start3A_105] : memref<10240x128xf32, #tpu.memory_space<vmem_shared>> -> memref<640x128xf32, #tpu.memory_space<vmem_shared>>
      tpu.enqueue_dma source(%arg5 : memref<640x128xf32, #tpu.memory_space<hbm>>) target(%dma_start3A_106 : memref<640x128xf32, #tpu.memory_space<vmem_shared>>) target_semaphore(%run_scoped3A : memref<!tpu.dma_semaphore, #tpu.memory_space<semaphore_mem>>)
      %dma_wait3A_107 = arith.constant 0 : i32
      %dma_wait3A_108 = tpu.memref_slice %arg10[%mul3A_0, %dma_wait3A_107] : memref<10240x128xf32, #tpu.memory_space<vmem_shared>> -> memref<640x128xf32, #tpu.memory_space<vmem_shared>>
      tpu.wait_dma2 semaphore(%run_scoped3A : memref<!tpu.dma_semaphore, #tpu.memory_space<semaphore_mem>>) src(%arg5 : memref<640x128xf32, #tpu.memory_space<hbm>>) dst(%dma_wait3A_108 : memref<640x128xf32, #tpu.memory_space<vmem_shared>>)
      tpu.yield
    }) : () -> ()
    %barrier3A = arith.constant 0 : index
    tpu.barrier barrier_id(%barrier3A)
    "tpu.region"() ({
      %run_scoped3A = tpu.sem_alloc : memref<!tpu.dma_semaphore, #tpu.memory_space<semaphore_mem>>
      %dma_start3A_105 = arith.constant 0 : i32
      %dma_start3A_106 = arith.constant 0 : i32
      %dma_start3A_107 = tpu.memref_slice %arg3[%arg0, %arg1, %dma_start3A_105, %dma_start3A_106] : memref<2x16x80x128xi32, #tpu.memory_space<hbm>> -> memref<1x1x40x128xi32, #tpu.memory_space<hbm>>
      %dma_start3A_108 = tpu.memref_squeeze %dma_start3A_107 : memref<1x1x40x128xi32, #tpu.memory_space<hbm>> -> memref<40x128xi32, #tpu.memory_space<hbm>>
      %dma_start3A_109 = arith.constant 0 : i32
      %dma_start3A_110 = arith.constant 0 : i32
      %dma_start3A_111 = tpu.memref_slice %arg3[%arg0, %arg1, %dma_start3A_109, %dma_start3A_110] : memref<2x16x80x128xi32, #tpu.memory_space<hbm>> -> memref<1x1x40x128xi32, #tpu.memory_space<hbm>>
      %dma_start3A_112 = tpu.memref_squeeze %dma_start3A_111 : memref<1x1x40x128xi32, #tpu.memory_space<hbm>> -> memref<40x128xi32, #tpu.memory_space<hbm>>
      tpu.enqueue_dma source(%dma_start3A_112 : memref<40x128xi32, #tpu.memory_space<hbm>>) target(%arg7 : memref<40x128xi32, #tpu.memory_space<vmem>>) target_semaphore(%run_scoped3A : memref<!tpu.dma_semaphore, #tpu.memory_space<semaphore_mem>>)
      %dma_wait3A_113 = arith.constant 0 : i32
      %dma_wait3A_114 = arith.constant 0 : i32
      %dma_wait3A_115 = tpu.memref_slice %arg3[%arg0, %arg1, %dma_wait3A_113, %dma_wait3A_114] : memref<2x16x80x128xi32, #tpu.memory_space<hbm>> -> memref<1x1x40x128xi32, #tpu.memory_space<hbm>>
      %dma_wait3A_116 = tpu.memref_squeeze %dma_wait3A_115 : memref<1x1x40x128xi32, #tpu.memory_space<hbm>> -> memref<40x128xi32, #tpu.memory_space<hbm>>
      %dma_wait3A_117 = arith.constant 0 : i32
      %dma_wait3A_118 = arith.constant 0 : i32
      %dma_wait3A_119 = tpu.memref_slice %arg3[%arg0, %arg1, %dma_wait3A_117, %dma_wait3A_118] : memref<2x16x80x128xi32, #tpu.memory_space<hbm>> -> memref<1x1x40x128xi32, #tpu.memory_space<hbm>>
      %dma_wait3A_120 = tpu.memref_squeeze %dma_wait3A_119 : memref<1x1x40x128xi32, #tpu.memory_space<hbm>> -> memref<40x128xi32, #tpu.memory_space<hbm>>
      tpu.wait_dma2 semaphore(%run_scoped3A : memref<!tpu.dma_semaphore, #tpu.memory_space<semaphore_mem>>) src(%dma_wait3A_120 : memref<40x128xi32, #tpu.memory_space<hbm>>) dst(%arg7 : memref<40x128xi32, #tpu.memory_space<vmem>>)
      tpu.yield
    }) : () -> ()
    "tpu.region"() ({
      %run_scoped3A = tpu.sem_alloc : memref<!tpu.dma_semaphore, #tpu.memory_space<semaphore_mem>>
      %dma_start3A_105 = arith.constant 0 : i32
      %dma_start3A_106 = arith.constant 0 : i32
      %dma_start3A_107 = tpu.memref_slice %arg4[%arg1, %dma_start3A_105, %dma_start3A_106] : memref<16x80x128xi32, #tpu.memory_space<hbm>> -> memref<1x40x128xi32, #tpu.memory_space<hbm>>
      %dma_start3A_108 = tpu.memref_squeeze %dma_start3A_107 : memref<1x40x128xi32, #tpu.memory_space<hbm>> -> memref<40x128xi32, #tpu.memory_space<hbm>>
      %dma_start3A_109 = arith.constant 0 : i32
      %dma_start3A_110 = arith.constant 0 : i32
      %dma_start3A_111 = tpu.memref_slice %arg4[%arg1, %dma_start3A_109, %dma_start3A_110] : memref<16x80x128xi32, #tpu.memory_space<hbm>> -> memref<1x40x128xi32, #tpu.memory_space<hbm>>
      %dma_start3A_112 = tpu.memref_squeeze %dma_start3A_111 : memref<1x40x128xi32, #tpu.memory_space<hbm>> -> memref<40x128xi32, #tpu.memory_space<hbm>>
      tpu.enqueue_dma source(%dma_start3A_112 : memref<40x128xi32, #tpu.memory_space<hbm>>) target(%arg8 : memref<40x128xi32, #tpu.memory_space<vmem>>) target_semaphore(%run_scoped3A : memref<!tpu.dma_semaphore, #tpu.memory_space<semaphore_mem>>)
      %dma_wait3A_113 = arith.constant 0 : i32
      %dma_wait3A_114 = arith.constant 0 : i32
      %dma_wait3A_115 = tpu.memref_slice %arg4[%arg1, %dma_wait3A_113, %dma_wait3A_114] : memref<16x80x128xi32, #tpu.memory_space<hbm>> -> memref<1x40x128xi32, #tpu.memory_space<hbm>>
      %dma_wait3A_116 = tpu.memref_squeeze %dma_wait3A_115 : memref<1x40x128xi32, #tpu.memory_space<hbm>> -> memref<40x128xi32, #tpu.memory_space<hbm>>
      %dma_wait3A_117 = arith.constant 0 : i32
      %dma_wait3A_118 = arith.constant 0 : i32
      %dma_wait3A_119 = tpu.memref_slice %arg4[%arg1, %dma_wait3A_117, %dma_wait3A_118] : memref<16x80x128xi32, #tpu.memory_space<hbm>> -> memref<1x40x128xi32, #tpu.memory_space<hbm>>
      %dma_wait3A_120 = tpu.memref_squeeze %dma_wait3A_119 : memref<1x40x128xi32, #tpu.memory_space<hbm>> -> memref<40x128xi32, #tpu.memory_space<hbm>>
      tpu.wait_dma2 semaphore(%run_scoped3A : memref<!tpu.dma_semaphore, #tpu.memory_space<semaphore_mem>>) src(%dma_wait3A_120 : memref<40x128xi32, #tpu.memory_space<hbm>>) dst(%arg8 : memref<40x128xi32, #tpu.memory_space<vmem>>)
      tpu.yield
    }) : () -> ()
    %dma_start3A = arith.constant 0 : i32
    %dma_start3A_1 = arith.constant 0 : i32
    %dma_start3A_2 = arith.constant 0 : i32
    %dma_start3A_3 = arith.constant 0 : i32
    %dma_start3A_4 = arith.constant 0 : i32
    %dma_start3A_5 = tpu.memref_slice %arg9[%dma_start3A_1, %dma_start3A_3, %dma_start3A_4] : memref<2x128x128xf32, #tpu.memory_space<vmem>> -> memref<1x128x128xf32, #tpu.memory_space<vmem>>
    %dma_start3A_6 = tpu.memref_squeeze %dma_start3A_5 : memref<1x128x128xf32, #tpu.memory_space<vmem>> -> memref<128x128xf32, #tpu.memory_space<vmem>>
    %dma_start3A_7 = arith.constant 0 : i32
    %dma_start3A_8 = tpu.memref_slice %arg7[%dma_start3A, %dma_start3A_7] : memref<40x128xi32, #tpu.memory_space<vmem>> -> memref<1x128xi32, #tpu.memory_space<vmem>>
    %dma_start3A_9 = tpu.memref_squeeze %dma_start3A_8 : memref<1x128xi32, #tpu.memory_space<vmem>> -> memref<128xi32, #tpu.memory_space<vmem>>
    %dma_start3A_10 = arith.constant 0 : i32
    %dma_start3A_11 = arith.constant 0 : i32
    %dma_start3A_12 = tpu.memref_slice %arg2[%dma_start3A_10, %dma_start3A_11] : memref<20480x128xf32, #tpu.memory_space<hbm>> -> memref<20480x128xf32, #tpu.memory_space<hbm>>
    %dma_start3A_13 = tpu.memref_slice %arg11[%dma_start3A_2] : memref<2x!tpu.dma_semaphore, #tpu.memory_space<semaphore_mem>> -> memref<1x!tpu.dma_semaphore, #tpu.memory_space<semaphore_mem>>
    %dma_start3A_14 = tpu.memref_squeeze %dma_start3A_13 : memref<1x!tpu.dma_semaphore, #tpu.memory_space<semaphore_mem>> -> memref<!tpu.dma_semaphore, #tpu.memory_space<semaphore_mem>>
    tpu.enqueue_indirect_dma source(%dma_start3A_12 : memref<20480x128xf32, #tpu.memory_space<hbm>>) target(%dma_start3A_6 : memref<128x128xf32, #tpu.memory_space<vmem>>) offsets(%dma_start3A_9 : memref<128xi32, #tpu.memory_space<vmem>>) semaphore(%dma_start3A_14 : memref<!tpu.dma_semaphore, #tpu.memory_space<semaphore_mem>>)
    %scan3A = arith.constant 0 : i32
    %scan3A_15 = arith.constant 0 : i32
    %scan3A_16 = arith.constant 40 : i32
    %scan3A_17 = arith.addi %scan3A_15, %scan3A_16 : i32
    %scan3A_18 = arith.constant 1 : i32
    scf.for %scan3A_105 = %scan3A_15 to %scan3A_17 step %scan3A_18  : i32 {
      %jit3A = arith.constant 2 : i32
      %eq3A = arith.constant 0 : i32
      %eq3A_106 = arith.cmpi eq, %jit3A, %eq3A : i32
      %jit3A_107 = arith.constant 1 : i32
      %select_n3A = arith.select %eq3A_106, %jit3A_107, %jit3A : i32
      %rem3A = arith.remsi %scan3A_105, %select_n3A : i32
      %ne3A = arith.constant 0 : i32
      %ne3A_108 = arith.cmpi ne, %rem3A, %ne3A : i32
      %lt3A = arith.constant 0 : i32
      %lt3A_109 = arith.cmpi slt, %rem3A, %lt3A : i32
      %lt3A_110 = arith.constant 0 : i32
      %lt3A_111 = arith.cmpi slt, %select_n3A, %lt3A_110 : i32
      %ne3A_112 = arith.xori %lt3A_109, %lt3A_111 : i1
      %and3A = arith.andi %ne3A_112, %ne3A_108 : i1
      %add3A = arith.addi %rem3A, %select_n3A : i32
      %select_n3A_113 = arith.select %and3A, %add3A, %rem3A : i32
      %dma_wait3A_114 = arith.constant 0 : i32
      %dma_wait3A_115 = arith.constant 0 : i32
      %dma_wait3A_116 = tpu.memref_slice %arg9[%select_n3A_113, %dma_wait3A_114, %dma_wait3A_115] : memref<2x128x128xf32, #tpu.memory_space<vmem>> -> memref<1x128x128xf32, #tpu.memory_space<vmem>>
      %dma_wait3A_117 = tpu.memref_squeeze %dma_wait3A_116 : memref<1x128x128xf32, #tpu.memory_space<vmem>> -> memref<128x128xf32, #tpu.memory_space<vmem>>
      %dma_wait3A_118 = arith.constant 0 : i32
      %dma_wait3A_119 = tpu.memref_slice %arg7[%scan3A_105, %dma_wait3A_118] : memref<40x128xi32, #tpu.memory_space<vmem>> -> memref<1x128xi32, #tpu.memory_space<vmem>>
      %dma_wait3A_120 = tpu.memref_squeeze %dma_wait3A_119 : memref<1x128xi32, #tpu.memory_space<vmem>> -> memref<128xi32, #tpu.memory_space<vmem>>
      %dma_wait3A_121 = arith.constant 0 : i32
      %dma_wait3A_122 = arith.constant 0 : i32
      %dma_wait3A_123 = tpu.memref_slice %arg2[%dma_wait3A_121, %dma_wait3A_122] : memref<20480x128xf32, #tpu.memory_space<hbm>> -> memref<20480x128xf32, #tpu.memory_space<hbm>>
      %dma_wait3A_124 = tpu.memref_slice %arg11[%select_n3A_113] : memref<2x!tpu.dma_semaphore, #tpu.memory_space<semaphore_mem>> -> memref<1x!tpu.dma_semaphore, #tpu.memory_space<semaphore_mem>>
      %dma_wait3A_125 = tpu.memref_squeeze %dma_wait3A_124 : memref<1x!tpu.dma_semaphore, #tpu.memory_space<semaphore_mem>> -> memref<!tpu.dma_semaphore, #tpu.memory_space<semaphore_mem>>
      tpu.wait_indirect_dma semaphore(%dma_wait3A_125 : memref<!tpu.dma_semaphore, #tpu.memory_space<semaphore_mem>>) src(%dma_wait3A_123 : memref<20480x128xf32, #tpu.memory_space<hbm>>) dst(%dma_wait3A_117 : memref<128x128xf32, #tpu.memory_space<vmem>>)
      %dma_start3A_126 = arith.constant 0 : i32
      %dma_start3A_127 = arith.constant 0 : i32
      %dma_start3A_128 = tpu.memref_slice %arg9[%select_n3A_113, %dma_start3A_126, %dma_start3A_127] : memref<2x128x128xf32, #tpu.memory_space<vmem>> -> memref<1x128x128xf32, #tpu.memory_space<vmem>>
      %dma_start3A_129 = tpu.memref_squeeze %dma_start3A_128 : memref<1x128x128xf32, #tpu.memory_space<vmem>> -> memref<128x128xf32, #tpu.memory_space<vmem>>
      %dma_start3A_130 = arith.constant 0 : i32
      %dma_start3A_131 = tpu.memref_slice %arg8[%scan3A_105, %dma_start3A_130] : memref<40x128xi32, #tpu.memory_space<vmem>> -> memref<1x128xi32, #tpu.memory_space<vmem>>
      %dma_start3A_132 = tpu.memref_squeeze %dma_start3A_131 : memref<1x128xi32, #tpu.memory_space<vmem>> -> memref<128xi32, #tpu.memory_space<vmem>>
      %dma_start3A_133 = arith.constant 0 : i32
      %dma_start3A_134 = arith.constant 0 : i32
      %dma_start3A_135 = tpu.memref_slice %arg10[%dma_start3A_133, %dma_start3A_134] : memref<10240x128xf32, #tpu.memory_space<vmem_shared>> -> memref<10240x128xf32, #tpu.memory_space<vmem_shared>>
      %dma_start3A_136 = tpu.memref_slice %arg12[%select_n3A_113] : memref<2x!tpu.dma_semaphore, #tpu.memory_space<semaphore_mem>> -> memref<1x!tpu.dma_semaphore, #tpu.memory_space<semaphore_mem>>
      %dma_start3A_137 = tpu.memref_squeeze %dma_start3A_136 : memref<1x!tpu.dma_semaphore, #tpu.memory_space<semaphore_mem>> -> memref<!tpu.dma_semaphore, #tpu.memory_space<semaphore_mem>>
      tpu.enqueue_indirect_dma source(%dma_start3A_129 : memref<128x128xf32, #tpu.memory_space<vmem>>) target(%dma_start3A_135 : memref<10240x128xf32, #tpu.memory_space<vmem_shared>>) offsets(%dma_start3A_132 : memref<128xi32, #tpu.memory_space<vmem>>) semaphore(%dma_start3A_137 : memref<!tpu.dma_semaphore, #tpu.memory_space<semaphore_mem>>) {add = true}
      %add3A_138 = arith.constant 2 : i32
      %add3A_139 = arith.addi %scan3A_105, %add3A_138 : i32
      %sub3A = arith.constant 1 : i32
      %sub3A_140 = arith.subi %add3A_139, %sub3A : i32
      %lt3A_141 = arith.constant 40 : i32
      %lt3A_142 = arith.cmpi slt, %sub3A_140, %lt3A_141 : i32
      %convert_element_type3A = arith.extui %lt3A_142 : i1 to i32
      %cond3A = arith.constant 0 : i32
      %cond3A_143 = arith.cmpi ne, %convert_element_type3A, %cond3A : i32
      scf.if %cond3A_143 {
        %add3A_144 = arith.constant 2 : i32
        %add3A_145 = arith.addi %scan3A_105, %add3A_144 : i32
        %sub3A_146 = arith.constant 1 : i32
        %sub3A_147 = arith.subi %add3A_145, %sub3A_146 : i32
        %jit3A_148 = arith.constant 2 : i32
        %eq3A_149 = arith.constant 0 : i32
        %eq3A_150 = arith.cmpi eq, %jit3A_148, %eq3A_149 : i32
        %jit3A_151 = arith.constant 1 : i32
        %select_n3A_152 = arith.select %eq3A_150, %jit3A_151, %jit3A_148 : i32
        %rem3A_153 = arith.remsi %sub3A_147, %select_n3A_152 : i32
        %ne3A_154 = arith.constant 0 : i32
        %ne3A_155 = arith.cmpi ne, %rem3A_153, %ne3A_154 : i32
        %lt3A_156 = arith.constant 0 : i32
        %lt3A_157 = arith.cmpi slt, %rem3A_153, %lt3A_156 : i32
        %lt3A_158 = arith.constant 0 : i32
        %lt3A_159 = arith.cmpi slt, %select_n3A_152, %lt3A_158 : i32
        %ne3A_160 = arith.xori %lt3A_157, %lt3A_159 : i1
        %and3A_161 = arith.andi %ne3A_160, %ne3A_155 : i1
        %add3A_162 = arith.addi %rem3A_153, %select_n3A_152 : i32
        %select_n3A_163 = arith.select %and3A_161, %add3A_162, %rem3A_153 : i32
        %ge3A = arith.constant 1 : i32
        %ge3A_164 = arith.cmpi sge, %scan3A_105, %ge3A : i32
        %convert_element_type3A_165 = arith.extui %ge3A_164 : i1 to i32
        %cond3A_166 = arith.constant 0 : i32
        %cond3A_167 = arith.cmpi ne, %convert_element_type3A_165, %cond3A_166 : i32
        scf.if %cond3A_167 {
          %sub3A_184 = arith.constant 1 : i32
          %sub3A_185 = arith.subi %scan3A_105, %sub3A_184 : i32
          %dma_wait3A_186 = arith.constant 0 : i32
          %dma_wait3A_187 = arith.constant 0 : i32
          %dma_wait3A_188 = tpu.memref_slice %arg9[%select_n3A_163, %dma_wait3A_186, %dma_wait3A_187] : memref<2x128x128xf32, #tpu.memory_space<vmem>> -> memref<1x128x128xf32, #tpu.memory_space<vmem>>
          %dma_wait3A_189 = tpu.memref_squeeze %dma_wait3A_188 : memref<1x128x128xf32, #tpu.memory_space<vmem>> -> memref<128x128xf32, #tpu.memory_space<vmem>>
          %dma_wait3A_190 = arith.constant 0 : i32
          %dma_wait3A_191 = tpu.memref_slice %arg8[%sub3A_185, %dma_wait3A_190] : memref<40x128xi32, #tpu.memory_space<vmem>> -> memref<1x128xi32, #tpu.memory_space<vmem>>
          %dma_wait3A_192 = tpu.memref_squeeze %dma_wait3A_191 : memref<1x128xi32, #tpu.memory_space<vmem>> -> memref<128xi32, #tpu.memory_space<vmem>>
          %dma_wait3A_193 = arith.constant 0 : i32
          %dma_wait3A_194 = arith.constant 0 : i32
          %dma_wait3A_195 = tpu.memref_slice %arg10[%dma_wait3A_193, %dma_wait3A_194] : memref<10240x128xf32, #tpu.memory_space<vmem_shared>> -> memref<10240x128xf32, #tpu.memory_space<vmem_shared>>
          %dma_wait3A_196 = tpu.memref_slice %arg12[%select_n3A_163] : memref<2x!tpu.dma_semaphore, #tpu.memory_space<semaphore_mem>> -> memref<1x!tpu.dma_semaphore, #tpu.memory_space<semaphore_mem>>
          %dma_wait3A_197 = tpu.memref_squeeze %dma_wait3A_196 : memref<1x!tpu.dma_semaphore, #tpu.memory_space<semaphore_mem>> -> memref<!tpu.dma_semaphore, #tpu.memory_space<semaphore_mem>>
          tpu.wait_indirect_dma semaphore(%dma_wait3A_197 : memref<!tpu.dma_semaphore, #tpu.memory_space<semaphore_mem>>) src(%dma_wait3A_189 : memref<128x128xf32, #tpu.memory_space<vmem>>) dst(%dma_wait3A_195 : memref<10240x128xf32, #tpu.memory_space<vmem_shared>>)
        } else {
        }
        %add3A_168 = arith.constant 2 : i32
        %add3A_169 = arith.addi %scan3A_105, %add3A_168 : i32
        %sub3A_170 = arith.constant 1 : i32
        %sub3A_171 = arith.subi %add3A_169, %sub3A_170 : i32
        %dma_start3A_172 = arith.constant 0 : i32
        %dma_start3A_173 = arith.constant 0 : i32
        %dma_start3A_174 = tpu.memref_slice %arg9[%select_n3A_163, %dma_start3A_172, %dma_start3A_173] : memref<2x128x128xf32, #tpu.memory_space<vmem>> -> memref<1x128x128xf32, #tpu.memory_space<vmem>>
        %dma_start3A_175 = tpu.memref_squeeze %dma_start3A_174 : memref<1x128x128xf32, #tpu.memory_space<vmem>> -> memref<128x128xf32, #tpu.memory_space<vmem>>
        %dma_start3A_176 = arith.constant 0 : i32
        %dma_start3A_177 = tpu.memref_slice %arg7[%sub3A_171, %dma_start3A_176] : memref<40x128xi32, #tpu.memory_space<vmem>> -> memref<1x128xi32, #tpu.memory_space<vmem>>
        %dma_start3A_178 = tpu.memref_squeeze %dma_start3A_177 : memref<1x128xi32, #tpu.memory_space<vmem>> -> memref<128xi32, #tpu.memory_space<vmem>>
        %dma_start3A_179 = arith.constant 0 : i32
        %dma_start3A_180 = arith.constant 0 : i32
        %dma_start3A_181 = tpu.memref_slice %arg2[%dma_start3A_179, %dma_start3A_180] : memref<20480x128xf32, #tpu.memory_space<hbm>> -> memref<20480x128xf32, #tpu.memory_space<hbm>>
        %dma_start3A_182 = tpu.memref_slice %arg11[%select_n3A_163] : memref<2x!tpu.dma_semaphore, #tpu.memory_space<semaphore_mem>> -> memref<1x!tpu.dma_semaphore, #tpu.memory_space<semaphore_mem>>
        %dma_start3A_183 = tpu.memref_squeeze %dma_start3A_182 : memref<1x!tpu.dma_semaphore, #tpu.memory_space<semaphore_mem>> -> memref<!tpu.dma_semaphore, #tpu.memory_space<semaphore_mem>>
        tpu.enqueue_indirect_dma source(%dma_start3A_181 : memref<20480x128xf32, #tpu.memory_space<hbm>>) target(%dma_start3A_175 : memref<128x128xf32, #tpu.memory_space<vmem>>) offsets(%dma_start3A_178 : memref<128xi32, #tpu.memory_space<vmem>>) semaphore(%dma_start3A_183 : memref<!tpu.dma_semaphore, #tpu.memory_space<semaphore_mem>>)
      } else {
      }
    }
    %scan3A_19 = arith.constant 40 : i32
    %dma_wait3A = arith.constant 0 : i32
    %dma_wait3A_20 = arith.constant 38 : i32
    %dma_wait3A_21 = arith.constant 0 : i32
    %dma_wait3A_22 = arith.constant 0 : i32
    %dma_wait3A_23 = arith.constant 0 : i32
    %dma_wait3A_24 = tpu.memref_slice %arg9[%dma_wait3A, %dma_wait3A_22, %dma_wait3A_23] : memref<2x128x128xf32, #tpu.memory_space<vmem>> -> memref<1x128x128xf32, #tpu.memory_space<vmem>>
    %dma_wait3A_25 = tpu.memref_squeeze %dma_wait3A_24 : memref<1x128x128xf32, #tpu.memory_space<vmem>> -> memref<128x128xf32, #tpu.memory_space<vmem>>
    %dma_wait3A_26 = arith.constant 0 : i32
    %dma_wait3A_27 = tpu.memref_slice %arg8[%dma_wait3A_20, %dma_wait3A_26] : memref<40x128xi32, #tpu.memory_space<vmem>> -> memref<1x128xi32, #tpu.memory_space<vmem>>
    %dma_wait3A_28 = tpu.memref_squeeze %dma_wait3A_27 : memref<1x128xi32, #tpu.memory_space<vmem>> -> memref<128xi32, #tpu.memory_space<vmem>>
    %dma_wait3A_29 = arith.constant 0 : i32
    %dma_wait3A_30 = arith.constant 0 : i32
    %dma_wait3A_31 = tpu.memref_slice %arg10[%dma_wait3A_29, %dma_wait3A_30] : memref<10240x128xf32, #tpu.memory_space<vmem_shared>> -> memref<10240x128xf32, #tpu.memory_space<vmem_shared>>
    %dma_wait3A_32 = tpu.memref_slice %arg12[%dma_wait3A_21] : memref<2x!tpu.dma_semaphore, #tpu.memory_space<semaphore_mem>> -> memref<1x!tpu.dma_semaphore, #tpu.memory_space<semaphore_mem>>
    %dma_wait3A_33 = tpu.memref_squeeze %dma_wait3A_32 : memref<1x!tpu.dma_semaphore, #tpu.memory_space<semaphore_mem>> -> memref<!tpu.dma_semaphore, #tpu.memory_space<semaphore_mem>>
    tpu.wait_indirect_dma semaphore(%dma_wait3A_33 : memref<!tpu.dma_semaphore, #tpu.memory_space<semaphore_mem>>) src(%dma_wait3A_25 : memref<128x128xf32, #tpu.memory_space<vmem>>) dst(%dma_wait3A_31 : memref<10240x128xf32, #tpu.memory_space<vmem_shared>>)
    %dma_wait3A_34 = arith.constant 1 : i32
    %dma_wait3A_35 = arith.constant 39 : i32
    %dma_wait3A_36 = arith.constant 1 : i32
    %dma_wait3A_37 = arith.constant 0 : i32
    %dma_wait3A_38 = arith.constant 0 : i32
    %dma_wait3A_39 = tpu.memref_slice %arg9[%dma_wait3A_34, %dma_wait3A_37, %dma_wait3A_38] : memref<2x128x128xf32, #tpu.memory_space<vmem>> -> memref<1x128x128xf32, #tpu.memory_space<vmem>>
    %dma_wait3A_40 = tpu.memref_squeeze %dma_wait3A_39 : memref<1x128x128xf32, #tpu.memory_space<vmem>> -> memref<128x128xf32, #tpu.memory_space<vmem>>
    %dma_wait3A_41 = arith.constant 0 : i32
    %dma_wait3A_42 = tpu.memref_slice %arg8[%dma_wait3A_35, %dma_wait3A_41] : memref<40x128xi32, #tpu.memory_space<vmem>> -> memref<1x128xi32, #tpu.memory_space<vmem>>
    %dma_wait3A_43 = tpu.memref_squeeze %dma_wait3A_42 : memref<1x128xi32, #tpu.memory_space<vmem>> -> memref<128xi32, #tpu.memory_space<vmem>>
    %dma_wait3A_44 = arith.constant 0 : i32
    %dma_wait3A_45 = arith.constant 0 : i32
    %dma_wait3A_46 = tpu.memref_slice %arg10[%dma_wait3A_44, %dma_wait3A_45] : memref<10240x128xf32, #tpu.memory_space<vmem_shared>> -> memref<10240x128xf32, #tpu.memory_space<vmem_shared>>
    %dma_wait3A_47 = tpu.memref_slice %arg12[%dma_wait3A_36] : memref<2x!tpu.dma_semaphore, #tpu.memory_space<semaphore_mem>> -> memref<1x!tpu.dma_semaphore, #tpu.memory_space<semaphore_mem>>
    %dma_wait3A_48 = tpu.memref_squeeze %dma_wait3A_47 : memref<1x!tpu.dma_semaphore, #tpu.memory_space<semaphore_mem>> -> memref<!tpu.dma_semaphore, #tpu.memory_space<semaphore_mem>>
    tpu.wait_indirect_dma semaphore(%dma_wait3A_48 : memref<!tpu.dma_semaphore, #tpu.memory_space<semaphore_mem>>) src(%dma_wait3A_40 : memref<128x128xf32, #tpu.memory_space<vmem>>) dst(%dma_wait3A_46 : memref<10240x128xf32, #tpu.memory_space<vmem_shared>>)
    "tpu.region"() ({
      %run_scoped3A = tpu.sem_alloc : memref<!tpu.dma_semaphore, #tpu.memory_space<semaphore_mem>>
      %dma_start3A_105 = arith.constant 40 : i32
      %dma_start3A_106 = arith.constant 0 : i32
      %dma_start3A_107 = tpu.memref_slice %arg3[%arg0, %arg1, %dma_start3A_105, %dma_start3A_106] : memref<2x16x80x128xi32, #tpu.memory_space<hbm>> -> memref<1x1x40x128xi32, #tpu.memory_space<hbm>>
      %dma_start3A_108 = tpu.memref_squeeze %dma_start3A_107 : memref<1x1x40x128xi32, #tpu.memory_space<hbm>> -> memref<40x128xi32, #tpu.memory_space<hbm>>
      %dma_start3A_109 = arith.constant 40 : i32
      %dma_start3A_110 = arith.constant 0 : i32
      %dma_start3A_111 = tpu.memref_slice %arg3[%arg0, %arg1, %dma_start3A_109, %dma_start3A_110] : memref<2x16x80x128xi32, #tpu.memory_space<hbm>> -> memref<1x1x40x128xi32, #tpu.memory_space<hbm>>
      %dma_start3A_112 = tpu.memref_squeeze %dma_start3A_111 : memref<1x1x40x128xi32, #tpu.memory_space<hbm>> -> memref<40x128xi32, #tpu.memory_space<hbm>>
      tpu.enqueue_dma source(%dma_start3A_112 : memref<40x128xi32, #tpu.memory_space<hbm>>) target(%arg7 : memref<40x128xi32, #tpu.memory_space<vmem>>) target_semaphore(%run_scoped3A : memref<!tpu.dma_semaphore, #tpu.memory_space<semaphore_mem>>)
      %dma_wait3A_113 = arith.constant 40 : i32
      %dma_wait3A_114 = arith.constant 0 : i32
      %dma_wait3A_115 = tpu.memref_slice %arg3[%arg0, %arg1, %dma_wait3A_113, %dma_wait3A_114] : memref<2x16x80x128xi32, #tpu.memory_space<hbm>> -> memref<1x1x40x128xi32, #tpu.memory_space<hbm>>
      %dma_wait3A_116 = tpu.memref_squeeze %dma_wait3A_115 : memref<1x1x40x128xi32, #tpu.memory_space<hbm>> -> memref<40x128xi32, #tpu.memory_space<hbm>>
      %dma_wait3A_117 = arith.constant 40 : i32
      %dma_wait3A_118 = arith.constant 0 : i32
      %dma_wait3A_119 = tpu.memref_slice %arg3[%arg0, %arg1, %dma_wait3A_117, %dma_wait3A_118] : memref<2x16x80x128xi32, #tpu.memory_space<hbm>> -> memref<1x1x40x128xi32, #tpu.memory_space<hbm>>
      %dma_wait3A_120 = tpu.memref_squeeze %dma_wait3A_119 : memref<1x1x40x128xi32, #tpu.memory_space<hbm>> -> memref<40x128xi32, #tpu.memory_space<hbm>>
      tpu.wait_dma2 semaphore(%run_scoped3A : memref<!tpu.dma_semaphore, #tpu.memory_space<semaphore_mem>>) src(%dma_wait3A_120 : memref<40x128xi32, #tpu.memory_space<hbm>>) dst(%arg7 : memref<40x128xi32, #tpu.memory_space<vmem>>)
      tpu.yield
    }) : () -> ()
    "tpu.region"() ({
      %run_scoped3A = tpu.sem_alloc : memref<!tpu.dma_semaphore, #tpu.memory_space<semaphore_mem>>
      %dma_start3A_105 = arith.constant 40 : i32
      %dma_start3A_106 = arith.constant 0 : i32
      %dma_start3A_107 = tpu.memref_slice %arg4[%arg1, %dma_start3A_105, %dma_start3A_106] : memref<16x80x128xi32, #tpu.memory_space<hbm>> -> memref<1x40x128xi32, #tpu.memory_space<hbm>>
      %dma_start3A_108 = tpu.memref_squeeze %dma_start3A_107 : memref<1x40x128xi32, #tpu.memory_space<hbm>> -> memref<40x128xi32, #tpu.memory_space<hbm>>
      %dma_start3A_109 = arith.constant 40 : i32
      %dma_start3A_110 = arith.constant 0 : i32
      %dma_start3A_111 = tpu.memref_slice %arg4[%arg1, %dma_start3A_109, %dma_start3A_110] : memref<16x80x128xi32, #tpu.memory_space<hbm>> -> memref<1x40x128xi32, #tpu.memory_space<hbm>>
      %dma_start3A_112 = tpu.memref_squeeze %dma_start3A_111 : memref<1x40x128xi32, #tpu.memory_space<hbm>> -> memref<40x128xi32, #tpu.memory_space<hbm>>
      tpu.enqueue_dma source(%dma_start3A_112 : memref<40x128xi32, #tpu.memory_space<hbm>>) target(%arg8 : memref<40x128xi32, #tpu.memory_space<vmem>>) target_semaphore(%run_scoped3A : memref<!tpu.dma_semaphore, #tpu.memory_space<semaphore_mem>>)
      %dma_wait3A_113 = arith.constant 40 : i32
      %dma_wait3A_114 = arith.constant 0 : i32
      %dma_wait3A_115 = tpu.memref_slice %arg4[%arg1, %dma_wait3A_113, %dma_wait3A_114] : memref<16x80x128xi32, #tpu.memory_space<hbm>> -> memref<1x40x128xi32, #tpu.memory_space<hbm>>
      %dma_wait3A_116 = tpu.memref_squeeze %dma_wait3A_115 : memref<1x40x128xi32, #tpu.memory_space<hbm>> -> memref<40x128xi32, #tpu.memory_space<hbm>>
      %dma_wait3A_117 = arith.constant 40 : i32
      %dma_wait3A_118 = arith.constant 0 : i32
      %dma_wait3A_119 = tpu.memref_slice %arg4[%arg1, %dma_wait3A_117, %dma_wait3A_118] : memref<16x80x128xi32, #tpu.memory_space<hbm>> -> memref<1x40x128xi32, #tpu.memory_space<hbm>>
      %dma_wait3A_120 = tpu.memref_squeeze %dma_wait3A_119 : memref<1x40x128xi32, #tpu.memory_space<hbm>> -> memref<40x128xi32, #tpu.memory_space<hbm>>
      tpu.wait_dma2 semaphore(%run_scoped3A : memref<!tpu.dma_semaphore, #tpu.memory_space<semaphore_mem>>) src(%dma_wait3A_120 : memref<40x128xi32, #tpu.memory_space<hbm>>) dst(%arg8 : memref<40x128xi32, #tpu.memory_space<vmem>>)
      tpu.yield
    }) : () -> ()
    %dma_start3A_49 = arith.constant 0 : i32
    %dma_start3A_50 = arith.constant 0 : i32
    %dma_start3A_51 = arith.constant 0 : i32
    %dma_start3A_52 = arith.constant 0 : i32
    %dma_start3A_53 = arith.constant 0 : i32
    %dma_start3A_54 = tpu.memref_slice %arg9[%dma_start3A_50, %dma_start3A_52, %dma_start3A_53] : memref<2x128x128xf32, #tpu.memory_space<vmem>> -> memref<1x128x128xf32, #tpu.memory_space<vmem>>
    %dma_start3A_55 = tpu.memref_squeeze %dma_start3A_54 : memref<1x128x128xf32, #tpu.memory_space<vmem>> -> memref<128x128xf32, #tpu.memory_space<vmem>>
    %dma_start3A_56 = arith.constant 0 : i32
    %dma_start3A_57 = tpu.memref_slice %arg7[%dma_start3A_49, %dma_start3A_56] : memref<40x128xi32, #tpu.memory_space<vmem>> -> memref<1x128xi32, #tpu.memory_space<vmem>>
    %dma_start3A_58 = tpu.memref_squeeze %dma_start3A_57 : memref<1x128xi32, #tpu.memory_space<vmem>> -> memref<128xi32, #tpu.memory_space<vmem>>
    %dma_start3A_59 = arith.constant 0 : i32
    %dma_start3A_60 = arith.constant 0 : i32
    %dma_start3A_61 = tpu.memref_slice %arg2[%dma_start3A_59, %dma_start3A_60] : memref<20480x128xf32, #tpu.memory_space<hbm>> -> memref<20480x128xf32, #tpu.memory_space<hbm>>
    %dma_start3A_62 = tpu.memref_slice %arg11[%dma_start3A_51] : memref<2x!tpu.dma_semaphore, #tpu.memory_space<semaphore_mem>> -> memref<1x!tpu.dma_semaphore, #tpu.memory_space<semaphore_mem>>
    %dma_start3A_63 = tpu.memref_squeeze %dma_start3A_62 : memref<1x!tpu.dma_semaphore, #tpu.memory_space<semaphore_mem>> -> memref<!tpu.dma_semaphore, #tpu.memory_space<semaphore_mem>>
    tpu.enqueue_indirect_dma source(%dma_start3A_61 : memref<20480x128xf32, #tpu.memory_space<hbm>>) target(%dma_start3A_55 : memref<128x128xf32, #tpu.memory_space<vmem>>) offsets(%dma_start3A_58 : memref<128xi32, #tpu.memory_space<vmem>>) semaphore(%dma_start3A_63 : memref<!tpu.dma_semaphore, #tpu.memory_space<semaphore_mem>>)
    %scan3A_64 = arith.constant 0 : i32
    %scan3A_65 = arith.constant 0 : i32
    %scan3A_66 = arith.constant 40 : i32
    %scan3A_67 = arith.addi %scan3A_65, %scan3A_66 : i32
    %scan3A_68 = arith.constant 1 : i32
    scf.for %scan3A_105 = %scan3A_65 to %scan3A_67 step %scan3A_68  : i32 {
      %jit3A = arith.constant 2 : i32
      %eq3A = arith.constant 0 : i32
      %eq3A_106 = arith.cmpi eq, %jit3A, %eq3A : i32
      %jit3A_107 = arith.constant 1 : i32
      %select_n3A = arith.select %eq3A_106, %jit3A_107, %jit3A : i32
      %rem3A = arith.remsi %scan3A_105, %select_n3A : i32
      %ne3A = arith.constant 0 : i32
      %ne3A_108 = arith.cmpi ne, %rem3A, %ne3A : i32
      %lt3A = arith.constant 0 : i32
      %lt3A_109 = arith.cmpi slt, %rem3A, %lt3A : i32
      %lt3A_110 = arith.constant 0 : i32
      %lt3A_111 = arith.cmpi slt, %select_n3A, %lt3A_110 : i32
      %ne3A_112 = arith.xori %lt3A_109, %lt3A_111 : i1
      %and3A = arith.andi %ne3A_112, %ne3A_108 : i1
      %add3A = arith.addi %rem3A, %select_n3A : i32
      %select_n3A_113 = arith.select %and3A, %add3A, %rem3A : i32
      %dma_wait3A_114 = arith.constant 0 : i32
      %dma_wait3A_115 = arith.constant 0 : i32
      %dma_wait3A_116 = tpu.memref_slice %arg9[%select_n3A_113, %dma_wait3A_114, %dma_wait3A_115] : memref<2x128x128xf32, #tpu.memory_space<vmem>> -> memref<1x128x128xf32, #tpu.memory_space<vmem>>
      %dma_wait3A_117 = tpu.memref_squeeze %dma_wait3A_116 : memref<1x128x128xf32, #tpu.memory_space<vmem>> -> memref<128x128xf32, #tpu.memory_space<vmem>>
      %dma_wait3A_118 = arith.constant 0 : i32
      %dma_wait3A_119 = tpu.memref_slice %arg7[%scan3A_105, %dma_wait3A_118] : memref<40x128xi32, #tpu.memory_space<vmem>> -> memref<1x128xi32, #tpu.memory_space<vmem>>
      %dma_wait3A_120 = tpu.memref_squeeze %dma_wait3A_119 : memref<1x128xi32, #tpu.memory_space<vmem>> -> memref<128xi32, #tpu.memory_space<vmem>>
      %dma_wait3A_121 = arith.constant 0 : i32
      %dma_wait3A_122 = arith.constant 0 : i32
      %dma_wait3A_123 = tpu.memref_slice %arg2[%dma_wait3A_121, %dma_wait3A_122] : memref<20480x128xf32, #tpu.memory_space<hbm>> -> memref<20480x128xf32, #tpu.memory_space<hbm>>
      %dma_wait3A_124 = tpu.memref_slice %arg11[%select_n3A_113] : memref<2x!tpu.dma_semaphore, #tpu.memory_space<semaphore_mem>> -> memref<1x!tpu.dma_semaphore, #tpu.memory_space<semaphore_mem>>
      %dma_wait3A_125 = tpu.memref_squeeze %dma_wait3A_124 : memref<1x!tpu.dma_semaphore, #tpu.memory_space<semaphore_mem>> -> memref<!tpu.dma_semaphore, #tpu.memory_space<semaphore_mem>>
      tpu.wait_indirect_dma semaphore(%dma_wait3A_125 : memref<!tpu.dma_semaphore, #tpu.memory_space<semaphore_mem>>) src(%dma_wait3A_123 : memref<20480x128xf32, #tpu.memory_space<hbm>>) dst(%dma_wait3A_117 : memref<128x128xf32, #tpu.memory_space<vmem>>)
      %dma_start3A_126 = arith.constant 0 : i32
      %dma_start3A_127 = arith.constant 0 : i32
      %dma_start3A_128 = tpu.memref_slice %arg9[%select_n3A_113, %dma_start3A_126, %dma_start3A_127] : memref<2x128x128xf32, #tpu.memory_space<vmem>> -> memref<1x128x128xf32, #tpu.memory_space<vmem>>
      %dma_start3A_129 = tpu.memref_squeeze %dma_start3A_128 : memref<1x128x128xf32, #tpu.memory_space<vmem>> -> memref<128x128xf32, #tpu.memory_space<vmem>>
      %dma_start3A_130 = arith.constant 0 : i32
      %dma_start3A_131 = tpu.memref_slice %arg8[%scan3A_105, %dma_start3A_130] : memref<40x128xi32, #tpu.memory_space<vmem>> -> memref<1x128xi32, #tpu.memory_space<vmem>>
      %dma_start3A_132 = tpu.memref_squeeze %dma_start3A_131 : memref<1x128xi32, #tpu.memory_space<vmem>> -> memref<128xi32, #tpu.memory_space<vmem>>
      %dma_start3A_133 = arith.constant 0 : i32
      %dma_start3A_134 = arith.constant 0 : i32
      %dma_start3A_135 = tpu.memref_slice %arg10[%dma_start3A_133, %dma_start3A_134] : memref<10240x128xf32, #tpu.memory_space<vmem_shared>> -> memref<10240x128xf32, #tpu.memory_space<vmem_shared>>
      %dma_start3A_136 = tpu.memref_slice %arg12[%select_n3A_113] : memref<2x!tpu.dma_semaphore, #tpu.memory_space<semaphore_mem>> -> memref<1x!tpu.dma_semaphore, #tpu.memory_space<semaphore_mem>>
      %dma_start3A_137 = tpu.memref_squeeze %dma_start3A_136 : memref<1x!tpu.dma_semaphore, #tpu.memory_space<semaphore_mem>> -> memref<!tpu.dma_semaphore, #tpu.memory_space<semaphore_mem>>
      tpu.enqueue_indirect_dma source(%dma_start3A_129 : memref<128x128xf32, #tpu.memory_space<vmem>>) target(%dma_start3A_135 : memref<10240x128xf32, #tpu.memory_space<vmem_shared>>) offsets(%dma_start3A_132 : memref<128xi32, #tpu.memory_space<vmem>>) semaphore(%dma_start3A_137 : memref<!tpu.dma_semaphore, #tpu.memory_space<semaphore_mem>>) {add = true}
      %add3A_138 = arith.constant 2 : i32
      %add3A_139 = arith.addi %scan3A_105, %add3A_138 : i32
      %sub3A = arith.constant 1 : i32
      %sub3A_140 = arith.subi %add3A_139, %sub3A : i32
      %lt3A_141 = arith.constant 40 : i32
      %lt3A_142 = arith.cmpi slt, %sub3A_140, %lt3A_141 : i32
      %convert_element_type3A = arith.extui %lt3A_142 : i1 to i32
      %cond3A = arith.constant 0 : i32
      %cond3A_143 = arith.cmpi ne, %convert_element_type3A, %cond3A : i32
      scf.if %cond3A_143 {
        %add3A_144 = arith.constant 2 : i32
        %add3A_145 = arith.addi %scan3A_105, %add3A_144 : i32
        %sub3A_146 = arith.constant 1 : i32
        %sub3A_147 = arith.subi %add3A_145, %sub3A_146 : i32
        %jit3A_148 = arith.constant 2 : i32
        %eq3A_149 = arith.constant 0 : i32
        %eq3A_150 = arith.cmpi eq, %jit3A_148, %eq3A_149 : i32
        %jit3A_151 = arith.constant 1 : i32
        %select_n3A_152 = arith.select %eq3A_150, %jit3A_151, %jit3A_148 : i32
        %rem3A_153 = arith.remsi %sub3A_147, %select_n3A_152 : i32
        %ne3A_154 = arith.constant 0 : i32
        %ne3A_155 = arith.cmpi ne, %rem3A_153, %ne3A_154 : i32
        %lt3A_156 = arith.constant 0 : i32
        %lt3A_157 = arith.cmpi slt, %rem3A_153, %lt3A_156 : i32
        %lt3A_158 = arith.constant 0 : i32
        %lt3A_159 = arith.cmpi slt, %select_n3A_152, %lt3A_158 : i32
        %ne3A_160 = arith.xori %lt3A_157, %lt3A_159 : i1
        %and3A_161 = arith.andi %ne3A_160, %ne3A_155 : i1
        %add3A_162 = arith.addi %rem3A_153, %select_n3A_152 : i32
        %select_n3A_163 = arith.select %and3A_161, %add3A_162, %rem3A_153 : i32
        %ge3A = arith.constant 1 : i32
        %ge3A_164 = arith.cmpi sge, %scan3A_105, %ge3A : i32
        %convert_element_type3A_165 = arith.extui %ge3A_164 : i1 to i32
        %cond3A_166 = arith.constant 0 : i32
        %cond3A_167 = arith.cmpi ne, %convert_element_type3A_165, %cond3A_166 : i32
        scf.if %cond3A_167 {
          %sub3A_184 = arith.constant 1 : i32
          %sub3A_185 = arith.subi %scan3A_105, %sub3A_184 : i32
          %dma_wait3A_186 = arith.constant 0 : i32
          %dma_wait3A_187 = arith.constant 0 : i32
          %dma_wait3A_188 = tpu.memref_slice %arg9[%select_n3A_163, %dma_wait3A_186, %dma_wait3A_187] : memref<2x128x128xf32, #tpu.memory_space<vmem>> -> memref<1x128x128xf32, #tpu.memory_space<vmem>>
          %dma_wait3A_189 = tpu.memref_squeeze %dma_wait3A_188 : memref<1x128x128xf32, #tpu.memory_space<vmem>> -> memref<128x128xf32, #tpu.memory_space<vmem>>
          %dma_wait3A_190 = arith.constant 0 : i32
          %dma_wait3A_191 = tpu.memref_slice %arg8[%sub3A_185, %dma_wait3A_190] : memref<40x128xi32, #tpu.memory_space<vmem>> -> memref<1x128xi32, #tpu.memory_space<vmem>>
          %dma_wait3A_192 = tpu.memref_squeeze %dma_wait3A_191 : memref<1x128xi32, #tpu.memory_space<vmem>> -> memref<128xi32, #tpu.memory_space<vmem>>
          %dma_wait3A_193 = arith.constant 0 : i32
          %dma_wait3A_194 = arith.constant 0 : i32
          %dma_wait3A_195 = tpu.memref_slice %arg10[%dma_wait3A_193, %dma_wait3A_194] : memref<10240x128xf32, #tpu.memory_space<vmem_shared>> -> memref<10240x128xf32, #tpu.memory_space<vmem_shared>>
          %dma_wait3A_196 = tpu.memref_slice %arg12[%select_n3A_163] : memref<2x!tpu.dma_semaphore, #tpu.memory_space<semaphore_mem>> -> memref<1x!tpu.dma_semaphore, #tpu.memory_space<semaphore_mem>>
          %dma_wait3A_197 = tpu.memref_squeeze %dma_wait3A_196 : memref<1x!tpu.dma_semaphore, #tpu.memory_space<semaphore_mem>> -> memref<!tpu.dma_semaphore, #tpu.memory_space<semaphore_mem>>
          tpu.wait_indirect_dma semaphore(%dma_wait3A_197 : memref<!tpu.dma_semaphore, #tpu.memory_space<semaphore_mem>>) src(%dma_wait3A_189 : memref<128x128xf32, #tpu.memory_space<vmem>>) dst(%dma_wait3A_195 : memref<10240x128xf32, #tpu.memory_space<vmem_shared>>)
        } else {
        }
        %add3A_168 = arith.constant 2 : i32
        %add3A_169 = arith.addi %scan3A_105, %add3A_168 : i32
        %sub3A_170 = arith.constant 1 : i32
        %sub3A_171 = arith.subi %add3A_169, %sub3A_170 : i32
        %dma_start3A_172 = arith.constant 0 : i32
        %dma_start3A_173 = arith.constant 0 : i32
        %dma_start3A_174 = tpu.memref_slice %arg9[%select_n3A_163, %dma_start3A_172, %dma_start3A_173] : memref<2x128x128xf32, #tpu.memory_space<vmem>> -> memref<1x128x128xf32, #tpu.memory_space<vmem>>
        %dma_start3A_175 = tpu.memref_squeeze %dma_start3A_174 : memref<1x128x128xf32, #tpu.memory_space<vmem>> -> memref<128x128xf32, #tpu.memory_space<vmem>>
        %dma_start3A_176 = arith.constant 0 : i32
        %dma_start3A_177 = tpu.memref_slice %arg7[%sub3A_171, %dma_start3A_176] : memref<40x128xi32, #tpu.memory_space<vmem>> -> memref<1x128xi32, #tpu.memory_space<vmem>>
        %dma_start3A_178 = tpu.memref_squeeze %dma_start3A_177 : memref<1x128xi32, #tpu.memory_space<vmem>> -> memref<128xi32, #tpu.memory_space<vmem>>
        %dma_start3A_179 = arith.constant 0 : i32
        %dma_start3A_180 = arith.constant 0 : i32
        %dma_start3A_181 = tpu.memref_slice %arg2[%dma_start3A_179, %dma_start3A_180] : memref<20480x128xf32, #tpu.memory_space<hbm>> -> memref<20480x128xf32, #tpu.memory_space<hbm>>
        %dma_start3A_182 = tpu.memref_slice %arg11[%select_n3A_163] : memref<2x!tpu.dma_semaphore, #tpu.memory_space<semaphore_mem>> -> memref<1x!tpu.dma_semaphore, #tpu.memory_space<semaphore_mem>>
        %dma_start3A_183 = tpu.memref_squeeze %dma_start3A_182 : memref<1x!tpu.dma_semaphore, #tpu.memory_space<semaphore_mem>> -> memref<!tpu.dma_semaphore, #tpu.memory_space<semaphore_mem>>
        tpu.enqueue_indirect_dma source(%dma_start3A_181 : memref<20480x128xf32, #tpu.memory_space<hbm>>) target(%dma_start3A_175 : memref<128x128xf32, #tpu.memory_space<vmem>>) offsets(%dma_start3A_178 : memref<128xi32, #tpu.memory_space<vmem>>) semaphore(%dma_start3A_183 : memref<!tpu.dma_semaphore, #tpu.memory_space<semaphore_mem>>)
      } else {
      }
    }
    %scan3A_69 = arith.constant 40 : i32
    %dma_wait3A_70 = arith.constant 0 : i32
    %dma_wait3A_71 = arith.constant 38 : i32
    %dma_wait3A_72 = arith.constant 0 : i32
    %dma_wait3A_73 = arith.constant 0 : i32
    %dma_wait3A_74 = arith.constant 0 : i32
    %dma_wait3A_75 = tpu.memref_slice %arg9[%dma_wait3A_70, %dma_wait3A_73, %dma_wait3A_74] : memref<2x128x128xf32, #tpu.memory_space<vmem>> -> memref<1x128x128xf32, #tpu.memory_space<vmem>>
    %dma_wait3A_76 = tpu.memref_squeeze %dma_wait3A_75 : memref<1x128x128xf32, #tpu.memory_space<vmem>> -> memref<128x128xf32, #tpu.memory_space<vmem>>
    %dma_wait3A_77 = arith.constant 0 : i32
    %dma_wait3A_78 = tpu.memref_slice %arg8[%dma_wait3A_71, %dma_wait3A_77] : memref<40x128xi32, #tpu.memory_space<vmem>> -> memref<1x128xi32, #tpu.memory_space<vmem>>
    %dma_wait3A_79 = tpu.memref_squeeze %dma_wait3A_78 : memref<1x128xi32, #tpu.memory_space<vmem>> -> memref<128xi32, #tpu.memory_space<vmem>>
    %dma_wait3A_80 = arith.constant 0 : i32
    %dma_wait3A_81 = arith.constant 0 : i32
    %dma_wait3A_82 = tpu.memref_slice %arg10[%dma_wait3A_80, %dma_wait3A_81] : memref<10240x128xf32, #tpu.memory_space<vmem_shared>> -> memref<10240x128xf32, #tpu.memory_space<vmem_shared>>
    %dma_wait3A_83 = tpu.memref_slice %arg12[%dma_wait3A_72] : memref<2x!tpu.dma_semaphore, #tpu.memory_space<semaphore_mem>> -> memref<1x!tpu.dma_semaphore, #tpu.memory_space<semaphore_mem>>
    %dma_wait3A_84 = tpu.memref_squeeze %dma_wait3A_83 : memref<1x!tpu.dma_semaphore, #tpu.memory_space<semaphore_mem>> -> memref<!tpu.dma_semaphore, #tpu.memory_space<semaphore_mem>>
    tpu.wait_indirect_dma semaphore(%dma_wait3A_84 : memref<!tpu.dma_semaphore, #tpu.memory_space<semaphore_mem>>) src(%dma_wait3A_76 : memref<128x128xf32, #tpu.memory_space<vmem>>) dst(%dma_wait3A_82 : memref<10240x128xf32, #tpu.memory_space<vmem_shared>>)
    %dma_wait3A_85 = arith.constant 1 : i32
    %dma_wait3A_86 = arith.constant 39 : i32
    %dma_wait3A_87 = arith.constant 1 : i32
    %dma_wait3A_88 = arith.constant 0 : i32
    %dma_wait3A_89 = arith.constant 0 : i32
    %dma_wait3A_90 = tpu.memref_slice %arg9[%dma_wait3A_85, %dma_wait3A_88, %dma_wait3A_89] : memref<2x128x128xf32, #tpu.memory_space<vmem>> -> memref<1x128x128xf32, #tpu.memory_space<vmem>>
    %dma_wait3A_91 = tpu.memref_squeeze %dma_wait3A_90 : memref<1x128x128xf32, #tpu.memory_space<vmem>> -> memref<128x128xf32, #tpu.memory_space<vmem>>
    %dma_wait3A_92 = arith.constant 0 : i32
    %dma_wait3A_93 = tpu.memref_slice %arg8[%dma_wait3A_86, %dma_wait3A_92] : memref<40x128xi32, #tpu.memory_space<vmem>> -> memref<1x128xi32, #tpu.memory_space<vmem>>
    %dma_wait3A_94 = tpu.memref_squeeze %dma_wait3A_93 : memref<1x128xi32, #tpu.memory_space<vmem>> -> memref<128xi32, #tpu.memory_space<vmem>>
    %dma_wait3A_95 = arith.constant 0 : i32
    %dma_wait3A_96 = arith.constant 0 : i32
    %dma_wait3A_97 = tpu.memref_slice %arg10[%dma_wait3A_95, %dma_wait3A_96] : memref<10240x128xf32, #tpu.memory_space<vmem_shared>> -> memref<10240x128xf32, #tpu.memory_space<vmem_shared>>
    %dma_wait3A_98 = tpu.memref_slice %arg12[%dma_wait3A_87] : memref<2x!tpu.dma_semaphore, #tpu.memory_space<semaphore_mem>> -> memref<1x!tpu.dma_semaphore, #tpu.memory_space<semaphore_mem>>
    %dma_wait3A_99 = tpu.memref_squeeze %dma_wait3A_98 : memref<1x!tpu.dma_semaphore, #tpu.memory_space<semaphore_mem>> -> memref<!tpu.dma_semaphore, #tpu.memory_space<semaphore_mem>>
    tpu.wait_indirect_dma semaphore(%dma_wait3A_99 : memref<!tpu.dma_semaphore, #tpu.memory_space<semaphore_mem>>) src(%dma_wait3A_91 : memref<128x128xf32, #tpu.memory_space<vmem>>) dst(%dma_wait3A_97 : memref<10240x128xf32, #tpu.memory_space<vmem_shared>>)
    %barrier3A_100 = arith.constant 0 : index
    tpu.barrier barrier_id(%barrier3A_100)
    %mul3A_101 = arith.constant 640 : i32
    %mul3A_102 = arith.muli %arg1, %mul3A_101 : i32
    %mul3A_103 = arith.constant 640 : i32
    %mul3A_104 = arith.muli %arg1, %mul3A_103 : i32
    "tpu.region"() ({
      %run_scoped3A = tpu.sem_alloc : memref<!tpu.dma_semaphore, #tpu.memory_space<semaphore_mem>>
      %dma_start3A_105 = arith.constant 0 : i32
      %dma_start3A_106 = tpu.memref_slice %arg6[%arg0, %mul3A_104, %dma_start3A_105] : memref<2x10240x128xf32, #tpu.memory_space<hbm>> -> memref<1x640x128xf32, #tpu.memory_space<hbm>>
      %dma_start3A_107 = tpu.memref_squeeze %dma_start3A_106 : memref<1x640x128xf32, #tpu.memory_space<hbm>> -> memref<640x128xf32, #tpu.memory_space<hbm>>
      %dma_start3A_108 = arith.constant 0 : i32
      %dma_start3A_109 = tpu.memref_slice %arg10[%mul3A_102, %dma_start3A_108] : memref<10240x128xf32, #tpu.memory_space<vmem_shared>> -> memref<640x128xf32, #tpu.memory_space<vmem_shared>>
      tpu.enqueue_dma source(%dma_start3A_109 : memref<640x128xf32, #tpu.memory_space<vmem_shared>>) target(%dma_start3A_107 : memref<640x128xf32, #tpu.memory_space<hbm>>) target_semaphore(%run_scoped3A : memref<!tpu.dma_semaphore, #tpu.memory_space<semaphore_mem>>)
      %dma_wait3A_110 = arith.constant 0 : i32
      %dma_wait3A_111 = tpu.memref_slice %arg6[%arg0, %mul3A_104, %dma_wait3A_110] : memref<2x10240x128xf32, #tpu.memory_space<hbm>> -> memref<1x640x128xf32, #tpu.memory_space<hbm>>
      %dma_wait3A_112 = tpu.memref_squeeze %dma_wait3A_111 : memref<1x640x128xf32, #tpu.memory_space<hbm>> -> memref<640x128xf32, #tpu.memory_space<hbm>>
      %dma_wait3A_113 = arith.constant 0 : i32
      %dma_wait3A_114 = tpu.memref_slice %arg10[%mul3A_102, %dma_wait3A_113] : memref<10240x128xf32, #tpu.memory_space<vmem_shared>> -> memref<640x128xf32, #tpu.memory_space<vmem_shared>>
      tpu.wait_dma2 semaphore(%run_scoped3A : memref<!tpu.dma_semaphore, #tpu.memory_space<semaphore_mem>>) src(%dma_wait3A_114 : memref<640x128xf32, #tpu.memory_space<vmem_shared>>) dst(%dma_wait3A_112 : memref<640x128xf32, #tpu.memory_space<hbm>>)
      tpu.yield
    }) : () -> ()
    return
  }
}

module attributes {stable_mosaic.version = 14 : i64} {
  func.func @_bn_relu_body(%arg0: i32, %arg1: memref<2048x256xf32, #tpu.memory_space<vmem>>, %arg2: memref<2x256xf32, #tpu.memory_space<vmem>>, %arg3: memref<1x256xf32, #tpu.memory_space<vmem>>, %arg4: memref<1x256xf32, #tpu.memory_space<vmem>>, %arg5: memref<2x2048x128xf32, #tpu.memory_space<vmem>>) attributes {dimension_semantics = [#tpu.dimension_semantics<arbitrary>], iteration_bounds = array<i64: 5>, scalar_prefetch = 0 : i64, scratch_operands = 0 : i64, tpu.core_type = #tpu.core_type<tc>, window_params = [{transform_indices = @transform_0, window_bounds = array<i64: 2048, 256>}, {pipeline_mode = #tpu.pipeline_mode<synchronous>, transform_indices = @transform_1, window_bounds = array<i64: 2, 256>}, {pipeline_mode = #tpu.pipeline_mode<synchronous>, transform_indices = @transform_2, window_bounds = array<i64: 1, 256>}, {pipeline_mode = #tpu.pipeline_mode<synchronous>, transform_indices = @transform_3, window_bounds = array<i64: 1, 256>}, {transform_indices = @transform_4, window_bounds = array<i64: 2, 2048, 128>}]} {
    %get3A = arith.constant 0 : index
    %get3A_0 = arith.constant 0 : index
    %get3A_1 = vector.load %arg1[%get3A, %get3A_0] : memref<2048x256xf32, #tpu.memory_space<vmem>>, vector<2048x256xf32>
    %get3A_2 = arith.constant 0 : index
    %get3A_3 = arith.constant 0 : index
    %get3A_4 = vector.load %arg2[%get3A_2, %get3A_3] : memref<2x256xf32, #tpu.memory_space<vmem>>, vector<1x256xf32>
    %get3A_5 = arith.constant 1 : index
    %get3A_6 = arith.constant 0 : index
    %get3A_7 = vector.load %arg2[%get3A_5, %get3A_6] : memref<2x256xf32, #tpu.memory_space<vmem>>, vector<1x256xf32>
    %get3A_8 = arith.constant 0 : index
    %get3A_9 = arith.constant 0 : index
    %get3A_10 = vector.load %arg3[%get3A_8, %get3A_9] : memref<1x256xf32, #tpu.memory_space<vmem>>, vector<1x256xf32>
    %sub3A = vector.broadcast %get3A_4 : vector<1x256xf32> to vector<2048x256xf32>
    %sub3A_11 = arith.subf %get3A_1, %sub3A : vector<2048x256xf32>
    %mul3A = vector.broadcast %get3A_10 : vector<1x256xf32> to vector<2048x256xf32>
    %mul3A_12 = arith.mulf %mul3A, %sub3A_11 : vector<2048x256xf32>
    %add3A = arith.constant 9.99999974E-6 : f32
    %add3A_13 = vector.broadcast %add3A : f32 to vector<1x256xf32>
    %add3A_14 = arith.addf %get3A_7, %add3A_13 : vector<1x256xf32>
    %rsqrt3A = math.rsqrt %add3A_14 : vector<1x256xf32>
    %mul3A_15 = vector.broadcast %rsqrt3A : vector<1x256xf32> to vector<2048x256xf32>
    %mul3A_16 = arith.mulf %mul3A_12, %mul3A_15 : vector<2048x256xf32>
    %get3A_17 = arith.constant 0 : index
    %get3A_18 = arith.constant 0 : index
    %get3A_19 = vector.load %arg4[%get3A_17, %get3A_18] : memref<1x256xf32, #tpu.memory_space<vmem>>, vector<1x256xf32>
    %add3A_20 = vector.broadcast %get3A_19 : vector<1x256xf32> to vector<2048x256xf32>
    %add3A_21 = arith.addf %mul3A_16, %add3A_20 : vector<2048x256xf32>
    %max3A = arith.constant 0.000000e+00 : f32
    %max3A_22 = vector.broadcast %max3A : f32 to vector<2048x256xf32>
    %max3A_23 = arith.maximumf %add3A_21, %max3A_22 : vector<2048x256xf32>
    %slice3A = vector.extract_strided_slice %max3A_23 {offsets = [0, 0], sizes = [2048, 128], strides = [1, 1]} : vector<2048x256xf32> to vector<2048x128xf32>
    %swap3A = arith.constant 0 : index
    %swap3A_24 = arith.constant 0 : index
    %swap3A_25 = arith.constant 0 : index
    %swap3A_26 = vector.load %arg5[%swap3A, %swap3A_24, %swap3A_25] : memref<2x2048x128xf32, #tpu.memory_space<vmem>>, vector<1x2048x128xf32>
    %swap3A_27 = vector.shape_cast %swap3A_26 : vector<1x2048x128xf32> to vector<2048x128xf32>
    %swap3A_28 = vector.shape_cast %slice3A : vector<2048x128xf32> to vector<1x2048x128xf32>
    tpu.vector_store %arg5[%swap3A, %swap3A_24, %swap3A_25], %swap3A_28 {strides = array<i32>} : memref<2x2048x128xf32, #tpu.memory_space<vmem>>, vector<1x2048x128xf32>,
    %slice3A_29 = vector.extract_strided_slice %max3A_23 {offsets = [0, 128], sizes = [2048, 128], strides = [1, 1]} : vector<2048x256xf32> to vector<2048x128xf32>
    %swap3A_30 = arith.constant 1 : index
    %swap3A_31 = arith.constant 0 : index
    %swap3A_32 = arith.constant 0 : index
    %swap3A_33 = vector.load %arg5[%swap3A_30, %swap3A_31, %swap3A_32] : memref<2x2048x128xf32, #tpu.memory_space<vmem>>, vector<1x2048x128xf32>
    %swap3A_34 = vector.shape_cast %swap3A_33 : vector<1x2048x128xf32> to vector<2048x128xf32>
    %swap3A_35 = vector.shape_cast %slice3A_29 : vector<2048x128xf32> to vector<1x2048x128xf32>
    tpu.vector_store %arg5[%swap3A_30, %swap3A_31, %swap3A_32], %swap3A_35 {strides = array<i32>} : memref<2x2048x128xf32, #tpu.memory_space<vmem>>, vector<1x2048x128xf32>,
    return
  }
  func.func @transform_0(%arg0: i32) -> (i32, i32) {
    %c0_i32 = arith.constant 0 : i32
    %c0_i32_0 = arith.constant 0 : i32
    return %arg0, %c0_i32 : i32, i32
  }
  func.func @transform_1(%arg0: i32) -> (i32, i32) {
    %c0_i32 = arith.constant 0 : i32
    %c0_i32_0 = arith.constant 0 : i32
    %c0_i32_1 = arith.constant 0 : i32
    return %c0_i32, %c0_i32_0 : i32, i32
  }
  func.func @transform_2(%arg0: i32) -> (i32, i32) {
    %c0_i32 = arith.constant 0 : i32
    %c0_i32_0 = arith.constant 0 : i32
    %c0_i32_1 = arith.constant 0 : i32
    return %c0_i32, %c0_i32_0 : i32, i32
  }
  func.func @transform_3(%arg0: i32) -> (i32, i32) {
    %c0_i32 = arith.constant 0 : i32
    %c0_i32_0 = arith.constant 0 : i32
    %c0_i32_1 = arith.constant 0 : i32
    return %c0_i32, %c0_i32_0 : i32, i32
  }
  func.func @transform_4(%arg0: i32) -> (i32, i32, i32) {
    %c0_i32 = arith.constant 0 : i32
    %c0_i32_0 = arith.constant 0 : i32
    %c0_i32_1 = arith.constant 0 : i32
    return %c0_i32, %arg0, %c0_i32_0 : i32, i32, i32
  }
}

module attributes {stable_mosaic.version = 14 : i64} {
  func.func @_linear_body(%arg0: i32, %arg1: memref<2x2048x128xf32, #tpu.memory_space<vmem>>, %arg2: memref<2x2048x1xf32, #tpu.memory_space<vmem>>, %arg3: memref<2x2048x128xf32, #tpu.memory_space<vmem>>, %arg4: memref<512x256xf32, #tpu.memory_space<vmem>>, %arg5: memref<1x256xf32, #tpu.memory_space<vmem>>, %arg6: memref<2048x256xf32, #tpu.memory_space<vmem>>, %arg7: memref<2x256xf32, #tpu.memory_space<vmem>>, %arg8: memref<2x256xf32, #tpu.memory_space<vmem>>) attributes {dimension_semantics = [#tpu.dimension_semantics<arbitrary>], iteration_bounds = array<i64: 5>, scalar_prefetch = 0 : i64, scratch_operands = 1 : i64, tpu.core_type = #tpu.core_type<tc>, window_params = [{transform_indices = @transform_0, window_bounds = array<i64: 2, 2048, 128>}, {transform_indices = @transform_1, window_bounds = array<i64: 2, 2048, 1>}, {transform_indices = @transform_2, window_bounds = array<i64: 2, 2048, 128>}, {pipeline_mode = #tpu.pipeline_mode<synchronous>, transform_indices = @transform_3, window_bounds = array<i64: 512, 256>}, {pipeline_mode = #tpu.pipeline_mode<synchronous>, transform_indices = @transform_4, window_bounds = array<i64: 1, 256>}, {transform_indices = @transform_5, window_bounds = array<i64: 2048, 256>}, {pipeline_mode = #tpu.pipeline_mode<synchronous>, transform_indices = @transform_6, window_bounds = array<i64: 2, 256>}]} {
    %get3A = arith.constant 0 : index
    %get3A_0 = arith.constant 0 : index
    %get3A_1 = arith.constant 0 : index
    %get3A_2 = vector.load %arg2[%get3A, %get3A_0, %get3A_1] : memref<2x2048x1xf32, #tpu.memory_space<vmem>>, vector<1x2048x1xf32>
    %get3A_3 = vector.shape_cast %get3A_2 : vector<1x2048x1xf32> to vector<2048x1xf32>
    %get3A_4 = arith.constant 1 : index
    %get3A_5 = arith.constant 0 : index
    %get3A_6 = arith.constant 0 : index
    %get3A_7 = vector.load %arg2[%get3A_4, %get3A_5, %get3A_6] : memref<2x2048x1xf32, #tpu.memory_space<vmem>>, vector<1x2048x1xf32>
    %get3A_8 = vector.shape_cast %get3A_7 : vector<1x2048x1xf32> to vector<2048x1xf32>
    %add3A = arith.addf %get3A_3, %get3A_8 : vector<2048x1xf32>
    %jit3A = arith.constant 1.000000e+00 : f32
    %max3A = vector.broadcast %jit3A : f32 to vector<2048x1xf32>
    %max3A_9 = arith.maximumf %max3A, %add3A : vector<2048x1xf32>
    %div3A = arith.constant 1.000000e+00 : f32
    %div3A_10 = vector.broadcast %div3A : f32 to vector<2048x1xf32>
    %div3A_11 = arith.divf %div3A_10, %max3A_9 : vector<2048x1xf32>
    %get3A_12 = arith.constant 0 : index
    %get3A_13 = arith.constant 0 : index
    %get3A_14 = arith.constant 0 : index
    %get3A_15 = vector.load %arg1[%get3A_12, %get3A_13, %get3A_14] : memref<2x2048x128xf32, #tpu.memory_space<vmem>>, vector<1x2048x128xf32>
    %get3A_16 = vector.shape_cast %get3A_15 : vector<1x2048x128xf32> to vector<2048x128xf32>
    %get3A_17 = arith.constant 1 : index
    %get3A_18 = arith.constant 0 : index
    %get3A_19 = arith.constant 0 : index
    %get3A_20 = vector.load %arg1[%get3A_17, %get3A_18, %get3A_19] : memref<2x2048x128xf32, #tpu.memory_space<vmem>>, vector<1x2048x128xf32>
    %get3A_21 = vector.shape_cast %get3A_20 : vector<1x2048x128xf32> to vector<2048x128xf32>
    %concatenate3A = tpu.concatenate %get3A_16, %get3A_21 in 1 : vector<2048x128xf32>, vector<2048x128xf32> -> vector<2048x256xf32>
    %mul3A = vector.broadcast %div3A_11 : vector<2048x1xf32> to vector<2048x256xf32>
    %mul3A_22 = arith.mulf %concatenate3A, %mul3A : vector<2048x256xf32>
    %get3A_23 = arith.constant 0 : index
    %get3A_24 = arith.constant 0 : index
    %get3A_25 = arith.constant 0 : index
    %get3A_26 = vector.load %arg3[%get3A_23, %get3A_24, %get3A_25] : memref<2x2048x128xf32, #tpu.memory_space<vmem>>, vector<1x2048x128xf32>
    %get3A_27 = vector.shape_cast %get3A_26 : vector<1x2048x128xf32> to vector<2048x128xf32>
    %get3A_28 = arith.constant 1 : index
    %get3A_29 = arith.constant 0 : index
    %get3A_30 = arith.constant 0 : index
    %get3A_31 = vector.load %arg3[%get3A_28, %get3A_29, %get3A_30] : memref<2x2048x128xf32, #tpu.memory_space<vmem>>, vector<1x2048x128xf32>
    %get3A_32 = vector.shape_cast %get3A_31 : vector<1x2048x128xf32> to vector<2048x128xf32>
    %concatenate3A_33 = tpu.concatenate %get3A_27, %get3A_32 in 1 : vector<2048x128xf32>, vector<2048x128xf32> -> vector<2048x256xf32>
    %concatenate3A_34 = tpu.concatenate %mul3A_22, %concatenate3A_33 in 1 : vector<2048x256xf32>, vector<2048x256xf32> -> vector<2048x512xf32>
    %get3A_35 = arith.constant 0 : index
    %get3A_36 = arith.constant 0 : index
    %get3A_37 = vector.load %arg4[%get3A_35, %get3A_36] : memref<512x256xf32, #tpu.memory_space<vmem>>, vector<512x256xf32>
    %dot_general3A = arith.constant dense<0.000000e+00> : vector<2048x256xf32>
    %dot_general3A_38 = tpu.matmul %concatenate3A_34, %get3A_37, %dot_general3A {dimension_numbers = #tpu.dot_dimension_numbers<[1], [0], [0], [1], [0, 0, 1, 1], [], []>, transpose_lhs_hint = false} : vector<2048x512xf32>, vector<512x256xf32>, vector<2048x256xf32> -> vector<2048x256xf32>
    %get3A_39 = arith.constant 0 : index
    %get3A_40 = arith.constant 0 : index
    %get3A_41 = vector.load %arg5[%get3A_39, %get3A_40] : memref<1x256xf32, #tpu.memory_space<vmem>>, vector<1x256xf32>
    %add3A_42 = vector.broadcast %get3A_41 : vector<1x256xf32> to vector<2048x256xf32>
    %add3A_43 = arith.addf %dot_general3A_38, %add3A_42 : vector<2048x256xf32>
    %swap3A = arith.constant 0 : index
    %swap3A_44 = arith.constant 0 : index
    %swap3A_45 = vector.load %arg6[%swap3A, %swap3A_44] : memref<2048x256xf32, #tpu.memory_space<vmem>>, vector<2048x256xf32>
    tpu.vector_store %arg6[%swap3A, %swap3A_44], %add3A_43 {strides = array<i32>} : memref<2048x256xf32, #tpu.memory_space<vmem>>, vector<2048x256xf32>,
    %mul3A_46 = arith.constant 2048 : i32
    %mul3A_47 = arith.muli %arg0, %mul3A_46 : i32
    %iota3A = tpu.iota {dimensions = array<i32: 0>} : vector<2048x256xi32>
    %add3A_48 = vector.broadcast %mul3A_47 : i32 to vector<2048x256xi32>
    %add3A_49 = arith.addi %add3A_48, %iota3A : vector<2048x256xi32>
    %lt3A = arith.constant 10000 : i32
    %lt3A_50 = vector.broadcast %lt3A : i32 to vector<2048x256xi32>
    %lt3A_51 = arith.cmpi slt, %add3A_49, %lt3A_50 : vector<2048x256xi32>
    %jit3A_52 = arith.constant 0.000000e+00 : f32
    %broadcast_in_dim3A = vector.broadcast %jit3A_52 : f32 to vector<2048x256xf32>
    %select_n3A = arith.select %lt3A_51, %add3A_43, %broadcast_in_dim3A : vector<2048x256xi1>, vector<2048x256xf32>
    %eq3A = arith.constant 0 : i32
    %eq3A_53 = arith.cmpi eq, %arg0, %eq3A : i32
    %convert_element_type3A = arith.extui %eq3A_53 : i1 to i32
    %cond3A = arith.constant 0 : i32
    %cond3A_54 = arith.cmpi ne, %convert_element_type3A, %cond3A : i32
    scf.if %cond3A_54 {
      %broadcast_in_dim3A_80 = arith.constant 0.000000e+00 : f32
      %broadcast_in_dim3A_81 = vector.broadcast %broadcast_in_dim3A_80 : f32 to vector<2x256xf32>
      %swap3A_82 = arith.constant 0 : index
      %swap3A_83 = arith.constant 0 : index
      %swap3A_84 = vector.load %arg8[%swap3A_82, %swap3A_83] : memref<2x256xf32, #tpu.memory_space<vmem>>, vector<2x256xf32>
      tpu.vector_store %arg8[%swap3A_82, %swap3A_83], %broadcast_in_dim3A_81 {strides = array<i32>} : memref<2x256xf32, #tpu.memory_space<vmem>>, vector<2x256xf32>,
    } else {
    }
    %get3A_55 = arith.constant 0 : index
    %get3A_56 = arith.constant 0 : index
    %get3A_57 = vector.load %arg8[%get3A_55, %get3A_56] : memref<2x256xf32, #tpu.memory_space<vmem>>, vector<1x256xf32>
    %reduce_sum3A = arith.constant dense<0.000000e+00> : vector<256xf32>
    %reduce_sum3A_58 = vector.multi_reduction <add>, %select_n3A, %reduce_sum3A [0] : vector<2048x256xf32> to vector<256xf32>
    %broadcast_in_dim3A_59 = vector.shape_cast %reduce_sum3A_58 : vector<256xf32> to vector<1x256xf32>
    %add3A_60 = arith.addf %get3A_57, %broadcast_in_dim3A_59 : vector<1x256xf32>
    %swap3A_61 = arith.constant 0 : index
    %swap3A_62 = arith.constant 0 : index
    %swap3A_63 = vector.load %arg8[%swap3A_61, %swap3A_62] : memref<2x256xf32, #tpu.memory_space<vmem>>, vector<1x256xf32>
    tpu.vector_store %arg8[%swap3A_61, %swap3A_62], %add3A_60 {strides = array<i32>} : memref<2x256xf32, #tpu.memory_space<vmem>>, vector<1x256xf32>,
    %get3A_64 = arith.constant 1 : index
    %get3A_65 = arith.constant 0 : index
    %get3A_66 = vector.load %arg8[%get3A_64, %get3A_65] : memref<2x256xf32, #tpu.memory_space<vmem>>, vector<1x256xf32>
    %mul3A_67 = arith.mulf %select_n3A, %select_n3A : vector<2048x256xf32>
    %reduce_sum3A_68 = arith.constant dense<0.000000e+00> : vector<256xf32>
    %reduce_sum3A_69 = vector.multi_reduction <add>, %mul3A_67, %reduce_sum3A_68 [0] : vector<2048x256xf32> to vector<256xf32>
    %broadcast_in_dim3A_70 = vector.shape_cast %reduce_sum3A_69 : vector<256xf32> to vector<1x256xf32>
    %add3A_71 = arith.addf %get3A_66, %broadcast_in_dim3A_70 : vector<1x256xf32>
    %swap3A_72 = arith.constant 1 : index
    %swap3A_73 = arith.constant 0 : index
    %swap3A_74 = vector.load %arg8[%swap3A_72, %swap3A_73] : memref<2x256xf32, #tpu.memory_space<vmem>>, vector<1x256xf32>
    tpu.vector_store %arg8[%swap3A_72, %swap3A_73], %add3A_71 {strides = array<i32>} : memref<2x256xf32, #tpu.memory_space<vmem>>, vector<1x256xf32>,
    %eq3A_75 = arith.constant 4 : i32
    %eq3A_76 = arith.cmpi eq, %arg0, %eq3A_75 : i32
    %convert_element_type3A_77 = arith.extui %eq3A_76 : i1 to i32
    %cond3A_78 = arith.constant 0 : i32
    %cond3A_79 = arith.cmpi ne, %convert_element_type3A_77, %cond3A_78 : i32
    scf.if %cond3A_79 {
      %get3A_80 = arith.constant 0 : index
      %get3A_81 = arith.constant 0 : index
      %get3A_82 = vector.load %arg8[%get3A_80, %get3A_81] : memref<2x256xf32, #tpu.memory_space<vmem>>, vector<1x256xf32>
      %div3A_83 = arith.constant 1.000000e+04 : f32
      %div3A_84 = vector.broadcast %div3A_83 : f32 to vector<1x256xf32>
      %div3A_85 = arith.divf %get3A_82, %div3A_84 : vector<1x256xf32>
      %swap3A_86 = arith.constant 0 : index
      %swap3A_87 = arith.constant 0 : index
      %swap3A_88 = vector.load %arg7[%swap3A_86, %swap3A_87] : memref<2x256xf32, #tpu.memory_space<vmem>>, vector<1x256xf32>
      tpu.vector_store %arg7[%swap3A_86, %swap3A_87], %div3A_85 {strides = array<i32>} : memref<2x256xf32, #tpu.memory_space<vmem>>, vector<1x256xf32>,
      %get3A_89 = arith.constant 1 : index
      %get3A_90 = arith.constant 0 : index
      %get3A_91 = vector.load %arg8[%get3A_89, %get3A_90] : memref<2x256xf32, #tpu.memory_space<vmem>>, vector<1x256xf32>
      %div3A_92 = arith.constant 1.000000e+04 : f32
      %div3A_93 = vector.broadcast %div3A_92 : f32 to vector<1x256xf32>
      %div3A_94 = arith.divf %get3A_91, %div3A_93 : vector<1x256xf32>
      %mul3A_95 = arith.mulf %div3A_85, %div3A_85 : vector<1x256xf32>
      %sub3A = arith.subf %div3A_94, %mul3A_95 : vector<1x256xf32>
      %swap3A_96 = arith.constant 1 : index
      %swap3A_97 = arith.constant 0 : index
      %swap3A_98 = vector.load %arg7[%swap3A_96, %swap3A_97] : memref<2x256xf32, #tpu.memory_space<vmem>>, vector<1x256xf32>
      tpu.vector_store %arg7[%swap3A_96, %swap3A_97], %sub3A {strides = array<i32>} : memref<2x256xf32, #tpu.memory_space<vmem>>, vector<1x256xf32>,
    } else {
    }
    return
  }
  func.func @transform_0(%arg0: i32) -> (i32, i32, i32) {
    %c0_i32 = arith.constant 0 : i32
    %c0_i32_0 = arith.constant 0 : i32
    %c0_i32_1 = arith.constant 0 : i32
    return %c0_i32, %arg0, %c0_i32_0 : i32, i32, i32
  }
  func.func @transform_1(%arg0: i32) -> (i32, i32, i32) {
    %c0_i32 = arith.constant 0 : i32
    %c0_i32_0 = arith.constant 0 : i32
    %c0_i32_1 = arith.constant 0 : i32
    return %c0_i32, %arg0, %c0_i32_0 : i32, i32, i32
  }
  func.func @transform_2(%arg0: i32) -> (i32, i32, i32) {
    %c0_i32 = arith.constant 0 : i32
    %c0_i32_0 = arith.constant 0 : i32
    %c0_i32_1 = arith.constant 0 : i32
    return %c0_i32, %arg0, %c0_i32_0 : i32, i32, i32
  }
  func.func @transform_3(%arg0: i32) -> (i32, i32) {
    %c0_i32 = arith.constant 0 : i32
    %c0_i32_0 = arith.constant 0 : i32
    %c0_i32_1 = arith.constant 0 : i32
    return %c0_i32, %c0_i32_0 : i32, i32
  }
  func.func @transform_4(%arg0: i32) -> (i32, i32) {
    %c0_i32 = arith.constant 0 : i32
    %c0_i32_0 = arith.constant 0 : i32
    %c0_i32_1 = arith.constant 0 : i32
    return %c0_i32, %c0_i32_0 : i32, i32
  }
  func.func @transform_5(%arg0: i32) -> (i32, i32) {
    %c0_i32 = arith.constant 0 : i32
    %c0_i32_0 = arith.constant 0 : i32
    return %arg0, %c0_i32 : i32, i32
  }
  func.func @transform_6(%arg0: i32) -> (i32, i32) {
    %c0_i32 = arith.constant 0 : i32
    %c0_i32_0 = arith.constant 0 : i32
    %c0_i32_1 = arith.constant 0 : i32
    return %c0_i32, %c0_i32_0 : i32, i32
  }
}

module attributes {stable_mosaic.version = 14 : i64} {
  func.func @_linear_body(%arg0: i32, %arg1: memref<2x2048x128xf32, #tpu.memory_space<vmem>>, %arg2: memref<2x2048x1xf32, #tpu.memory_space<vmem>>, %arg3: memref<2x2048x128xf32, #tpu.memory_space<vmem>>, %arg4: memref<512x256xf32, #tpu.memory_space<vmem>>, %arg5: memref<1x256xf32, #tpu.memory_space<vmem>>, %arg6: memref<2048x256xf32, #tpu.memory_space<vmem>>, %arg7: memref<2x256xf32, #tpu.memory_space<vmem>>) attributes {dimension_semantics = [#tpu.dimension_semantics<arbitrary>], iteration_bounds = array<i64: 5>, scalar_prefetch = 0 : i64, scratch_operands = 1 : i64, tpu.core_type = #tpu.core_type<tc>, window_params = [{transform_indices = @transform_0, window_bounds = array<i64: 2, 2048, 128>}, {transform_indices = @transform_1, window_bounds = array<i64: 2, 2048, 1>}, {transform_indices = @transform_2, window_bounds = array<i64: 2, 2048, 128>}, {pipeline_mode = #tpu.pipeline_mode<synchronous>, transform_indices = @transform_3, window_bounds = array<i64: 512, 256>}, {pipeline_mode = #tpu.pipeline_mode<synchronous>, transform_indices = @transform_4, window_bounds = array<i64: 1, 256>}, {transform_indices = @transform_5, window_bounds = array<i64: 2048, 256>}]} {
    %get3A = arith.constant 0 : index
    %get3A_0 = arith.constant 0 : index
    %get3A_1 = arith.constant 0 : index
    %get3A_2 = vector.load %arg2[%get3A, %get3A_0, %get3A_1] : memref<2x2048x1xf32, #tpu.memory_space<vmem>>, vector<1x2048x1xf32>
    %get3A_3 = vector.shape_cast %get3A_2 : vector<1x2048x1xf32> to vector<2048x1xf32>
    %get3A_4 = arith.constant 1 : index
    %get3A_5 = arith.constant 0 : index
    %get3A_6 = arith.constant 0 : index
    %get3A_7 = vector.load %arg2[%get3A_4, %get3A_5, %get3A_6] : memref<2x2048x1xf32, #tpu.memory_space<vmem>>, vector<1x2048x1xf32>
    %get3A_8 = vector.shape_cast %get3A_7 : vector<1x2048x1xf32> to vector<2048x1xf32>
    %add3A = arith.addf %get3A_3, %get3A_8 : vector<2048x1xf32>
    %jit3A = arith.constant 1.000000e+00 : f32
    %max3A = vector.broadcast %jit3A : f32 to vector<2048x1xf32>
    %max3A_9 = arith.maximumf %max3A, %add3A : vector<2048x1xf32>
    %div3A = arith.constant 1.000000e+00 : f32
    %div3A_10 = vector.broadcast %div3A : f32 to vector<2048x1xf32>
    %div3A_11 = arith.divf %div3A_10, %max3A_9 : vector<2048x1xf32>
    %get3A_12 = arith.constant 0 : index
    %get3A_13 = arith.constant 0 : index
    %get3A_14 = arith.constant 0 : index
    %get3A_15 = vector.load %arg1[%get3A_12, %get3A_13, %get3A_14] : memref<2x2048x128xf32, #tpu.memory_space<vmem>>, vector<1x2048x128xf32>
    %get3A_16 = vector.shape_cast %get3A_15 : vector<1x2048x128xf32> to vector<2048x128xf32>
    %get3A_17 = arith.constant 1 : index
    %get3A_18 = arith.constant 0 : index
    %get3A_19 = arith.constant 0 : index
    %get3A_20 = vector.load %arg1[%get3A_17, %get3A_18, %get3A_19] : memref<2x2048x128xf32, #tpu.memory_space<vmem>>, vector<1x2048x128xf32>
    %get3A_21 = vector.shape_cast %get3A_20 : vector<1x2048x128xf32> to vector<2048x128xf32>
    %concatenate3A = tpu.concatenate %get3A_16, %get3A_21 in 1 : vector<2048x128xf32>, vector<2048x128xf32> -> vector<2048x256xf32>
    %mul3A = vector.broadcast %div3A_11 : vector<2048x1xf32> to vector<2048x256xf32>
    %mul3A_22 = arith.mulf %concatenate3A, %mul3A : vector<2048x256xf32>
    %get3A_23 = arith.constant 0 : index
    %get3A_24 = arith.constant 0 : index
    %get3A_25 = arith.constant 0 : index
    %get3A_26 = vector.load %arg3[%get3A_23, %get3A_24, %get3A_25] : memref<2x2048x128xf32, #tpu.memory_space<vmem>>, vector<1x2048x128xf32>
    %get3A_27 = vector.shape_cast %get3A_26 : vector<1x2048x128xf32> to vector<2048x128xf32>
    %get3A_28 = arith.constant 1 : index
    %get3A_29 = arith.constant 0 : index
    %get3A_30 = arith.constant 0 : index
    %get3A_31 = vector.load %arg3[%get3A_28, %get3A_29, %get3A_30] : memref<2x2048x128xf32, #tpu.memory_space<vmem>>, vector<1x2048x128xf32>
    %get3A_32 = vector.shape_cast %get3A_31 : vector<1x2048x128xf32> to vector<2048x128xf32>
    %concatenate3A_33 = tpu.concatenate %get3A_27, %get3A_32 in 1 : vector<2048x128xf32>, vector<2048x128xf32> -> vector<2048x256xf32>
    %concatenate3A_34 = tpu.concatenate %mul3A_22, %concatenate3A_33 in 1 : vector<2048x256xf32>, vector<2048x256xf32> -> vector<2048x512xf32>
    %get3A_35 = arith.constant 0 : index
    %get3A_36 = arith.constant 0 : index
    %get3A_37 = vector.load %arg4[%get3A_35, %get3A_36] : memref<512x256xf32, #tpu.memory_space<vmem>>, vector<512x256xf32>
    %dot_general3A = arith.constant dense<0.000000e+00> : vector<2048x256xf32>
    %dot_general3A_38 = tpu.matmul %concatenate3A_34, %get3A_37, %dot_general3A {dimension_numbers = #tpu.dot_dimension_numbers<[1], [0], [0], [1], [0, 0, 1, 1], [], []>, transpose_lhs_hint = false} : vector<2048x512xf32>, vector<512x256xf32>, vector<2048x256xf32> -> vector<2048x256xf32>
    %get3A_39 = arith.constant 0 : index
    %get3A_40 = arith.constant 0 : index
    %get3A_41 = vector.load %arg5[%get3A_39, %get3A_40] : memref<1x256xf32, #tpu.memory_space<vmem>>, vector<1x256xf32>
    %add3A_42 = vector.broadcast %get3A_41 : vector<1x256xf32> to vector<2048x256xf32>
    %add3A_43 = arith.addf %dot_general3A_38, %add3A_42 : vector<2048x256xf32>
    %swap3A = arith.constant 0 : index
    %swap3A_44 = arith.constant 0 : index
    %swap3A_45 = vector.load %arg6[%swap3A, %swap3A_44] : memref<2048x256xf32, #tpu.memory_space<vmem>>, vector<2048x256xf32>
    tpu.vector_store %arg6[%swap3A, %swap3A_44], %add3A_43 {strides = array<i32>} : memref<2048x256xf32, #tpu.memory_space<vmem>>, vector<2048x256xf32>,
    return
  }
  func.func @transform_0(%arg0: i32) -> (i32, i32, i32) {
    %c0_i32 = arith.constant 0 : i32
    %c0_i32_0 = arith.constant 0 : i32
    %c0_i32_1 = arith.constant 0 : i32
    return %c0_i32, %arg0, %c0_i32_0 : i32, i32, i32
  }
  func.func @transform_1(%arg0: i32) -> (i32, i32, i32) {
    %c0_i32 = arith.constant 0 : i32
    %c0_i32_0 = arith.constant 0 : i32
    %c0_i32_1 = arith.constant 0 : i32
    return %c0_i32, %arg0, %c0_i32_0 : i32, i32, i32
  }
  func.func @transform_2(%arg0: i32) -> (i32, i32, i32) {
    %c0_i32 = arith.constant 0 : i32
    %c0_i32_0 = arith.constant 0 : i32
    %c0_i32_1 = arith.constant 0 : i32
    return %c0_i32, %arg0, %c0_i32_0 : i32, i32, i32
  }
  func.func @transform_3(%arg0: i32) -> (i32, i32) {
    %c0_i32 = arith.constant 0 : i32
    %c0_i32_0 = arith.constant 0 : i32
    %c0_i32_1 = arith.constant 0 : i32
    return %c0_i32, %c0_i32_0 : i32, i32
  }
  func.func @transform_4(%arg0: i32) -> (i32, i32) {
    %c0_i32 = arith.constant 0 : i32
    %c0_i32_0 = arith.constant 0 : i32
    %c0_i32_1 = arith.constant 0 : i32
    return %c0_i32, %c0_i32_0 : i32, i32
  }
  func.func @transform_5(%arg0: i32) -> (i32, i32) {
    %c0_i32 = arith.constant 0 : i32
    %c0_i32_0 = arith.constant 0 : i32
    return %arg0, %c0_i32 : i32, i32
  }
}

</mosaic_0001>

<sc_bundles>
// kernel: kernel.11.cloned.1.call-start
scs
__scs_entry_jumppad:
0x0: {  	(pc) =	sbr.rel $0x88, $3  }
0x1: {  	(tag) =	ssettag $0x0;
	lr =	simm.s32 $0x1  }
0x2: {  	[smem:$0x3F92] =	sst lr;
	_ =	strace $0xD0000000  }
0x3: {  	_ = 	snop  }
0x4: {  	_ = 	snop  }
0x5: {  	_ = 	snop  }
0x6: {  	_ = 	snop  }
0x7: {  	_ = 	snop  }
__scs_overlays_trampoline_lowered:
0x8: {  	[smem:$0x3FA1] =	sst s0  }
0x9: {  	[smem:$0x3FA2] =	sst s1  }
0xa: {  	[smem:$0x3FA3] =	sst s2  }
0xb: {  	[smem:$0x3FA4] =	sst s3  }
0xc: {  	[smem:$0x3FA5] =	sst s4  }
0xd: {  	[smem:$0x3FA6] =	sst s5  }
0xe: {  	[smem:$0x3FA7] =	sst s6  }
0xf: {  	[smem:$0x3FA8] =	sst s7  }
0x10: {  	[smem:$0x3FA9] =	sst s8  }
0x11: {  	[smem:$0x3FAA] =	sst s9;
	s0 =	simm.s32 @!p0 $0x0  }
0x12: {  	s1 =	sld [smem:$0x3F90];
	s0 =	simm.s32 @p0 $0x1  }
0x13: {  	[smem:$0x3FAB] =	sst s0;
	s0 =	simm.s32 @!p1 $0x0  }
0x14: {  	s2 =	sld [smem:$0x3F8F];
	s0 =	simm.s32 @p1 $0x1  }
0x15: {  	[smem:$0x3FAC] =	sst s0;
	s0 =	simm.s32 @!p2 $0x0  }
0x16: {  	s3 =	sld [smem:$0x3FDB];
	s0 =	simm.s32 @p2 $0x1  }
0x17: {  	s4 =	simm.s32 $0x1BF5;
	[smem:$0x3FAE] =	sst s0  }
0x18: {  	s0 =	sld [smem:$0x3F91];
	_ =	swait.ge [sflag:s4], $0x0  }
0x19: {  	s7 =	sld [smem:$0x3F92]  }
0x1a: {  	s8 =	sadd.s32 $0xFFFFE003, lr  }
0x1b: {  	s9 =	sadd.s32 $0xFFFFFEF7, lr;
	s5 =	simm.s32 $0xFFFFFFFF;
	p2 =	slt.u32 s8, $0xFFFFF086  }
0x1c: {  	p1 =	slt.u32 s9, $0xF7A;
	s5 =	simm.s32 @!p2 $0x0  }
0x1d: {  	s5 =	simm.s32 @p1 $0x1;
	p0 =	seq.s32 s7, s2  }
0x1e: {  	s7 =	smul.u32 @!p0 $0xF7A, s2;
	p2 =	seq.s32 @!p0 s5, $0x0  }
0x1f: {  	s9 =	smul.u32 $0xF7A, s1;
	s8 =	simm.s32 @!p0 $0x1BF5;
	p2 =	por !p2, p0  }
0x20: {  	[sflag:s8] =	ssyncset.s32 @!p0 $0xFFFFF086;
	s6 =	sadd.s32 @!p0 s3, s7;
	s7 =	simm.s32 @!p0 $0x108  }
0x21: {  	s3 =	sadd.s32 s3, s9;
	s6 =	sadd.s32 @!p0 $0x88, s6;
	s7 =	simm.s32 @p2 $0x1082  }
0x22: {  	[simem:s7], [sflag:s8] =	dma.local @!p0 [hbm:s6], $0xF7A  }
0x23: {  	s9 =	sor.u32 $0xD0000000, s2;
	s6 =	simm.s32 $0x108;
	_ =	swait.ge @!p0 [sflag:s8], $0x0  }
0x24: {  	s3 =	sadd.s32 $0x88, s3;
	s6 =	simm.s32 @!p1 $0x1082;
	[sflag:s4] =	ssyncset.s32 $0xFFFFF086  }
0x25: {  	[simem:s6], [sflag:s4] =	dma.local [hbm:s3], $0xF7A  }
0x26: {  	[smem:$0x3F92] =	sst s1;
	(tag) =	ssettag s2;
	_ =	strace s9  }
0x27: {  	s1 =	sld [smem:$0x3FA2]  }
0x28: {  	s2 =	sld [smem:$0x3FA3]  }
0x29: {  	s4 =	sld [smem:$0x3FA5]  }
0x2a: {  	p0 =	seq.s32 s5, $0x0;
	s5 =	sld [smem:$0x3FA6]  }
0x2b: {  	s6 =	sld [smem:$0x3FA7]  }
0x2c: {  	s7 =	sld [smem:$0x3FA8]  }
0x2d: {  	s3 =	simm.s32 $0x108;
	s8 =	sld [smem:$0x3FA9]  }
0x2e: {  	s3 =	simm.s32 @!p0 $0x1082;
	s9 =	sld [smem:$0x3FAA]  }
0x2f: {  	lr =	sadd.s32 s0, s3;
	s0 =	sld [smem:$0x3FA1]  }
0x30: {  	s3 =	sld [smem:$0x3FA4]  }
0x31: {  	[smem:$0x3FAD] =	sst s10  }
0x32: {  	s10 =	sld [smem:$0x3FAB];
	_ =	sdelay $0x3  }
0x33: {  	p0 =	seq.s32 s10, $0x1;
	s10 =	sld [smem:$0x3FAD];
	_ =	sdelay $0x3  }
0x34: {  	[smem:$0x3FAD] =	sst s10  }
0x35: {  	s10 =	sld [smem:$0x3FAC];
	_ =	sdelay $0x3  }
0x36: {  	p1 =	seq.s32 s10, $0x1;
	s10 =	sld [smem:$0x3FAD];
	_ =	sdelay $0x3  }
0x37: {  	[smem:$0x3FAD] =	sst s10  }
0x38: {  	s10 =	sld [smem:$0x3FAE]  }
0x39: {  	_ = 	snop;
	(pc) =	sbr.ind lr, $3  }
0x3a: {  	_ = 	snop  }
0x3b: {  	_ = 	snop  }
0x3c: {  	p2 =	seq.s32 s10, $0x1;
	s10 =	sld [smem:$0x3FAD]  }
0x3d: {  	_ =	shalt  }
0x3e: {  	_ =	shalt  }
0x3f: {  	_ =	shalt  }
0x40: {  	_ =	shalt  }
0x41: {  	_ =	shalt  }
0x42: {  	_ =	shalt  }
0x43: {  	_ =	shalt  }
0x44: {  	_ =	shalt  }
0x45: {  	_ =	shalt  }
0x46: {  	_ =	shalt  }
0x47: {  	_ =	shalt  }
0x48: {  	_ =	shalt  }
0x49: {  	_ =	shalt  }
0x4a: {  	_ =	shalt  }
0x4b: {  	_ =	shalt  }
0x4c: {  	_ =	shalt  }
0x4d: {  	_ =	shalt  }
0x4e: {  	_ =	shalt  }
0x4f: {  	_ =	shalt  }
0x50: {  	_ =	shalt  }
0x51: {  	_ =	shalt  }
0x52: {  	_ =	shalt  }
0x53: {  	_ =	shalt  }
0x54: {  	_ =	shalt  }
0x55: {  	_ =	shalt  }
0x56: {  	_ =	shalt  }
0x57: {  	_ =	shalt  }
0x58: {  	_ =	shalt  }
0x59: {  	_ =	shalt  }
0x5a: {  	_ =	shalt  }
0x5b: {  	_ =	shalt  }
0x5c: {  	_ =	shalt  }
0x5d: {  	_ =	shalt  }
0x5e: {  	_ =	shalt  }
0x5f: {  	_ =	shalt  }
0x60: {  	_ =	shalt  }
0x61: {  	_ =	shalt  }
0x62: {  	_ =	shalt  }
0x63: {  	_ =	shalt  }
0x64: {  	_ =	shalt  }
0x65: {  	_ =	shalt  }
0x66: {  	_ =	shalt  }
0x67: {  	_ =	shalt  }
0x68: {  	_ =	shalt  }
0x69: {  	_ =	shalt  }
0x6a: {  	_ =	shalt  }
0x6b: {  	_ =	shalt  }
0x6c: {  	_ =	shalt  }
0x6d: {  	_ =	shalt  }
0x6e: {  	_ =	shalt  }
0x6f: {  	_ =	shalt  }
0x70: {  	_ =	shalt  }
0x71: {  	_ =	shalt  }
0x72: {  	_ =	shalt  }
0x73: {  	_ =	shalt  }
0x74: {  	_ =	shalt  }
0x75: {  	_ =	shalt  }
0x76: {  	_ =	shalt  }
0x77: {  	_ =	shalt  }
0x78: {  	_ =	shalt  }
0x79: {  	_ =	shalt  }
0x7a: {  	_ =	shalt  }
0x7b: {  	_ =	shalt  }
0x7c: {  	_ =	shalt  }
0x7d: {  	_ =	shalt  }
0x7e: {  	_ =	shalt  }
0x7f: {  	_ =	shalt  }
0x80: {  	_ =	shalt  }
0x81: {  	_ =	shalt  }
0x82: {  	_ =	shalt  }
0x83: {  	_ =	shalt  }
0x84: {  	_ =	shalt  }
0x85: {  	_ =	shalt  }
0x86: {  	_ =	shalt  }
0x87: {  	_ =	shalt  }
.Lfunc_end0:
.L_simem_size_0:
called_computation_lowered:
.L_overlay_start_0:
0x88: {  	s2 =	sld [smem:$0x3FD9]  }
0x89: {  	s3 =	sld [smem:$0x3FFE];
	_ =	sdelay $0x1  }
0x8a: {  	s1 =	srdreg.scid  }
0x8b: {  	s0 =	sand.u32 $0x1, s1  }
0x8c: {  	s16 =	sshll.u32 s0, $0xA;
	s2 =	sadd.s32 s3, s2  }
0x8d: {  	s2 =	sadd.s32 s2, s16  }
0x8e: {  	[smem:$0x3FB9] =	sst s2  }
0x8f: {  	_ = 	snop  }
0x90: {  	(tm) =	ssettm $0x1  }
0x91: {  	s17 =	sld [smem:$0x3FFB];
	_ =	sdelay $0x3  }
0x92: {  	_ =	strace s17  }
0x93: {  	s2 =	sld [smem:$0x3FFC];
	_ =	sdelay $0x3  }
0x94: {  	_ =	strace s2  }
0x95: {  	s2 =	sld [smem:$0x3FFD];
	_ =	sdelay $0x3  }
0x96: {  	_ =	strace s2  }
0x97: {  	_ =	strace $0x8FFFFFFF  }
0x98: {  	s18 =	sld [smem:$0x3FDB];
	_ =	sdelay $0x1  }
0x99: {  	s19 =	simm.s32 $_scs_section_size  }
0x9a: {  	s4 =	simm.s32 $_size__tile_overlayer_lowered;
	s5 =	simm.s32 $_tile_overlayer_lowered  }
0x9b: {  	s22 =	simm.s32 $0x1BFF;
	s21 =	sshll.u32 s5, $0x1;
	s2 =	sadd.s32 s19, s18  }
0x9c: {  	s6 =	simm.s32 $0x0;
	s20 =	sshll.u32 s4, $0x1;
	s4 =	sadd.s32 s21, s2  }
0x9d: {  	[timem:s6], [sflag:s22] =	dma.local [hbm:s4], s20  }
0x9e: {  	_ =	swait.ge [sflag:s22], s20  }
0x9f: {  	s3 =	ssub.s32 $0x0, s20;
	[sflag:s22] =	ssyncset.done $0x0  }
0xa0: {  	[sflag:s22] =	ssyncadd.s32 s3;
	_ =	sdelay $0x1  }
0xa1: {  	s23 =	simm.s32 $0x1B8B  }
0xa2: {  	_ =	swait.ge [sflag:s23], $0x1  }
0xa3: {  	[sflag:s23] =	ssyncset.done $0x0  }
0xa4: {  	s25 =	simm.s32 $0x1B8E;
	s24 =	sld [smem:$0x3FFE];
	[sflag:s23] =	ssyncadd.s32 $0xFFFFFFFF  }
0xa5: {  	s26 =	simm.s32 $execute0_lowered;
	[smem:$0x3FD2] =	sst s25  }
0xa6: {  	s4 =	sshll.u32 s26, $0x1;
	_ =	strace $0x80000046;
	[dreg:$0x1] =	wrdreg $0xFFFFFFFF  }
0xa7: {  	s28 =	simm.s32 $_size_execute0_lowered;
	s2 =	sadd.s32 s2, s4;
	[dreg:$0x0] =	wrdreg $0x0  }
0xa8: {  	s4 =	sshll.u32 s28, $0x1;
	[dreg:$0x2] =	wrdreg s2  }
0xa9: {  	[dreg:$0x3] =	wrdreg s4  }
0xaa: {  	[dreg:$0x4] =	wrdreg $0xC0  }
0xab: {  	_ =	task [dreg:s6], $0x5FFFF  }
0xac: {  	[dreg:$0x1] =	wrdreg $0xFFFFFFFF  }
0xad: {  	[dreg:$0x0] =	wrdreg $0x60  }
0xae: {  	[dreg:$0x2] =	wrdreg s24  }
0xaf: {  	[dreg:$0x3] =	wrdreg $0x14800  }
0xb0: {  	[dreg:$0x4] =	wrdreg $0x9  }
0xb1: {  	_ =	task.clear_ibuf [dreg:s6], $0x5FFFF;
	_ =	strace $0x90000046  }
0xb2: {  	s29 =	simm.s32 $0x9;
	_ =	strace $0x80000048  }
0xb3: {  	_ =	swait.ge [sflag:s29], $0x1  }
0xb4: {  	[sflag:s29] =	ssyncadd.s32 $0xFFFFFFFF  }
0xb5: {  	_ =	strace $0x90000048  }
0xb6: {  	_ =	sfence  }
0xb7: {  	s30 =	sld [smem:$0x0];
	_ =	sdelay $0x2  }
0xb8: {  	s31 =	sshll.u32 s1, $0xD;
	s1 =	sshrl.u32 s1, $0x2  }
0xb9: {  	s3 =	sand.u32 $0x4000, s31;
	s1 =	sadd.s32 s1, s30  }
0xba: {  	s0 =	sor.u32 s3, s0;
	s1 =	sshll.u32 s1, $0x11  }
0xbb: {  	s0 =	sor.u32 s1, s0  }
0xbc: {  	s0 =	sadd.s32 $0x8F2B, s0  }
0xbd: {  	[sflag:s0] =	ssyncadd.remote.s32 $0x1  }
0xbe: {  	_ =	sfence.sel $0xFFFF  }
0xbf: {  	[dreg:$0x0] =	wrdreg $0xFFFFFFFF;
	(pc) =	sbr.abs _section_cstart, $3  }
0xc0: {  	[dreg:$0x1] =	wrdreg $0xFFFFFFFF  }
0xc1: {  	_ =	task.clear_ibuf [dreg:s6], $0x2FFFF;
	_ =	strace $0x9FFFFFFF  }
0xc2: {  	(tm) =	ssettm $0x7FFFFFFF  }
0xc3: {  	_ =	shalt  }
tec
execute0_lowered:
.L_overlay_start_1:
0x0: {  	(tag) =	ssettag $0x1  }
0x1: {  	s6 =	rddreg [dreg:$0x0]  }
0x2: {  	s0 =	srdreg.scid;
	s2 =	rddreg [dreg:$0x1]  }
0x3: {  	s1 =	rddreg [dreg:$0x2];
	s3 =	simm.s32 $0x0;
	s5 =	sand.u32 $0x1, s0  }
0x4: {  	s13 =	simm.s32 $0x80;
	s0 =	stileid.u32;
	s4 =	smul.u32 $0x14000, s5  }
0x5: {  	s14 =	simm.s32 $0x20;
	s15 =	simm.s32 $0x10;
	s7 =	smul.u32 $0x1400, s0  }
0x6: {  	s16 =	simm.s32 $0x0;
	[smem:$0x7FF] =	sst s3;
	s26 =	smul.u32 $0x500, s0  }
0x7: {  	_ =	strace $0x80000047;
	s8 =	sshll.u32 s5, $0x7;
	s28 =	ssub.s32 $0x2, s5  }
0x8: {  	s10 =	smul.u32 $0xA00, s0;
	s5 =	sadd.s32 $0x8400, s6;
	s31 =	sshll.u32 s0, $0x6  }
0x9: {  	s29 =	sshrl.u32 s28, $0x1;
	s4 =	sadd.s32 s7, s4;
	s7 =	sor.u32 s8, s26  }
0xa: {  	s12 =	ssub.s32 s28, s29;
	s30 =	sshrl.u32 s10, $0x2;
	s4 =	sshrl.u32 s4, $0x3  }
0xb: {  	s7 =	sshrl.u32 s7, $0x3;
	s10 =	sadd.s32 s30, s2;
	s9 =	sadd.s32 s4, s6  }
0xc: {  	s4 =	sadd.s32 $0x8200, s6;
	s11 =	sadd.s32 s7, s6;
	s6 =	sor.u32 $0x1C01, s31  }
0xd: {  	s10 =	sshrl.u32 s10, $0x3;
	s7 =	sadd.s32 $0x3200, s9;
	s8 =	sadd.s32 $0x8600, s11  }
0xe: {  	s9 =	smax.u32 s12, $0x1;
	s11 =	simm.s32 $0x1;
	s12 =	simm.s32 $0x1400  }
.LBB2_1:
0xf: {  	[spmem:s10], [sflag:s6] =	dma.local [hbm:s4], $0x50  }
0x10: {  	_ =	swait.ge [sflag:s11], $0x50  }
0x11: {  	[sflag:s11] =	ssyncset.done $0x0  }
0x12: {  	[sflag:s11] =	ssyncadd.s32 $0xFFFFFFB0  }
0x13: {  	[tilespmem:s12], [sflag:$0x1] =	stream.linear.gather [hbm4b:s5+s3], $0x80, $0x38;
	[tilespmem:$0x1700] =	vst v63  }
0x14: {  	_ =	swait.ge [sflag:s11], $0x80  }
0x15: {  	[sflag:s11] =	ssyncset.done $0x0  }
0x16: {  	[sflag:s11] =	ssyncadd.s32 $0xFFFFFF80  }
0x17: {  	[tilespmem:s3], [sflag:$0x1] =	stream.linear.gather [hbm4b:s7+s3], $0x1400, $0x38;
	[tilespmem:$0x1700] =	vst v63  }
0x18: {  	_ =	swait.ge [sflag:s11], $0x1400  }
0x19: {  	[sflag:s11] =	ssyncset.done $0x0  }
0x1a: {  	[sflag:s11] =	ssyncadd.s32 $0xFFFFEC00  }
0x1b: {  	s17 =	simm.s32 $0x0;
	[bflag:$0x0] =	sbarrier.arrive $0xFFFF  }
0x1c: {  	[spmem:s2] =	stream.indirect.scatter.add.f32 [tilespmem:s12], [sflag:$0x1], $0x1, s17, s13, $0xb8;
	[tilespmem:$0x1700] =	vst v63  }
0x1d: {  	_ =	swait.ge [sflag:s11], $0x80  }
0x1e: {  	s17 =	simm.s32 $0x200;
	[sflag:s11] =	ssyncset.done $0x0  }
.LBB2_2:
0x1f: {  	s18 =	sshra.s32 s17, $0x2;
	[sflag:s11] =	ssyncadd.s32 $0xFFFFFF80;
	p0 =	sne.s32 s17, $0x4E00  }
0x20: {  	[spmem:s2] =	stream.indirect.scatter.add.f32 [tilespmem:s12], [sflag:$0x1], $0x1, s18, s13, $0xb8;
	[tilespmem:$0x1700] =	vst v63  }
.Ltmp0:
0x21: {  	_ = 	snop;
	(pc) =	sbr.rel @p0 .LBB2_2-.Ltmp0, $4  }
0x22: {  	_ = 	snop  }
0x23: {  	s17 =	sadd.s32 $0x200, s17  }
0x24: {  	_ =	swait.ge [sflag:s11], $0x80  }
0x25: {  	[sflag:s11] =	ssyncset.done $0x0  }
0x26: {  	s16 =	sadd.s32 $0x1, s16  }
0x27: {  	[sflag:s11] =	ssyncadd.s32 $0xFFFFFF80;
	p0 =	sne.s32 s16, s9  }
.Ltmp1:
0x28: {  	[bflag:$0x0] =	sbarrier.arrive $0xFFFF;
	(pc) =	sbr.rel @p0 .LBB2_1-.Ltmp1, $4  }
0x29: {  	[hbm:s8@s14], [sflag:s6] =	dma.strided [spmem:s10@s15], $0x50, s11, $0x10   }
0x2a: {  	_ =	swait.ge [sflag:s11], $0x50  }
0x2b: {  	[sflag:s11] =	ssyncset.done $0x0  }
0x2c: {  	[sflag:s11] =	ssyncadd.s32 $0xFFFFFFB0  }
0x2d: {  	_ =	sfence.sel $0x180000  }
0x2e: {  	[bflag:$0x0] =	sbarrier.arrive $0xFFFF  }
0x2f: {  	p0 =	sne.s32 s0, $0x0;
	_ =	strace $0x90000047  }
0x30: {  	s0 =	sadd.s32 @!p0 $0x100000, s1;
	[bflag:$0x2] =	sbarrier.arrive $0xFFFF  }
0x31: {  	[sflag:s0] =	ssyncadd.tile.s32 @!p0 $0x1;
	_ =	shalt  }
.Lfunc_end2:
_tile_overlayer_lowered:
.L_overlay_start_2:
0x32: {  	(tag) =	ssettag $0x2  }
0x33: {  	s0 =	rddreg [dreg:$0x0];
	s2 =	stileid.u32  }
0x34: {  	s1 =	rddreg [dreg:$0x1];
	p0 =	sne.s32 s2, $0x0  }
0x35: {  	s3 =	rddreg [dreg:$0x2];
	[bflag:$0x3] =	sbarrier.arrive $0xFFFF;
	s2 =	simm.s32 @!p0 $0x1C01  }
0x36: {  	[timem:s3], [sflag:s2] =	dma.local @!p0 [hbm:s0], s1  }
0x37: {  	s0 =	simm.s32 @!p0 $0x1  }
0x38: {  	_ =	swait.ge @!p0 [sflag:s0], s1  }
0x39: {  	s1 =	ssub.s32 @!p0 $0x0, s1;
	[sflag:s0] =	ssyncset.done @!p0 $0x0  }
0x3a: {  	[sflag:s0] =	ssyncadd.s32 @!p0 s1  }
0x3b: {  	[bflag:$0x3] =	sbarrier.arrive $0xFFFF  }
0x3c: {  	_ =	shalt  }

// kernel: kernel.14.cloned.1.call-start
scs
__scs_entry_jumppad:
0x0: {  	(pc) =	sbr.rel $0x88, $3  }
0x1: {  	(tag) =	ssettag $0x0;
	lr =	simm.s32 $0x1  }
0x2: {  	[smem:$0x3F92] =	sst lr;
	_ =	strace $0xD0000000  }
0x3: {  	_ = 	snop  }
0x4: {  	_ = 	snop  }
0x5: {  	_ = 	snop  }
0x6: {  	_ = 	snop  }
0x7: {  	_ = 	snop  }
__scs_overlays_trampoline_lowered:
0x8: {  	[smem:$0x3FA1] =	sst s0  }
0x9: {  	[smem:$0x3FA2] =	sst s1  }
0xa: {  	[smem:$0x3FA3] =	sst s2  }
0xb: {  	[smem:$0x3FA4] =	sst s3  }
0xc: {  	[smem:$0x3FA5] =	sst s4  }
0xd: {  	[smem:$0x3FA6] =	sst s5  }
0xe: {  	[smem:$0x3FA7] =	sst s6  }
0xf: {  	[smem:$0x3FA8] =	sst s7  }
0x10: {  	[smem:$0x3FA9] =	sst s8  }
0x11: {  	[smem:$0x3FAA] =	sst s9;
	s0 =	simm.s32 @!p0 $0x0  }
0x12: {  	s1 =	sld [smem:$0x3F90];
	s0 =	simm.s32 @p0 $0x1  }
0x13: {  	[smem:$0x3FAB] =	sst s0;
	s0 =	simm.s32 @!p1 $0x0  }
0x14: {  	s2 =	sld [smem:$0x3F8F];
	s0 =	simm.s32 @p1 $0x1  }
0x15: {  	[smem:$0x3FAC] =	sst s0;
	s0 =	simm.s32 @!p2 $0x0  }
0x16: {  	s3 =	sld [smem:$0x3FDB];
	s0 =	simm.s32 @p2 $0x1  }
0x17: {  	s4 =	simm.s32 $0x1BF5;
	[smem:$0x3FAE] =	sst s0  }
0x18: {  	s0 =	sld [smem:$0x3F91];
	_ =	swait.ge [sflag:s4], $0x0  }
0x19: {  	s7 =	sld [smem:$0x3F92]  }
0x1a: {  	s8 =	sadd.s32 $0xFFFFE003, lr  }
0x1b: {  	s9 =	sadd.s32 $0xFFFFFEF7, lr;
	s5 =	simm.s32 $0xFFFFFFFF;
	p2 =	slt.u32 s8, $0xFFFFF086  }
0x1c: {  	p1 =	slt.u32 s9, $0xF7A;
	s5 =	simm.s32 @!p2 $0x0  }
0x1d: {  	s5 =	simm.s32 @p1 $0x1;
	p0 =	seq.s32 s7, s2  }
0x1e: {  	s7 =	smul.u32 @!p0 $0xF7A, s2;
	p2 =	seq.s32 @!p0 s5, $0x0  }
0x1f: {  	s9 =	smul.u32 $0xF7A, s1;
	s8 =	simm.s32 @!p0 $0x1BF5;
	p2 =	por !p2, p0  }
0x20: {  	[sflag:s8] =	ssyncset.s32 @!p0 $0xFFFFF086;
	s6 =	sadd.s32 @!p0 s3, s7;
	s7 =	simm.s32 @!p0 $0x108  }
0x21: {  	s3 =	sadd.s32 s3, s9;
	s6 =	sadd.s32 @!p0 $0x88, s6;
	s7 =	simm.s32 @p2 $0x1082  }
0x22: {  	[simem:s7], [sflag:s8] =	dma.local @!p0 [hbm:s6], $0xF7A  }
0x23: {  	s9 =	sor.u32 $0xD0000000, s2;
	s6 =	simm.s32 $0x108;
	_ =	swait.ge @!p0 [sflag:s8], $0x0  }
0x24: {  	s3 =	sadd.s32 $0x88, s3;
	s6 =	simm.s32 @!p1 $0x1082;
	[sflag:s4] =	ssyncset.s32 $0xFFFFF086  }
0x25: {  	[simem:s6], [sflag:s4] =	dma.local [hbm:s3], $0xF7A  }
0x26: {  	[smem:$0x3F92] =	sst s1;
	(tag) =	ssettag s2;
	_ =	strace s9  }
0x27: {  	s1 =	sld [smem:$0x3FA2]  }
0x28: {  	s2 =	sld [smem:$0x3FA3]  }
0x29: {  	s4 =	sld [smem:$0x3FA5]  }
0x2a: {  	p0 =	seq.s32 s5, $0x0;
	s5 =	sld [smem:$0x3FA6]  }
0x2b: {  	s6 =	sld [smem:$0x3FA7]  }
0x2c: {  	s7 =	sld [smem:$0x3FA8]  }
0x2d: {  	s3 =	simm.s32 $0x108;
	s8 =	sld [smem:$0x3FA9]  }
0x2e: {  	s3 =	simm.s32 @!p0 $0x1082;
	s9 =	sld [smem:$0x3FAA]  }
0x2f: {  	lr =	sadd.s32 s0, s3;
	s0 =	sld [smem:$0x3FA1]  }
0x30: {  	s3 =	sld [smem:$0x3FA4]  }
0x31: {  	[smem:$0x3FAD] =	sst s10  }
0x32: {  	s10 =	sld [smem:$0x3FAB];
	_ =	sdelay $0x3  }
0x33: {  	p0 =	seq.s32 s10, $0x1;
	s10 =	sld [smem:$0x3FAD];
	_ =	sdelay $0x3  }
0x34: {  	[smem:$0x3FAD] =	sst s10  }
0x35: {  	s10 =	sld [smem:$0x3FAC];
	_ =	sdelay $0x3  }
0x36: {  	p1 =	seq.s32 s10, $0x1;
	s10 =	sld [smem:$0x3FAD];
	_ =	sdelay $0x3  }
0x37: {  	[smem:$0x3FAD] =	sst s10  }
0x38: {  	s10 =	sld [smem:$0x3FAE]  }
0x39: {  	_ = 	snop;
	(pc) =	sbr.ind lr, $3  }
0x3a: {  	_ = 	snop  }
0x3b: {  	_ = 	snop  }
0x3c: {  	p2 =	seq.s32 s10, $0x1;
	s10 =	sld [smem:$0x3FAD]  }
0x3d: {  	_ =	shalt  }
0x3e: {  	_ =	shalt  }
0x3f: {  	_ =	shalt  }
0x40: {  	_ =	shalt  }
0x41: {  	_ =	shalt  }
0x42: {  	_ =	shalt  }
0x43: {  	_ =	shalt  }
0x44: {  	_ =	shalt  }
0x45: {  	_ =	shalt  }
0x46: {  	_ =	shalt  }
0x47: {  	_ =	shalt  }
0x48: {  	_ =	shalt  }
0x49: {  	_ =	shalt  }
0x4a: {  	_ =	shalt  }
0x4b: {  	_ =	shalt  }
0x4c: {  	_ =	shalt  }
0x4d: {  	_ =	shalt  }
0x4e: {  	_ =	shalt  }
0x4f: {  	_ =	shalt  }
0x50: {  	_ =	shalt  }
0x51: {  	_ =	shalt  }
0x52: {  	_ =	shalt  }
0x53: {  	_ =	shalt  }
0x54: {  	_ =	shalt  }
0x55: {  	_ =	shalt  }
0x56: {  	_ =	shalt  }
0x57: {  	_ =	shalt  }
0x58: {  	_ =	shalt  }
0x59: {  	_ =	shalt  }
0x5a: {  	_ =	shalt  }
0x5b: {  	_ =	shalt  }
0x5c: {  	_ =	shalt  }
0x5d: {  	_ =	shalt  }
0x5e: {  	_ =	shalt  }
0x5f: {  	_ =	shalt  }
0x60: {  	_ =	shalt  }
0x61: {  	_ =	shalt  }
0x62: {  	_ =	shalt  }
0x63: {  	_ =	shalt  }
0x64: {  	_ =	shalt  }
0x65: {  	_ =	shalt  }
0x66: {  	_ =	shalt  }
0x67: {  	_ =	shalt  }
0x68: {  	_ =	shalt  }
0x69: {  	_ =	shalt  }
0x6a: {  	_ =	shalt  }
0x6b: {  	_ =	shalt  }
0x6c: {  	_ =	shalt  }
0x6d: {  	_ =	shalt  }
0x6e: {  	_ =	shalt  }
0x6f: {  	_ =	shalt  }
0x70: {  	_ =	shalt  }
0x71: {  	_ =	shalt  }
0x72: {  	_ =	shalt  }
0x73: {  	_ =	shalt  }
0x74: {  	_ =	shalt  }
0x75: {  	_ =	shalt  }
0x76: {  	_ =	shalt  }
0x77: {  	_ =	shalt  }
0x78: {  	_ =	shalt  }
0x79: {  	_ =	shalt  }
0x7a: {  	_ =	shalt  }
0x7b: {  	_ =	shalt  }
0x7c: {  	_ =	shalt  }
0x7d: {  	_ =	shalt  }
0x7e: {  	_ =	shalt  }
0x7f: {  	_ =	shalt  }
0x80: {  	_ =	shalt  }
0x81: {  	_ =	shalt  }
0x82: {  	_ =	shalt  }
0x83: {  	_ =	shalt  }
0x84: {  	_ =	shalt  }
0x85: {  	_ =	shalt  }
0x86: {  	_ =	shalt  }
0x87: {  	_ =	shalt  }
.Lfunc_end0:
.L_simem_size_0:
called_computation.1_lowered:
.L_overlay_start_0:
0x88: {  	s2 =	sld [smem:$0x3FD9]  }
0x89: {  	s3 =	sld [smem:$0x3FFE];
	_ =	sdelay $0x1  }
0x8a: {  	s1 =	srdreg.scid  }
0x8b: {  	s0 =	sand.u32 $0x1, s1  }
0x8c: {  	s17 =	sshll.u32 s0, $0xA;
	s2 =	sadd.s32 s3, s2  }
0x8d: {  	s2 =	sadd.s32 s2, s17  }
0x8e: {  	[smem:$0x3FB9] =	sst s2  }
0x8f: {  	_ = 	snop  }
0x90: {  	s18 =	sld [smem:$0x3FD0];
	(tm) =	ssettm $0x1  }
0x91: {  	s19 =	sld [smem:$0x3FFB];
	_ =	sdelay $0x3  }
0x92: {  	_ =	strace s19  }
0x93: {  	s2 =	sld [smem:$0x3FFC];
	_ =	sdelay $0x3  }
0x94: {  	_ =	strace s2  }
0x95: {  	s2 =	sld [smem:$0x3FFD];
	_ =	sdelay $0x3  }
0x96: {  	_ =	strace s2  }
0x97: {  	_ =	strace $0x8FFFFFFF  }
0x98: {  	s20 =	sld [smem:$0x3FDB];
	_ =	sdelay $0x1  }
0x99: {  	s4 =	simm.s32 $_scs_section_size  }
0x9a: {  	s5 =	simm.s32 $_size__tile_overlayer_lowered;
	s6 =	simm.s32 $_tile_overlayer_lowered  }
0x9b: {  	s7 =	simm.s32 $0x1BFF;
	s21 =	sshll.u32 s6, $0x1;
	s4 =	sadd.s32 s4, s20  }
0x9c: {  	s22 =	simm.s32 $0x0;
	s5 =	sshll.u32 s5, $0x1;
	s6 =	sadd.s32 s21, s4  }
0x9d: {  	[timem:s22], [sflag:s7] =	dma.local [hbm:s6], s5  }
0x9e: {  	_ =	swait.ge [sflag:s7], s5  }
0x9f: {  	s5 =	ssub.s32 $0x0, s5;
	[sflag:s7] =	ssyncset.done $0x0  }
0xa0: {  	[sflag:s7] =	ssyncadd.s32 s5;
	_ =	sdelay $0x1  }
0xa1: {  	s23 =	simm.s32 $0x1B8B  }
0xa2: {  	_ =	swait.ge [sflag:s23], $0x1  }
0xa3: {  	[sflag:s23] =	ssyncset.done $0x0  }
0xa4: {  	[sflag:s23] =	ssyncadd.s32 $0xFFFFFFFF  }
0xa5: {  	s5 =	sld [smem:$0x0]  }
0xa6: {  	s6 =	sand.u32 $0xFFFFFFFE, s1  }
0xa7: {  	p0 =	sne.s32 s1, s6  }
0xa8: {  	s6 =	sshll.u32 @p0 s6, $0xE  }
0xa9: {  	s6 =	sadd.s32 @p0 $0x11B8D, s6;
	s7 =	sshll.u32 @p0 s5, $0x11  }
0xaa: {  	s6 =	sor.u32 @p0 s7, s6  }
0xab: {  	[sflag:s6] =	ssyncadd.remote.s32 @p0 $0x1;
	_ =	sdelay $0x1  }
0xac: {  	s6 =	simm.s32 @p0 $0x1B8D  }
0xad: {  	_ =	swait.eq @p0 [sflag:s6], $0x1  }
0xae: {  	[sflag:s6] =	ssyncadd.s32 @p0 $0xFFFFFFFF  }
0xaf: {  	s7 =	sshll.u32 @!p0 s1, $0xE  }
0xb0: {  	s7 =	sor.u32 @!p0 $0x4000, s7;
	s6 =	simm.s32 @!p0 $0x1B8D  }
0xb1: {  	s5 =	sshll.u32 @!p0 s5, $0x11;
	s7 =	sadd.s32 @!p0 $0x11B8D, s7;
	_ =	swait.eq @!p0 [sflag:s6], $0x1  }
0xb2: {  	s5 =	sor.u32 @!p0 s5, s7;
	[sflag:s6] =	ssyncadd.s32 @!p0 $0xFFFFFFFF  }
0xb3: {  	s25 =	simm.s32 $0x1B8E;
	s24 =	sld [smem:$0x3FFE];
	[sflag:s5] =	ssyncadd.remote.s32 @!p0 $0x1  }
0xb4: {  	s26 =	simm.s32 $execute0_lowered;
	[smem:$0x3FD2] =	sst s25  }
0xb5: {  	s6 =	sshll.u32 s26, $0x1;
	_ =	strace $0x80000049;
	[dreg:$0x1] =	wrdreg $0xFFFFFFFF  }
0xb6: {  	s28 =	simm.s32 $_size_execute0_lowered;
	s4 =	sadd.s32 s4, s6;
	[dreg:$0x0] =	wrdreg $0x0  }
0xb7: {  	s6 =	sshll.u32 s28, $0x1;
	[dreg:$0x2] =	wrdreg s4  }
0xb8: {  	[dreg:$0x3] =	wrdreg s6  }
0xb9: {  	[dreg:$0x4] =	wrdreg $0xC0  }
0xba: {  	_ =	task [dreg:s22], $0x5FFFF  }
0xbb: {  	[dreg:$0x1] =	wrdreg $0xFFFFFFFF  }
0xbc: {  	[dreg:$0x0] =	wrdreg $0x60  }
0xbd: {  	[dreg:$0x2] =	wrdreg s24  }
0xbe: {  	[dreg:$0x3] =	wrdreg s18  }
0xbf: {  	[dreg:$0x4] =	wrdreg $0xA8000  }
0xc0: {  	[dreg:$0x5] =	wrdreg $0xA  }
0xc1: {  	_ =	task.clear_ibuf [dreg:s22], $0x6FFFF;
	_ =	strace $0x90000049  }
0xc2: {  	s29 =	simm.s32 $0xA;
	_ =	strace $0x8000004B  }
0xc3: {  	_ =	swait.ge [sflag:s29], $0x1  }
0xc4: {  	[sflag:s29] =	ssyncadd.s32 $0xFFFFFFFF  }
0xc5: {  	_ =	strace $0x9000004B  }
0xc6: {  	_ =	sfence  }
0xc7: {  	s30 =	sld [smem:$0x0];
	_ =	sdelay $0x2  }
0xc8: {  	s31 =	sshll.u32 s1, $0xD;
	s1 =	sshrl.u32 s1, $0x2  }
0xc9: {  	s4 =	sand.u32 $0x4000, s31;
	s1 =	sadd.s32 s1, s30  }
0xca: {  	s0 =	sor.u32 s4, s0;
	s1 =	sshll.u32 s1, $0x11  }
0xcb: {  	s0 =	sor.u32 s1, s0  }
0xcc: {  	s0 =	sadd.s32 $0x8F2B, s0  }
0xcd: {  	[sflag:s0] =	ssyncadd.remote.s32 $0x1  }
0xce: {  	_ =	sfence.sel $0xFFFF  }
0xcf: {  	[dreg:$0x0] =	wrdreg $0xFFFFFFFF;
	(pc) =	sbr.abs _section_cstart, $3  }
0xd0: {  	[dreg:$0x1] =	wrdreg $0xFFFFFFFF  }
0xd1: {  	_ =	task.clear_ibuf [dreg:s22], $0x2FFFF;
	_ =	strace $0x9FFFFFFF  }
0xd2: {  	(tm) =	ssettm $0x7FFFFFFF  }
0xd3: {  	_ =	shalt  }
tec
execute0_lowered:
.L_overlay_start_1:
0x0: {  	(tag) =	ssettag $0x1  }
0x1: {  	s6 =	rddreg [dreg:$0x0]  }
0x2: {  	s7 =	rddreg [dreg:$0x1]  }
0x3: {  	s2 =	rddreg [dreg:$0x2]  }
0x4: {  	s0 =	rddreg [dreg:$0x3];
	s1 =	stileid.u32  }
0x5: {  	s4 =	srdreg.scid;
	s3 =	simm.s32 $0x0;
	s16 =	simm.s32 $0x80  }
0x6: {  	s17 =	simm.s32 $0x2800;
	s18 =	simm.s32 $0x1;
	s19 =	simm.s32 $0x6800  }
0x7: {  	s20 =	simm.s32 $0x3;
	s21 =	simm.s32 $0x4;
	s8 =	smul.u32 $0x2800, s1  }
0x8: {  	s22 =	simm.s32 $0x0;
	s9 =	sand.u32 $0x1, s4;
	s11 =	smul.u32 $0x14000, s1  }
0x9: {  	[smem:$0x7FF] =	sst s3;
	s4 =	sadd.s32 $0x9000, s6;
	s14 =	smul.u32 $0x50000, s1  }
0xa: {  	s30 =	sshll.u32 s1, $0x6;
	s10 =	smul.u32 $0x140000, s9;
	_ =	strace $0x8000004A  }
0xb: {  	s26 =	ssub.s32 $0x2, s9;
	s9 =	smul.u32 $0x28000, s9;
	s5 =	sshrl.u32 s8, $0x3  }
0xc: {  	s13 =	sshrl.u32 s26, $0x1;
	s29 =	sshrl.u32 s14, $0x2;
	s12 =	sadd.s32 s5, s6  }
0xd: {  	s5 =	sadd.s32 $0x59000, s6;
	s10 =	sadd.s32 s11, s10;
	s13 =	ssub.s32 s26, s13  }
0xe: {  	s28 =	sadd.s32 s8, s9;
	s14 =	sadd.s32 s29, s2;
	s10 =	sshrl.u32 s10, $0x3  }
0xf: {  	s31 =	sshrl.u32 s28, $0x3;
	s8 =	sadd.s32 $0x3200, s12;
	s15 =	sadd.s32 s10, s6  }
0x10: {  	s6 =	sor.u32 $0x1C05, s30;
	s7 =	sadd.s32 s7, s31;
	s10 =	sadd.s32 $0x3480, s12  }
0x11: {  	s12 =	smax.u32 s13, $0x1;
	s13 =	sshrl.u32 s14, $0x3;
	s14 =	simm.s32 $0x5  }
0x12: {  	s9 =	sadd.s32 $0x280, s7;
	s11 =	sadd.s32 $0x5B800, s15;
	s15 =	simm.s32 $0x1400  }
.LBB2_1:
0x13: {  	[spmem:s13], [sflag:s6] =	dma.local [hbm:s5], $0x2800  }
0x14: {  	_ =	swait.ge [sflag:s14], $0x2800  }
0x15: {  	[sflag:s14] =	ssyncset.done $0x0  }
0x16: {  	[sflag:s14] =	ssyncadd.s32 $0xFFFFD800  }
0x17: {  	[bflag:$0x0] =	sbarrier.arrive $0xFFFF  }
0x18: {  	[tilespmem:s3], [sflag:$0x5] =	stream.linear.gather [hbm4b:s7+s3], $0x1400, $0x38;
	[tilespmem:$0x1E800] =	vst v63  }
0x19: {  	_ =	swait.ge [sflag:s14], $0x1400  }
0x1a: {  	[sflag:s14] =	ssyncset.done $0x0  }
0x1b: {  	[sflag:s14] =	ssyncadd.s32 $0xFFFFEC00  }
0x1c: {  	[tilespmem:s15], [sflag:$0x5] =	stream.linear.gather [hbm4b:s8+s3], $0x1400, $0x38;
	[tilespmem:$0x1E800] =	vst v63  }
0x1d: {  	_ =	swait.ge [sflag:s14], $0x1400  }
0x1e: {  	[sflag:s14] =	ssyncset.done $0x0  }
0x1f: {  	[sflag:s14] =	ssyncadd.s32 $0xFFFFEC00  }
0x20: {  	[tilespmem:s17], [sflag:$0x1] =	stream.indirect.gather [hbm4b:s4+s16], $0x80, s3, s16, $0xb8;
	[tilespmem:$0x1E800] =	vst v63  }
0x21: {  	_ =	swait.ge [sflag:s18], $0x4000  }
0x22: {  	[sflag:s18] =	ssyncset.done $0x0  }
0x23: {  	[sflag:s18] =	ssyncadd.s32 $0xFFFFC000  }
0x24: {  	[spmem:s2] =	stream.indirect.scatter.add.f32 [tilespmem:s17], [sflag:$0x3], $0x80, s15, s16, $0xb8;
	[tilespmem:$0x1E800] =	vst v63  }
0x25: {  	s23 =	simm.s32 $0x2;
	s24 =	simm.s32 $0x100;
	s25 =	simm.s32 $0x1480  }
0x26: {  	[tilespmem:s19], [sflag:$0x2] =	stream.indirect.gather [hbm4b:s4+s16], $0x80, s16, s16, $0xb8;
	[tilespmem:$0x1E800] =	vst v63  }
.LBB2_2:
0x27: {  	s26 =	sadd.s32 $0xFFFFFFFF, s23  }
0x28: {  	s26 =	sand.u32 $0x1, s26  }
0x29: {  	s28 =	sadd.s32 $0x1, s26  }
0x2a: {  	_ =	swait.ge [sflag:s28], $0x4000  }
0x2b: {  	p0 =	seq.s32 s23, $0x28;
	s29 =	sshll.u32 s26, $0xE;
	[sflag:s28] =	ssyncset.done $0x0  }
0x2c: {  	s26 =	sadd.s32 $0x3, s26;
	s29 =	sor.u32 $0x2800, s29;
	[sflag:s28] =	ssyncadd.s32 $0xFFFFC000  }
0x2d: {  	[spmem:s2] =	stream.indirect.scatter.add.f32 [tilespmem:s29], [sflag:s26], $0x80, s25, s16, $0xb8;
	[tilespmem:$0x1E800] =	vst v63  }
0x2e: {  	s26 =	sand.u32 @!p0 $0x1, s23;
	s23 =	sadd.s32 @!p0 $0x1, s23  }
0x2f: {  	s28 =	sadd.s32 @!p0 $0x3, s26;
	p1 =	sne.s32 @!p0 s23, $0x29  }
0x30: {  	_ =	swait.ge @!p0 [sflag:s28], $0x4000;
	p1 =	por p0, !p1  }
.Ltmp0:
0x31: {  	[sflag:s28] =	ssyncset.done @!p0 $0x0;
	(pc) =	sbr.rel @!p1 .LBB2_2-.Ltmp0, $4  }
0x32: {  	[sflag:s28] =	ssyncadd.s32 @!p0 $0xFFFFC000;
	s28 =	sshll.u32 @!p0 s26, $0xE  }
0x33: {  	s29 =	simm.s32 @!p0 $0x80;
	s26 =	sadd.s32 @!p0 $0x1, s26;
	s28 =	sor.u32 @!p0 $0x2800, s28  }
0x34: {  	[tilespmem:s28], [sflag:s26] =	stream.indirect.gather @!p0 [hbm4b:s4+s29], $0x80, s24, s29, $0xb8;
	[tilespmem:$0x1E800] =	vst v63  }
0x35: {  	s25 =	sadd.s32 @!p0 $0x80, s25;
	s24 =	sadd.s32 @!p0 $0x80, s24  }
0x36: {  	_ =	swait.ge [sflag:s20], $0x4000  }
0x37: {  	[sflag:s20] =	ssyncset.done $0x0  }
0x38: {  	[sflag:s20] =	ssyncadd.s32 $0xFFFFC000  }
0x39: {  	_ =	swait.ge [sflag:s21], $0x4000  }
0x3a: {  	[sflag:s21] =	ssyncset.done $0x0  }
0x3b: {  	[sflag:s21] =	ssyncadd.s32 $0xFFFFC000  }
0x3c: {  	[tilespmem:s3], [sflag:$0x5] =	stream.linear.gather [hbm4b:s9+s3], $0x1400, $0x38;
	[tilespmem:$0x1E800] =	vst v63  }
0x3d: {  	_ =	swait.ge [sflag:s14], $0x1400  }
0x3e: {  	[sflag:s14] =	ssyncset.done $0x0  }
0x3f: {  	[sflag:s14] =	ssyncadd.s32 $0xFFFFEC00  }
0x40: {  	[tilespmem:s15], [sflag:$0x5] =	stream.linear.gather [hbm4b:s10+s3], $0x1400, $0x38;
	[tilespmem:$0x1E800] =	vst v63  }
0x41: {  	_ =	swait.ge [sflag:s14], $0x1400  }
0x42: {  	[sflag:s14] =	ssyncset.done $0x0  }
0x43: {  	[sflag:s14] =	ssyncadd.s32 $0xFFFFEC00  }
0x44: {  	[tilespmem:s17], [sflag:$0x1] =	stream.indirect.gather [hbm4b:s4+s16], $0x80, s3, s16, $0xb8;
	[tilespmem:$0x1E800] =	vst v63  }
0x45: {  	_ =	swait.ge [sflag:s18], $0x4000  }
0x46: {  	[sflag:s18] =	ssyncset.done $0x0  }
0x47: {  	[sflag:s18] =	ssyncadd.s32 $0xFFFFC000  }
0x48: {  	[spmem:s2] =	stream.indirect.scatter.add.f32 [tilespmem:s17], [sflag:$0x3], $0x80, s15, s16, $0xb8;
	[tilespmem:$0x1E800] =	vst v63  }
0x49: {  	s23 =	simm.s32 $0x2;
	s24 =	simm.s32 $0x100;
	s25 =	simm.s32 $0x1480  }
0x4a: {  	[tilespmem:s19], [sflag:$0x2] =	stream.indirect.gather [hbm4b:s4+s16], $0x80, s16, s16, $0xb8;
	[tilespmem:$0x1E800] =	vst v63  }
.LBB2_4:
0x4b: {  	s26 =	sadd.s32 $0xFFFFFFFF, s23  }
0x4c: {  	s26 =	sand.u32 $0x1, s26  }
0x4d: {  	s28 =	sadd.s32 $0x1, s26  }
0x4e: {  	_ =	swait.ge [sflag:s28], $0x4000  }
0x4f: {  	p0 =	seq.s32 s23, $0x28;
	s29 =	sshll.u32 s26, $0xE;
	[sflag:s28] =	ssyncset.done $0x0  }
0x50: {  	s26 =	sadd.s32 $0x3, s26;
	s29 =	sor.u32 $0x2800, s29;
	[sflag:s28] =	ssyncadd.s32 $0xFFFFC000  }
0x51: {  	[spmem:s2] =	stream.indirect.scatter.add.f32 [tilespmem:s29], [sflag:s26], $0x80, s25, s16, $0xb8;
	[tilespmem:$0x1E800] =	vst v63  }
0x52: {  	s26 =	sand.u32 @!p0 $0x1, s23;
	s23 =	sadd.s32 @!p0 $0x1, s23  }
0x53: {  	s28 =	sadd.s32 @!p0 $0x3, s26;
	p1 =	sne.s32 @!p0 s23, $0x29  }
0x54: {  	_ =	swait.ge @!p0 [sflag:s28], $0x4000;
	p1 =	por p0, !p1  }
.Ltmp1:
0x55: {  	[sflag:s28] =	ssyncset.done @!p0 $0x0;
	(pc) =	sbr.rel @!p1 .LBB2_4-.Ltmp1, $4  }
0x56: {  	[sflag:s28] =	ssyncadd.s32 @!p0 $0xFFFFC000;
	s28 =	sshll.u32 @!p0 s26, $0xE  }
0x57: {  	s29 =	simm.s32 @!p0 $0x80;
	s26 =	sadd.s32 @!p0 $0x1, s26;
	s28 =	sor.u32 @!p0 $0x2800, s28  }
0x58: {  	[tilespmem:s28], [sflag:s26] =	stream.indirect.gather @!p0 [hbm4b:s4+s29], $0x80, s24, s29, $0xb8;
	[tilespmem:$0x1E800] =	vst v63  }
0x59: {  	s25 =	sadd.s32 @!p0 $0x80, s25;
	s24 =	sadd.s32 @!p0 $0x80, s24  }
0x5a: {  	_ =	swait.ge [sflag:s20], $0x4000  }
0x5b: {  	[sflag:s20] =	ssyncset.done $0x0  }
0x5c: {  	[sflag:s20] =	ssyncadd.s32 $0xFFFFC000  }
0x5d: {  	_ =	swait.ge [sflag:s21], $0x4000  }
0x5e: {  	s22 =	sadd.s32 $0x1, s22;
	[sflag:s21] =	ssyncset.done $0x0  }
0x5f: {  	p0 =	sne.s32 s22, s12;
	[sflag:s21] =	ssyncadd.s32 $0xFFFFC000  }
.Ltmp2:
0x60: {  	[bflag:$0x0] =	sbarrier.arrive $0xFFFF;
	(pc) =	sbr.rel @p0 .LBB2_1-.Ltmp2, $4  }
0x61: {  	[hbm:s11], [sflag:s6] =	dma.local [spmem:s13], $0x2800  }
0x62: {  	_ =	swait.ge [sflag:s14], $0x2800  }
0x63: {  	[sflag:s14] =	ssyncset.done $0x0  }
0x64: {  	[sflag:s14] =	ssyncadd.s32 $0xFFFFD800  }
0x65: {  	_ =	sfence.sel $0x180000  }
0x66: {  	[bflag:$0x0] =	sbarrier.arrive $0xFFFF  }
0x67: {  	p0 =	sne.s32 s1, $0x0;
	_ =	strace $0x9000004A  }
0x68: {  	s0 =	sadd.s32 @!p0 $0x100000, s0;
	[bflag:$0x2] =	sbarrier.arrive $0xFFFF  }
0x69: {  	[sflag:s0] =	ssyncadd.tile.s32 @!p0 $0x1;
	_ =	shalt  }
.Lfunc_end2:
_tile_overlayer_lowered:
.L_overlay_start_2:
0x6a: {  	(tag) =	ssettag $0x2  }
0x6b: {  	s0 =	rddreg [dreg:$0x0];
	s2 =	stileid.u32  }
0x6c: {  	s1 =	rddreg [dreg:$0x1];
	p0 =	sne.s32 s2, $0x0  }
0x6d: {  	s3 =	rddreg [dreg:$0x2];
	[bflag:$0x3] =	sbarrier.arrive $0xFFFF;
	s2 =	simm.s32 @!p0 $0x1C05  }
0x6e: {  	[timem:s3], [sflag:s2] =	dma.local @!p0 [hbm:s0], s1  }
0x6f: {  	s0 =	simm.s32 @!p0 $0x5  }
0x70: {  	_ =	swait.ge @!p0 [sflag:s0], s1  }
0x71: {  	s1 =	ssub.s32 @!p0 $0x0, s1;
	[sflag:s0] =	ssyncset.done @!p0 $0x0  }
0x72: {  	[sflag:s0] =	ssyncadd.s32 @!p0 s1  }
0x73: {  	[bflag:$0x3] =	sbarrier.arrive $0xFFFF  }
0x74: {  	_ =	shalt  }

// kernel: kernel.17.cloned.1.call-start
scs
__scs_entry_jumppad:
0x0: {  	(pc) =	sbr.rel $0x88, $3  }
0x1: {  	(tag) =	ssettag $0x0;
	lr =	simm.s32 $0x1  }
0x2: {  	[smem:$0x3F92] =	sst lr;
	_ =	strace $0xD0000000  }
0x3: {  	_ = 	snop  }
0x4: {  	_ = 	snop  }
0x5: {  	_ = 	snop  }
0x6: {  	_ = 	snop  }
0x7: {  	_ = 	snop  }
__scs_overlays_trampoline_lowered:
0x8: {  	[smem:$0x3FA1] =	sst s0  }
0x9: {  	[smem:$0x3FA2] =	sst s1  }
0xa: {  	[smem:$0x3FA3] =	sst s2  }
0xb: {  	[smem:$0x3FA4] =	sst s3  }
0xc: {  	[smem:$0x3FA5] =	sst s4  }
0xd: {  	[smem:$0x3FA6] =	sst s5  }
0xe: {  	[smem:$0x3FA7] =	sst s6  }
0xf: {  	[smem:$0x3FA8] =	sst s7  }
0x10: {  	[smem:$0x3FA9] =	sst s8  }
0x11: {  	[smem:$0x3FAA] =	sst s9;
	s0 =	simm.s32 @!p0 $0x0  }
0x12: {  	s1 =	sld [smem:$0x3F90];
	s0 =	simm.s32 @p0 $0x1  }
0x13: {  	[smem:$0x3FAB] =	sst s0;
	s0 =	simm.s32 @!p1 $0x0  }
0x14: {  	s2 =	sld [smem:$0x3F8F];
	s0 =	simm.s32 @p1 $0x1  }
0x15: {  	[smem:$0x3FAC] =	sst s0;
	s0 =	simm.s32 @!p2 $0x0  }
0x16: {  	s3 =	sld [smem:$0x3FDB];
	s0 =	simm.s32 @p2 $0x1  }
0x17: {  	s4 =	simm.s32 $0x1BF5;
	[smem:$0x3FAE] =	sst s0  }
0x18: {  	s0 =	sld [smem:$0x3F91];
	_ =	swait.ge [sflag:s4], $0x0  }
0x19: {  	s7 =	sld [smem:$0x3F92]  }
0x1a: {  	s8 =	sadd.s32 $0xFFFFE003, lr  }
0x1b: {  	s9 =	sadd.s32 $0xFFFFFEF7, lr;
	s5 =	simm.s32 $0xFFFFFFFF;
	p2 =	slt.u32 s8, $0xFFFFF086  }
0x1c: {  	p1 =	slt.u32 s9, $0xF7A;
	s5 =	simm.s32 @!p2 $0x0  }
0x1d: {  	s5 =	simm.s32 @p1 $0x1;
	p0 =	seq.s32 s7, s2  }
0x1e: {  	s7 =	smul.u32 @!p0 $0xF7A, s2;
	p2 =	seq.s32 @!p0 s5, $0x0  }
0x1f: {  	s9 =	smul.u32 $0xF7A, s1;
	s8 =	simm.s32 @!p0 $0x1BF5;
	p2 =	por !p2, p0  }
0x20: {  	[sflag:s8] =	ssyncset.s32 @!p0 $0xFFFFF086;
	s6 =	sadd.s32 @!p0 s3, s7;
	s7 =	simm.s32 @!p0 $0x108  }
0x21: {  	s3 =	sadd.s32 s3, s9;
	s6 =	sadd.s32 @!p0 $0x88, s6;
	s7 =	simm.s32 @p2 $0x1082  }
0x22: {  	[simem:s7], [sflag:s8] =	dma.local @!p0 [hbm:s6], $0xF7A  }
0x23: {  	s9 =	sor.u32 $0xD0000000, s2;
	s6 =	simm.s32 $0x108;
	_ =	swait.ge @!p0 [sflag:s8], $0x0  }
0x24: {  	s3 =	sadd.s32 $0x88, s3;
	s6 =	simm.s32 @!p1 $0x1082;
	[sflag:s4] =	ssyncset.s32 $0xFFFFF086  }
0x25: {  	[simem:s6], [sflag:s4] =	dma.local [hbm:s3], $0xF7A  }
0x26: {  	[smem:$0x3F92] =	sst s1;
	(tag) =	ssettag s2;
	_ =	strace s9  }
0x27: {  	s1 =	sld [smem:$0x3FA2]  }
0x28: {  	s2 =	sld [smem:$0x3FA3]  }
0x29: {  	s4 =	sld [smem:$0x3FA5]  }
0x2a: {  	p0 =	seq.s32 s5, $0x0;
	s5 =	sld [smem:$0x3FA6]  }
0x2b: {  	s6 =	sld [smem:$0x3FA7]  }
0x2c: {  	s7 =	sld [smem:$0x3FA8]  }
0x2d: {  	s3 =	simm.s32 $0x108;
	s8 =	sld [smem:$0x3FA9]  }
0x2e: {  	s3 =	simm.s32 @!p0 $0x1082;
	s9 =	sld [smem:$0x3FAA]  }
0x2f: {  	lr =	sadd.s32 s0, s3;
	s0 =	sld [smem:$0x3FA1]  }
0x30: {  	s3 =	sld [smem:$0x3FA4]  }
0x31: {  	[smem:$0x3FAD] =	sst s10  }
0x32: {  	s10 =	sld [smem:$0x3FAB];
	_ =	sdelay $0x3  }
0x33: {  	p0 =	seq.s32 s10, $0x1;
	s10 =	sld [smem:$0x3FAD];
	_ =	sdelay $0x3  }
0x34: {  	[smem:$0x3FAD] =	sst s10  }
0x35: {  	s10 =	sld [smem:$0x3FAC];
	_ =	sdelay $0x3  }
0x36: {  	p1 =	seq.s32 s10, $0x1;
	s10 =	sld [smem:$0x3FAD];
	_ =	sdelay $0x3  }
0x37: {  	[smem:$0x3FAD] =	sst s10  }
0x38: {  	s10 =	sld [smem:$0x3FAE]  }
0x39: {  	_ = 	snop;
	(pc) =	sbr.ind lr, $3  }
0x3a: {  	_ = 	snop  }
0x3b: {  	_ = 	snop  }
0x3c: {  	p2 =	seq.s32 s10, $0x1;
	s10 =	sld [smem:$0x3FAD]  }
0x3d: {  	_ =	shalt  }
0x3e: {  	_ =	shalt  }
0x3f: {  	_ =	shalt  }
0x40: {  	_ =	shalt  }
0x41: {  	_ =	shalt  }
0x42: {  	_ =	shalt  }
0x43: {  	_ =	shalt  }
0x44: {  	_ =	shalt  }
0x45: {  	_ =	shalt  }
0x46: {  	_ =	shalt  }
0x47: {  	_ =	shalt  }
0x48: {  	_ =	shalt  }
0x49: {  	_ =	shalt  }
0x4a: {  	_ =	shalt  }
0x4b: {  	_ =	shalt  }
0x4c: {  	_ =	shalt  }
0x4d: {  	_ =	shalt  }
0x4e: {  	_ =	shalt  }
0x4f: {  	_ =	shalt  }
0x50: {  	_ =	shalt  }
0x51: {  	_ =	shalt  }
0x52: {  	_ =	shalt  }
0x53: {  	_ =	shalt  }
0x54: {  	_ =	shalt  }
0x55: {  	_ =	shalt  }
0x56: {  	_ =	shalt  }
0x57: {  	_ =	shalt  }
0x58: {  	_ =	shalt  }
0x59: {  	_ =	shalt  }
0x5a: {  	_ =	shalt  }
0x5b: {  	_ =	shalt  }
0x5c: {  	_ =	shalt  }
0x5d: {  	_ =	shalt  }
0x5e: {  	_ =	shalt  }
0x5f: {  	_ =	shalt  }
0x60: {  	_ =	shalt  }
0x61: {  	_ =	shalt  }
0x62: {  	_ =	shalt  }
0x63: {  	_ =	shalt  }
0x64: {  	_ =	shalt  }
0x65: {  	_ =	shalt  }
0x66: {  	_ =	shalt  }
0x67: {  	_ =	shalt  }
0x68: {  	_ =	shalt  }
0x69: {  	_ =	shalt  }
0x6a: {  	_ =	shalt  }
0x6b: {  	_ =	shalt  }
0x6c: {  	_ =	shalt  }
0x6d: {  	_ =	shalt  }
0x6e: {  	_ =	shalt  }
0x6f: {  	_ =	shalt  }
0x70: {  	_ =	shalt  }
0x71: {  	_ =	shalt  }
0x72: {  	_ =	shalt  }
0x73: {  	_ =	shalt  }
0x74: {  	_ =	shalt  }
0x75: {  	_ =	shalt  }
0x76: {  	_ =	shalt  }
0x77: {  	_ =	shalt  }
0x78: {  	_ =	shalt  }
0x79: {  	_ =	shalt  }
0x7a: {  	_ =	shalt  }
0x7b: {  	_ =	shalt  }
0x7c: {  	_ =	shalt  }
0x7d: {  	_ =	shalt  }
0x7e: {  	_ =	shalt  }
0x7f: {  	_ =	shalt  }
0x80: {  	_ =	shalt  }
0x81: {  	_ =	shalt  }
0x82: {  	_ =	shalt  }
0x83: {  	_ =	shalt  }
0x84: {  	_ =	shalt  }
0x85: {  	_ =	shalt  }
0x86: {  	_ =	shalt  }
0x87: {  	_ =	shalt  }
.Lfunc_end0:
.L_simem_size_0:
called_computation.2_lowered:
.L_overlay_start_0:
0x88: {  	s2 =	sld [smem:$0x3FD9]  }
0x89: {  	s3 =	sld [smem:$0x3FFE];
	_ =	sdelay $0x1  }
0x8a: {  	s1 =	srdreg.scid  }
0x8b: {  	s0 =	sand.u32 $0x1, s1  }
0x8c: {  	s17 =	sshll.u32 s0, $0xA;
	s2 =	sadd.s32 s3, s2  }
0x8d: {  	s2 =	sadd.s32 s2, s17  }
0x8e: {  	[smem:$0x3FB9] =	sst s2  }
0x8f: {  	_ = 	snop  }
0x90: {  	s2 =	sld [smem:$0x3FD0];
	(tm) =	ssettm $0x1  }
0x91: {  	s18 =	sld [smem:$0x3FFB];
	_ =	sdelay $0x3  }
0x92: {  	_ =	strace s18  }
0x93: {  	s3 =	sld [smem:$0x3FFC];
	_ =	sdelay $0x3  }
0x94: {  	_ =	strace s3  }
0x95: {  	s3 =	sld [smem:$0x3FFD];
	_ =	sdelay $0x3  }
0x96: {  	_ =	strace s3  }
0x97: {  	_ =	strace $0x8FFFFFFF  }
0x98: {  	s19 =	sld [smem:$0x3FDB];
	_ =	sdelay $0x1  }
0x99: {  	s4 =	simm.s32 $_scs_section_size  }
0x9a: {  	s5 =	simm.s32 $_size__tile_overlayer_lowered;
	s6 =	simm.s32 $_tile_overlayer_lowered  }
0x9b: {  	s22 =	simm.s32 $0x1BFF;
	s21 =	sshll.u32 s6, $0x1;
	s3 =	sadd.s32 s4, s19  }
0x9c: {  	s7 =	simm.s32 $0x0;
	s20 =	sshll.u32 s5, $0x1;
	s5 =	sadd.s32 s21, s3  }
0x9d: {  	[timem:s7], [sflag:s22] =	dma.local [hbm:s5], s20  }
0x9e: {  	_ =	swait.ge [sflag:s22], s20  }
0x9f: {  	s4 =	ssub.s32 $0x0, s20;
	[sflag:s22] =	ssyncset.done $0x0  }
0xa0: {  	[sflag:s22] =	ssyncadd.s32 s4;
	_ =	sdelay $0x1  }
0xa1: {  	s23 =	simm.s32 $0x1B8B  }
0xa2: {  	_ =	swait.ge [sflag:s23], $0x1  }
0xa3: {  	[sflag:s23] =	ssyncset.done $0x0  }
0xa4: {  	s25 =	simm.s32 $0x1B8E;
	s24 =	sld [smem:$0x3FFE];
	[sflag:s23] =	ssyncadd.s32 $0xFFFFFFFF  }
0xa5: {  	s26 =	simm.s32 $execute0_lowered;
	[smem:$0x3FD2] =	sst s25  }
0xa6: {  	s5 =	sshll.u32 s26, $0x1;
	_ =	strace $0x8000004C;
	[dreg:$0x1] =	wrdreg $0xFFFFFFFF  }
0xa7: {  	s28 =	simm.s32 $_size_execute0_lowered;
	s3 =	sadd.s32 s3, s5;
	[dreg:$0x0] =	wrdreg $0x0  }
0xa8: {  	s5 =	sshll.u32 s28, $0x1;
	[dreg:$0x2] =	wrdreg s3  }
0xa9: {  	[dreg:$0x3] =	wrdreg s5  }
0xaa: {  	[dreg:$0x4] =	wrdreg $0xC0  }
0xab: {  	_ =	task [dreg:s7], $0x5FFFF  }
0xac: {  	[dreg:$0x1] =	wrdreg $0xFFFFFFFF  }
0xad: {  	[dreg:$0x0] =	wrdreg $0x60  }
0xae: {  	[dreg:$0x2] =	wrdreg s24  }
0xaf: {  	[dreg:$0x3] =	wrdreg s2  }
0xb0: {  	[dreg:$0x4] =	wrdreg $0xA8000  }
0xb1: {  	[dreg:$0x5] =	wrdreg $0x9  }
0xb2: {  	_ =	task.clear_ibuf [dreg:s7], $0x6FFFF;
	_ =	strace $0x9000004C  }
0xb3: {  	s29 =	simm.s32 $0x9;
	_ =	strace $0x8000004E  }
0xb4: {  	_ =	swait.ge [sflag:s29], $0x1  }
0xb5: {  	[sflag:s29] =	ssyncadd.s32 $0xFFFFFFFF  }
0xb6: {  	_ =	strace $0x9000004E  }
0xb7: {  	_ =	sfence  }
0xb8: {  	s30 =	sld [smem:$0x0];
	_ =	sdelay $0x2  }
0xb9: {  	s31 =	sshll.u32 s1, $0xD;
	s1 =	sshrl.u32 s1, $0x2  }
0xba: {  	s3 =	sand.u32 $0x4000, s31;
	s1 =	sadd.s32 s1, s30  }
0xbb: {  	s0 =	sor.u32 s3, s0;
	s1 =	sshll.u32 s1, $0x11  }
0xbc: {  	s0 =	sor.u32 s1, s0  }
0xbd: {  	s0 =	sadd.s32 $0x8F2B, s0  }
0xbe: {  	[sflag:s0] =	ssyncadd.remote.s32 $0x1  }
0xbf: {  	_ =	sfence.sel $0xFFFF  }
0xc0: {  	[dreg:$0x0] =	wrdreg $0xFFFFFFFF;
	(pc) =	sbr.abs _section_cstart, $3  }
0xc1: {  	[dreg:$0x1] =	wrdreg $0xFFFFFFFF  }
0xc2: {  	_ =	task.clear_ibuf [dreg:s7], $0x2FFFF;
	_ =	strace $0x9FFFFFFF  }
0xc3: {  	(tm) =	ssettm $0x7FFFFFFF  }
tec
execute0_lowered:
.L_overlay_start_1:
0x0: {  	(tag) =	ssettag $0x1  }
0x1: {  	s6 =	rddreg [dreg:$0x0]  }
0x2: {  	s7 =	rddreg [dreg:$0x1]  }
0x3: {  	s2 =	rddreg [dreg:$0x2]  }
0x4: {  	s0 =	rddreg [dreg:$0x3];
	s1 =	stileid.u32  }
0x5: {  	s4 =	srdreg.scid;
	s3 =	simm.s32 $0x0;
	s16 =	simm.s32 $0x80  }
0x6: {  	s17 =	simm.s32 $0x2800;
	s18 =	simm.s32 $0x1;
	s19 =	simm.s32 $0x6800  }
0x7: {  	s20 =	simm.s32 $0x3;
	s21 =	simm.s32 $0x4;
	s8 =	smul.u32 $0x2800, s1  }
0x8: {  	s22 =	simm.s32 $0x0;
	s9 =	sand.u32 $0x1, s4;
	s11 =	smul.u32 $0x14000, s1  }
0x9: {  	[smem:$0x7FF] =	sst s3;
	s4 =	sadd.s32 $0x5B800, s6;
	s14 =	smul.u32 $0x50000, s1  }
0xa: {  	s30 =	sshll.u32 s1, $0x6;
	s10 =	smul.u32 $0x140000, s9;
	_ =	strace $0x8000004D  }
0xb: {  	s26 =	ssub.s32 $0x2, s9;
	s9 =	smul.u32 $0x28000, s9;
	s5 =	sshrl.u32 s8, $0x3  }
0xc: {  	s13 =	sshrl.u32 s26, $0x1;
	s29 =	sshrl.u32 s14, $0x2;
	s12 =	sadd.s32 s5, s6  }
0xd: {  	s5 =	sadd.s32 $0x59000, s6;
	s10 =	sadd.s32 s11, s10;
	s13 =	ssub.s32 s26, s13  }
0xe: {  	s28 =	sadd.s32 s8, s9;
	s14 =	sadd.s32 s29, s2;
	s10 =	sshrl.u32 s10, $0x3  }
0xf: {  	s31 =	sshrl.u32 s28, $0x3;
	s8 =	sadd.s32 $0x3200, s12;
	s15 =	sadd.s32 s10, s6  }
0x10: {  	s6 =	sor.u32 $0x1C05, s30;
	s7 =	sadd.s32 s7, s31;
	s10 =	sadd.s32 $0x3480, s12  }
0x11: {  	s12 =	smax.u32 s13, $0x1;
	s13 =	sshrl.u32 s14, $0x3;
	s14 =	simm.s32 $0x5  }
0x12: {  	s9 =	sadd.s32 $0x280, s7;
	s11 =	sadd.s32 $0x8200, s15;
	s15 =	simm.s32 $0x1400  }
.LBB2_1:
0x13: {  	[spmem:s13], [sflag:s6] =	dma.local [hbm:s5], $0x2800  }
0x14: {  	_ =	swait.ge [sflag:s14], $0x2800  }
0x15: {  	[sflag:s14] =	ssyncset.done $0x0  }
0x16: {  	[sflag:s14] =	ssyncadd.s32 $0xFFFFD800  }
0x17: {  	[bflag:$0x0] =	sbarrier.arrive $0xFFFF  }
0x18: {  	[tilespmem:s3], [sflag:$0x5] =	stream.linear.gather [hbm4b:s7+s3], $0x1400, $0x38;
	[tilespmem:$0x1E800] =	vst v63  }
0x19: {  	_ =	swait.ge [sflag:s14], $0x1400  }
0x1a: {  	[sflag:s14] =	ssyncset.done $0x0  }
0x1b: {  	[sflag:s14] =	ssyncadd.s32 $0xFFFFEC00  }
0x1c: {  	[tilespmem:s15], [sflag:$0x5] =	stream.linear.gather [hbm4b:s8+s3], $0x1400, $0x38;
	[tilespmem:$0x1E800] =	vst v63  }
0x1d: {  	_ =	swait.ge [sflag:s14], $0x1400  }
0x1e: {  	[sflag:s14] =	ssyncset.done $0x0  }
0x1f: {  	[sflag:s14] =	ssyncadd.s32 $0xFFFFEC00  }
0x20: {  	[tilespmem:s17], [sflag:$0x1] =	stream.indirect.gather [hbm4b:s4+s16], $0x80, s3, s16, $0xb8;
	[tilespmem:$0x1E800] =	vst v63  }
0x21: {  	_ =	swait.ge [sflag:s18], $0x4000  }
0x22: {  	[sflag:s18] =	ssyncset.done $0x0  }
0x23: {  	[sflag:s18] =	ssyncadd.s32 $0xFFFFC000  }
0x24: {  	[spmem:s2] =	stream.indirect.scatter.add.f32 [tilespmem:s17], [sflag:$0x3], $0x80, s15, s16, $0xb8;
	[tilespmem:$0x1E800] =	vst v63  }
0x25: {  	s23 =	simm.s32 $0x2;
	s24 =	simm.s32 $0x100;
	s25 =	simm.s32 $0x1480  }
0x26: {  	[tilespmem:s19], [sflag:$0x2] =	stream.indirect.gather [hbm4b:s4+s16], $0x80, s16, s16, $0xb8;
	[tilespmem:$0x1E800] =	vst v63  }
.LBB2_2:
0x27: {  	s26 =	sadd.s32 $0xFFFFFFFF, s23  }
0x28: {  	s26 =	sand.u32 $0x1, s26  }
0x29: {  	s28 =	sadd.s32 $0x1, s26  }
0x2a: {  	_ =	swait.ge [sflag:s28], $0x4000  }
0x2b: {  	p0 =	seq.s32 s23, $0x28;
	s29 =	sshll.u32 s26, $0xE;
	[sflag:s28] =	ssyncset.done $0x0  }
0x2c: {  	s26 =	sadd.s32 $0x3, s26;
	s29 =	sor.u32 $0x2800, s29;
	[sflag:s28] =	ssyncadd.s32 $0xFFFFC000  }
0x2d: {  	[spmem:s2] =	stream.indirect.scatter.add.f32 [tilespmem:s29], [sflag:s26], $0x80, s25, s16, $0xb8;
	[tilespmem:$0x1E800] =	vst v63  }
0x2e: {  	s26 =	sand.u32 @!p0 $0x1, s23;
	s23 =	sadd.s32 @!p0 $0x1, s23  }
0x2f: {  	s28 =	sadd.s32 @!p0 $0x3, s26;
	p1 =	sne.s32 @!p0 s23, $0x29  }
0x30: {  	_ =	swait.ge @!p0 [sflag:s28], $0x4000;
	p1 =	por p0, !p1  }
.Ltmp0:
0x31: {  	[sflag:s28] =	ssyncset.done @!p0 $0x0;
	(pc) =	sbr.rel @!p1 .LBB2_2-.Ltmp0, $4  }
0x32: {  	[sflag:s28] =	ssyncadd.s32 @!p0 $0xFFFFC000;
	s28 =	sshll.u32 @!p0 s26, $0xE  }
0x33: {  	s29 =	simm.s32 @!p0 $0x80;
	s26 =	sadd.s32 @!p0 $0x1, s26;
	s28 =	sor.u32 @!p0 $0x2800, s28  }
0x34: {  	[tilespmem:s28], [sflag:s26] =	stream.indirect.gather @!p0 [hbm4b:s4+s29], $0x80, s24, s29, $0xb8;
	[tilespmem:$0x1E800] =	vst v63  }
0x35: {  	s25 =	sadd.s32 @!p0 $0x80, s25;
	s24 =	sadd.s32 @!p0 $0x80, s24  }
0x36: {  	_ =	swait.ge [sflag:s20], $0x4000  }
0x37: {  	[sflag:s20] =	ssyncset.done $0x0  }
0x38: {  	[sflag:s20] =	ssyncadd.s32 $0xFFFFC000  }
0x39: {  	_ =	swait.ge [sflag:s21], $0x4000  }
0x3a: {  	[sflag:s21] =	ssyncset.done $0x0  }
0x3b: {  	[sflag:s21] =	ssyncadd.s32 $0xFFFFC000  }
0x3c: {  	[tilespmem:s3], [sflag:$0x5] =	stream.linear.gather [hbm4b:s9+s3], $0x1400, $0x38;
	[tilespmem:$0x1E800] =	vst v63  }
0x3d: {  	_ =	swait.ge [sflag:s14], $0x1400  }
0x3e: {  	[sflag:s14] =	ssyncset.done $0x0  }
0x3f: {  	[sflag:s14] =	ssyncadd.s32 $0xFFFFEC00  }
0x40: {  	[tilespmem:s15], [sflag:$0x5] =	stream.linear.gather [hbm4b:s10+s3], $0x1400, $0x38;
	[tilespmem:$0x1E800] =	vst v63  }
0x41: {  	_ =	swait.ge [sflag:s14], $0x1400  }
0x42: {  	[sflag:s14] =	ssyncset.done $0x0  }
0x43: {  	[sflag:s14] =	ssyncadd.s32 $0xFFFFEC00  }
0x44: {  	[tilespmem:s17], [sflag:$0x1] =	stream.indirect.gather [hbm4b:s4+s16], $0x80, s3, s16, $0xb8;
	[tilespmem:$0x1E800] =	vst v63  }
0x45: {  	_ =	swait.ge [sflag:s18], $0x4000  }
0x46: {  	[sflag:s18] =	ssyncset.done $0x0  }
0x47: {  	[sflag:s18] =	ssyncadd.s32 $0xFFFFC000  }
0x48: {  	[spmem:s2] =	stream.indirect.scatter.add.f32 [tilespmem:s17], [sflag:$0x3], $0x80, s15, s16, $0xb8;
	[tilespmem:$0x1E800] =	vst v63  }
0x49: {  	s23 =	simm.s32 $0x2;
	s24 =	simm.s32 $0x100;
	s25 =	simm.s32 $0x1480  }
0x4a: {  	[tilespmem:s19], [sflag:$0x2] =	stream.indirect.gather [hbm4b:s4+s16], $0x80, s16, s16, $0xb8;
	[tilespmem:$0x1E800] =	vst v63  }
.LBB2_4:
0x4b: {  	s26 =	sadd.s32 $0xFFFFFFFF, s23  }
0x4c: {  	s26 =	sand.u32 $0x1, s26  }
0x4d: {  	s28 =	sadd.s32 $0x1, s26  }
0x4e: {  	_ =	swait.ge [sflag:s28], $0x4000  }
0x4f: {  	p0 =	seq.s32 s23, $0x28;
	s29 =	sshll.u32 s26, $0xE;
	[sflag:s28] =	ssyncset.done $0x0  }
0x50: {  	s26 =	sadd.s32 $0x3, s26;
	s29 =	sor.u32 $0x2800, s29;
	[sflag:s28] =	ssyncadd.s32 $0xFFFFC000  }
0x51: {  	[spmem:s2] =	stream.indirect.scatter.add.f32 [tilespmem:s29], [sflag:s26], $0x80, s25, s16, $0xb8;
	[tilespmem:$0x1E800] =	vst v63  }
0x52: {  	s26 =	sand.u32 @!p0 $0x1, s23;
	s23 =	sadd.s32 @!p0 $0x1, s23  }
0x53: {  	s28 =	sadd.s32 @!p0 $0x3, s26;
	p1 =	sne.s32 @!p0 s23, $0x29  }
0x54: {  	_ =	swait.ge @!p0 [sflag:s28], $0x4000;
	p1 =	por p0, !p1  }
.Ltmp1:
0x55: {  	[sflag:s28] =	ssyncset.done @!p0 $0x0;
	(pc) =	sbr.rel @!p1 .LBB2_4-.Ltmp1, $4  }
0x56: {  	[sflag:s28] =	ssyncadd.s32 @!p0 $0xFFFFC000;
	s28 =	sshll.u32 @!p0 s26, $0xE  }
0x57: {  	s29 =	simm.s32 @!p0 $0x80;
	s26 =	sadd.s32 @!p0 $0x1, s26;
	s28 =	sor.u32 @!p0 $0x2800, s28  }
0x58: {  	[tilespmem:s28], [sflag:s26] =	stream.indirect.gather @!p0 [hbm4b:s4+s29], $0x80, s24, s29, $0xb8;
	[tilespmem:$0x1E800] =	vst v63  }
0x59: {  	s25 =	sadd.s32 @!p0 $0x80, s25;
	s24 =	sadd.s32 @!p0 $0x80, s24  }
0x5a: {  	_ =	swait.ge [sflag:s20], $0x4000  }
0x5b: {  	[sflag:s20] =	ssyncset.done $0x0  }
0x5c: {  	[sflag:s20] =	ssyncadd.s32 $0xFFFFC000  }
0x5d: {  	_ =	swait.ge [sflag:s21], $0x4000  }
0x5e: {  	s22 =	sadd.s32 $0x1, s22;
	[sflag:s21] =	ssyncset.done $0x0  }
0x5f: {  	p0 =	sne.s32 s22, s12;
	[sflag:s21] =	ssyncadd.s32 $0xFFFFC000  }
.Ltmp2:
0x60: {  	[bflag:$0x0] =	sbarrier.arrive $0xFFFF;
	(pc) =	sbr.rel @p0 .LBB2_1-.Ltmp2, $4  }
0x61: {  	[hbm:s11], [sflag:s6] =	dma.local [spmem:s13], $0x2800  }
0x62: {  	_ =	swait.ge [sflag:s14], $0x2800  }
0x63: {  	[sflag:s14] =	ssyncset.done $0x0  }
0x64: {  	[sflag:s14] =	ssyncadd.s32 $0xFFFFD800  }
0x65: {  	_ =	sfence.sel $0x180000  }
0x66: {  	[bflag:$0x0] =	sbarrier.arrive $0xFFFF  }
0x67: {  	p0 =	sne.s32 s1, $0x0;
	_ =	strace $0x9000004D  }
0x68: {  	s0 =	sadd.s32 @!p0 $0x100000, s0;
	[bflag:$0x2] =	sbarrier.arrive $0xFFFF  }
0x69: {  	[sflag:s0] =	ssyncadd.tile.s32 @!p0 $0x1;
	_ =	shalt  }
.Lfunc_end2:
_tile_overlayer_lowered:
.L_overlay_start_2:
0x6a: {  	(tag) =	ssettag $0x2  }
0x6b: {  	s0 =	rddreg [dreg:$0x0];
	s2 =	stileid.u32  }
0x6c: {  	s1 =	rddreg [dreg:$0x1];
	p0 =	sne.s32 s2, $0x0  }
0x6d: {  	s3 =	rddreg [dreg:$0x2];
	[bflag:$0x3] =	sbarrier.arrive $0xFFFF;
	s2 =	simm.s32 @!p0 $0x1C05  }
0x6e: {  	[timem:s3], [sflag:s2] =	dma.local @!p0 [hbm:s0], s1  }
0x6f: {  	s0 =	simm.s32 @!p0 $0x5  }
0x70: {  	_ =	swait.ge @!p0 [sflag:s0], s1  }
0x71: {  	s1 =	ssub.s32 @!p0 $0x0, s1;
	[sflag:s0] =	ssyncset.done @!p0 $0x0  }
0x72: {  	[sflag:s0] =	ssyncadd.s32 @!p0 s1  }
0x73: {  	[bflag:$0x3] =	sbarrier.arrive $0xFFFF  }
0x74: {  	_ =	shalt  }

// kernel: kernel.20.cloned.1.call-start
scs
__scs_entry_jumppad:
0x0: {  	(pc) =	sbr.rel $0x88, $3  }
0x1: {  	(tag) =	ssettag $0x0;
	lr =	simm.s32 $0x1  }
0x2: {  	[smem:$0x3F92] =	sst lr;
	_ =	strace $0xD0000000  }
0x3: {  	_ = 	snop  }
0x4: {  	_ = 	snop  }
0x5: {  	_ = 	snop  }
0x6: {  	_ = 	snop  }
0x7: {  	_ = 	snop  }
__scs_overlays_trampoline_lowered:
0x8: {  	[smem:$0x3FA1] =	sst s0  }
0x9: {  	[smem:$0x3FA2] =	sst s1  }
0xa: {  	[smem:$0x3FA3] =	sst s2  }
0xb: {  	[smem:$0x3FA4] =	sst s3  }
0xc: {  	[smem:$0x3FA5] =	sst s4  }
0xd: {  	[smem:$0x3FA6] =	sst s5  }
0xe: {  	[smem:$0x3FA7] =	sst s6  }
0xf: {  	[smem:$0x3FA8] =	sst s7  }
0x10: {  	[smem:$0x3FA9] =	sst s8  }
0x11: {  	[smem:$0x3FAA] =	sst s9;
	s0 =	simm.s32 @!p0 $0x0  }
0x12: {  	s1 =	sld [smem:$0x3F90];
	s0 =	simm.s32 @p0 $0x1  }
0x13: {  	[smem:$0x3FAB] =	sst s0;
	s0 =	simm.s32 @!p1 $0x0  }
0x14: {  	s2 =	sld [smem:$0x3F8F];
	s0 =	simm.s32 @p1 $0x1  }
0x15: {  	[smem:$0x3FAC] =	sst s0;
	s0 =	simm.s32 @!p2 $0x0  }
0x16: {  	s3 =	sld [smem:$0x3FDB];
	s0 =	simm.s32 @p2 $0x1  }
0x17: {  	s4 =	simm.s32 $0x1BF5;
	[smem:$0x3FAE] =	sst s0  }
0x18: {  	s0 =	sld [smem:$0x3F91];
	_ =	swait.ge [sflag:s4], $0x0  }
0x19: {  	s7 =	sld [smem:$0x3F92]  }
0x1a: {  	s8 =	sadd.s32 $0xFFFFE003, lr  }
0x1b: {  	s9 =	sadd.s32 $0xFFFFFEF7, lr;
	s5 =	simm.s32 $0xFFFFFFFF;
	p2 =	slt.u32 s8, $0xFFFFF086  }
0x1c: {  	p1 =	slt.u32 s9, $0xF7A;
	s5 =	simm.s32 @!p2 $0x0  }
0x1d: {  	s5 =	simm.s32 @p1 $0x1;
	p0 =	seq.s32 s7, s2  }
0x1e: {  	s7 =	smul.u32 @!p0 $0xF7A, s2;
	p2 =	seq.s32 @!p0 s5, $0x0  }
0x1f: {  	s9 =	smul.u32 $0xF7A, s1;
	s8 =	simm.s32 @!p0 $0x1BF5;
	p2 =	por !p2, p0  }
0x20: {  	[sflag:s8] =	ssyncset.s32 @!p0 $0xFFFFF086;
	s6 =	sadd.s32 @!p0 s3, s7;
	s7 =	simm.s32 @!p0 $0x108  }
0x21: {  	s3 =	sadd.s32 s3, s9;
	s6 =	sadd.s32 @!p0 $0x88, s6;
	s7 =	simm.s32 @p2 $0x1082  }
0x22: {  	[simem:s7], [sflag:s8] =	dma.local @!p0 [hbm:s6], $0xF7A  }
0x23: {  	s9 =	sor.u32 $0xD0000000, s2;
	s6 =	simm.s32 $0x108;
	_ =	swait.ge @!p0 [sflag:s8], $0x0  }
0x24: {  	s3 =	sadd.s32 $0x88, s3;
	s6 =	simm.s32 @!p1 $0x1082;
	[sflag:s4] =	ssyncset.s32 $0xFFFFF086  }
0x25: {  	[simem:s6], [sflag:s4] =	dma.local [hbm:s3], $0xF7A  }
0x26: {  	[smem:$0x3F92] =	sst s1;
	(tag) =	ssettag s2;
	_ =	strace s9  }
0x27: {  	s1 =	sld [smem:$0x3FA2]  }
0x28: {  	s2 =	sld [smem:$0x3FA3]  }
0x29: {  	s4 =	sld [smem:$0x3FA5]  }
0x2a: {  	p0 =	seq.s32 s5, $0x0;
	s5 =	sld [smem:$0x3FA6]  }
0x2b: {  	s6 =	sld [smem:$0x3FA7]  }
0x2c: {  	s7 =	sld [smem:$0x3FA8]  }
0x2d: {  	s3 =	simm.s32 $0x108;
	s8 =	sld [smem:$0x3FA9]  }
0x2e: {  	s3 =	simm.s32 @!p0 $0x1082;
	s9 =	sld [smem:$0x3FAA]  }
0x2f: {  	lr =	sadd.s32 s0, s3;
	s0 =	sld [smem:$0x3FA1]  }
0x30: {  	s3 =	sld [smem:$0x3FA4]  }
0x31: {  	[smem:$0x3FAD] =	sst s10  }
0x32: {  	s10 =	sld [smem:$0x3FAB];
	_ =	sdelay $0x3  }
0x33: {  	p0 =	seq.s32 s10, $0x1;
	s10 =	sld [smem:$0x3FAD];
	_ =	sdelay $0x3  }
0x34: {  	[smem:$0x3FAD] =	sst s10  }
0x35: {  	s10 =	sld [smem:$0x3FAC];
	_ =	sdelay $0x3  }
0x36: {  	p1 =	seq.s32 s10, $0x1;
	s10 =	sld [smem:$0x3FAD];
	_ =	sdelay $0x3  }
0x37: {  	[smem:$0x3FAD] =	sst s10  }
0x38: {  	s10 =	sld [smem:$0x3FAE]  }
0x39: {  	_ = 	snop;
	(pc) =	sbr.ind lr, $3  }
0x3a: {  	_ = 	snop  }
0x3b: {  	_ = 	snop  }
0x3c: {  	p2 =	seq.s32 s10, $0x1;
	s10 =	sld [smem:$0x3FAD]  }
0x3d: {  	_ =	shalt  }
0x3e: {  	_ =	shalt  }
0x3f: {  	_ =	shalt  }
0x40: {  	_ =	shalt  }
0x41: {  	_ =	shalt  }
0x42: {  	_ =	shalt  }
0x43: {  	_ =	shalt  }
0x44: {  	_ =	shalt  }
0x45: {  	_ =	shalt  }
0x46: {  	_ =	shalt  }
0x47: {  	_ =	shalt  }
0x48: {  	_ =	shalt  }
0x49: {  	_ =	shalt  }
0x4a: {  	_ =	shalt  }
0x4b: {  	_ =	shalt  }
0x4c: {  	_ =	shalt  }
0x4d: {  	_ =	shalt  }
0x4e: {  	_ =	shalt  }
0x4f: {  	_ =	shalt  }
0x50: {  	_ =	shalt  }
0x51: {  	_ =	shalt  }
0x52: {  	_ =	shalt  }
0x53: {  	_ =	shalt  }
0x54: {  	_ =	shalt  }
0x55: {  	_ =	shalt  }
0x56: {  	_ =	shalt  }
0x57: {  	_ =	shalt  }
0x58: {  	_ =	shalt  }
0x59: {  	_ =	shalt  }
0x5a: {  	_ =	shalt  }
0x5b: {  	_ =	shalt  }
0x5c: {  	_ =	shalt  }
0x5d: {  	_ =	shalt  }
0x5e: {  	_ =	shalt  }
0x5f: {  	_ =	shalt  }
0x60: {  	_ =	shalt  }
0x61: {  	_ =	shalt  }
0x62: {  	_ =	shalt  }
0x63: {  	_ =	shalt  }
0x64: {  	_ =	shalt  }
0x65: {  	_ =	shalt  }
0x66: {  	_ =	shalt  }
0x67: {  	_ =	shalt  }
0x68: {  	_ =	shalt  }
0x69: {  	_ =	shalt  }
0x6a: {  	_ =	shalt  }
0x6b: {  	_ =	shalt  }
0x6c: {  	_ =	shalt  }
0x6d: {  	_ =	shalt  }
0x6e: {  	_ =	shalt  }
0x6f: {  	_ =	shalt  }
0x70: {  	_ =	shalt  }
0x71: {  	_ =	shalt  }
0x72: {  	_ =	shalt  }
0x73: {  	_ =	shalt  }
0x74: {  	_ =	shalt  }
0x75: {  	_ =	shalt  }
0x76: {  	_ =	shalt  }
0x77: {  	_ =	shalt  }
0x78: {  	_ =	shalt  }
0x79: {  	_ =	shalt  }
0x7a: {  	_ =	shalt  }
0x7b: {  	_ =	shalt  }
0x7c: {  	_ =	shalt  }
0x7d: {  	_ =	shalt  }
0x7e: {  	_ =	shalt  }
0x7f: {  	_ =	shalt  }
0x80: {  	_ =	shalt  }
0x81: {  	_ =	shalt  }
0x82: {  	_ =	shalt  }
0x83: {  	_ =	shalt  }
0x84: {  	_ =	shalt  }
0x85: {  	_ =	shalt  }
0x86: {  	_ =	shalt  }
0x87: {  	_ =	shalt  }
.Lfunc_end0:
.L_simem_size_0:
called_computation.3_lowered:
.L_overlay_start_0:
0x88: {  	s2 =	sld [smem:$0x3FD9]  }
0x89: {  	s3 =	sld [smem:$0x3FFE];
	_ =	sdelay $0x1  }
0x8a: {  	s1 =	srdreg.scid  }
0x8b: {  	s0 =	sand.u32 $0x1, s1  }
0x8c: {  	s17 =	sshll.u32 s0, $0xA;
	s2 =	sadd.s32 s3, s2  }
0x8d: {  	s2 =	sadd.s32 s2, s17  }
0x8e: {  	[smem:$0x3FB9] =	sst s2  }
0x8f: {  	_ = 	snop  }
0x90: {  	s2 =	sld [smem:$0x3FD0];
	(tm) =	ssettm $0x1  }
0x91: {  	s18 =	sld [smem:$0x3FFB];
	_ =	sdelay $0x3  }
0x92: {  	_ =	strace s18  }
0x93: {  	s3 =	sld [smem:$0x3FFC];
	_ =	sdelay $0x3  }
0x94: {  	_ =	strace s3  }
0x95: {  	s3 =	sld [smem:$0x3FFD];
	_ =	sdelay $0x3  }
0x96: {  	_ =	strace s3  }
0x97: {  	_ =	strace $0x8FFFFFFF  }
0x98: {  	s19 =	sld [smem:$0x3FDB];
	_ =	sdelay $0x1  }
0x99: {  	s4 =	simm.s32 $_scs_section_size  }
0x9a: {  	s5 =	simm.s32 $_size__tile_overlayer_lowered;
	s6 =	simm.s32 $_tile_overlayer_lowered  }
0x9b: {  	s22 =	simm.s32 $0x1BFF;
	s21 =	sshll.u32 s6, $0x1;
	s3 =	sadd.s32 s4, s19  }
0x9c: {  	s7 =	simm.s32 $0x0;
	s20 =	sshll.u32 s5, $0x1;
	s5 =	sadd.s32 s21, s3  }
0x9d: {  	[timem:s7], [sflag:s22] =	dma.local [hbm:s5], s20  }
0x9e: {  	_ =	swait.ge [sflag:s22], s20  }
0x9f: {  	s4 =	ssub.s32 $0x0, s20;
	[sflag:s22] =	ssyncset.done $0x0  }
0xa0: {  	[sflag:s22] =	ssyncadd.s32 s4;
	_ =	sdelay $0x1  }
0xa1: {  	s23 =	simm.s32 $0x1B8B  }
0xa2: {  	_ =	swait.ge [sflag:s23], $0x1  }
0xa3: {  	[sflag:s23] =	ssyncset.done $0x0  }
0xa4: {  	s25 =	simm.s32 $0x1B8E;
	s24 =	sld [smem:$0x3FFE];
	[sflag:s23] =	ssyncadd.s32 $0xFFFFFFFF  }
0xa5: {  	s26 =	simm.s32 $execute0_lowered;
	[smem:$0x3FD2] =	sst s25  }
0xa6: {  	s5 =	sshll.u32 s26, $0x1;
	_ =	strace $0x8000004F;
	[dreg:$0x1] =	wrdreg $0xFFFFFFFF  }
0xa7: {  	s28 =	simm.s32 $_size_execute0_lowered;
	s3 =	sadd.s32 s3, s5;
	[dreg:$0x0] =	wrdreg $0x0  }
0xa8: {  	s5 =	sshll.u32 s28, $0x1;
	[dreg:$0x2] =	wrdreg s3  }
0xa9: {  	[dreg:$0x3] =	wrdreg s5  }
0xaa: {  	[dreg:$0x4] =	wrdreg $0xC0  }
0xab: {  	_ =	task [dreg:s7], $0x5FFFF  }
0xac: {  	[dreg:$0x1] =	wrdreg $0xFFFFFFFF  }
0xad: {  	[dreg:$0x0] =	wrdreg $0x60  }
0xae: {  	[dreg:$0x2] =	wrdreg s24  }
0xaf: {  	[dreg:$0x3] =	wrdreg s2  }
0xb0: {  	[dreg:$0x4] =	wrdreg $0xA8000  }
0xb1: {  	[dreg:$0x5] =	wrdreg $0x9  }
0xb2: {  	_ =	task.clear_ibuf [dreg:s7], $0x6FFFF;
	_ =	strace $0x9000004F  }
0xb3: {  	s29 =	simm.s32 $0x9;
	_ =	strace $0x80000051  }
0xb4: {  	_ =	swait.ge [sflag:s29], $0x1  }
0xb5: {  	[sflag:s29] =	ssyncadd.s32 $0xFFFFFFFF  }
0xb6: {  	_ =	strace $0x90000051  }
0xb7: {  	_ =	sfence  }
0xb8: {  	s30 =	sld [smem:$0x0];
	_ =	sdelay $0x2  }
0xb9: {  	s31 =	sshll.u32 s1, $0xD;
	s1 =	sshrl.u32 s1, $0x2  }
0xba: {  	s3 =	sand.u32 $0x4000, s31;
	s1 =	sadd.s32 s1, s30  }
0xbb: {  	s0 =	sor.u32 s3, s0;
	s1 =	sshll.u32 s1, $0x11  }
0xbc: {  	s0 =	sor.u32 s1, s0  }
0xbd: {  	s0 =	sadd.s32 $0x8F2B, s0  }
0xbe: {  	[sflag:s0] =	ssyncadd.remote.s32 $0x1  }
0xbf: {  	_ =	sfence.sel $0xFFFF  }
0xc0: {  	[dreg:$0x0] =	wrdreg $0xFFFFFFFF;
	(pc) =	sbr.abs _section_cstart, $3  }
0xc1: {  	[dreg:$0x1] =	wrdreg $0xFFFFFFFF  }
0xc2: {  	_ =	task.clear_ibuf [dreg:s7], $0x2FFFF;
	_ =	strace $0x9FFFFFFF  }
0xc3: {  	(tm) =	ssettm $0x7FFFFFFF  }
tec
execute0_lowered:
.L_overlay_start_1:
0x0: {  	(tag) =	ssettag $0x1  }
0x1: {  	s6 =	rddreg [dreg:$0x0]  }
0x2: {  	s7 =	rddreg [dreg:$0x1]  }
0x3: {  	s2 =	rddreg [dreg:$0x2]  }
0x4: {  	s0 =	rddreg [dreg:$0x3];
	s1 =	stileid.u32  }
0x5: {  	s4 =	srdreg.scid;
	s3 =	simm.s32 $0x0;
	s16 =	simm.s32 $0x80  }
0x6: {  	s17 =	simm.s32 $0x2800;
	s18 =	simm.s32 $0x1;
	s19 =	simm.s32 $0x6800  }
0x7: {  	s20 =	simm.s32 $0x3;
	s21 =	simm.s32 $0x4;
	s8 =	smul.u32 $0x2800, s1  }
0x8: {  	s22 =	simm.s32 $0x0;
	s9 =	sand.u32 $0x1, s4;
	s11 =	smul.u32 $0x14000, s1  }
0x9: {  	[smem:$0x7FF] =	sst s3;
	s4 =	sadd.s32 $0x5B800, s6;
	s14 =	smul.u32 $0x50000, s1  }
0xa: {  	s30 =	sshll.u32 s1, $0x6;
	s10 =	smul.u32 $0x140000, s9;
	_ =	strace $0x80000050  }
0xb: {  	s26 =	ssub.s32 $0x2, s9;
	s9 =	smul.u32 $0x28000, s9;
	s5 =	sshrl.u32 s8, $0x3  }
0xc: {  	s13 =	sshrl.u32 s26, $0x1;
	s29 =	sshrl.u32 s14, $0x2;
	s12 =	sadd.s32 s5, s6  }
0xd: {  	s5 =	sadd.s32 $0x59000, s6;
	s10 =	sadd.s32 s11, s10;
	s13 =	ssub.s32 s26, s13  }
0xe: {  	s28 =	sadd.s32 s8, s9;
	s14 =	sadd.s32 s29, s2;
	s10 =	sshrl.u32 s10, $0x3  }
0xf: {  	s31 =	sshrl.u32 s28, $0x3;
	s8 =	sadd.s32 $0x3200, s12;
	s15 =	sadd.s32 s10, s6  }
0x10: {  	s6 =	sor.u32 $0x1C05, s30;
	s7 =	sadd.s32 s7, s31;
	s10 =	sadd.s32 $0x3480, s12  }
0x11: {  	s12 =	smax.u32 s13, $0x1;
	s13 =	sshrl.u32 s14, $0x3;
	s14 =	simm.s32 $0x5  }
0x12: {  	s9 =	sadd.s32 $0x280, s7;
	s11 =	sadd.s32 $0x8200, s15;
	s15 =	simm.s32 $0x1400  }
.LBB2_1:
0x13: {  	[spmem:s13], [sflag:s6] =	dma.local [hbm:s5], $0x2800  }
0x14: {  	_ =	swait.ge [sflag:s14], $0x2800  }
0x15: {  	[sflag:s14] =	ssyncset.done $0x0  }
0x16: {  	[sflag:s14] =	ssyncadd.s32 $0xFFFFD800  }
0x17: {  	[bflag:$0x0] =	sbarrier.arrive $0xFFFF  }
0x18: {  	[tilespmem:s3], [sflag:$0x5] =	stream.linear.gather [hbm4b:s7+s3], $0x1400, $0x38;
	[tilespmem:$0x1E800] =	vst v63  }
0x19: {  	_ =	swait.ge [sflag:s14], $0x1400  }
0x1a: {  	[sflag:s14] =	ssyncset.done $0x0  }
0x1b: {  	[sflag:s14] =	ssyncadd.s32 $0xFFFFEC00  }
0x1c: {  	[tilespmem:s15], [sflag:$0x5] =	stream.linear.gather [hbm4b:s8+s3], $0x1400, $0x38;
	[tilespmem:$0x1E800] =	vst v63  }
0x1d: {  	_ =	swait.ge [sflag:s14], $0x1400  }
0x1e: {  	[sflag:s14] =	ssyncset.done $0x0  }
0x1f: {  	[sflag:s14] =	ssyncadd.s32 $0xFFFFEC00  }
0x20: {  	[tilespmem:s17], [sflag:$0x1] =	stream.indirect.gather [hbm4b:s4+s16], $0x80, s3, s16, $0xb8;
	[tilespmem:$0x1E800] =	vst v63  }
0x21: {  	_ =	swait.ge [sflag:s18], $0x4000  }
0x22: {  	[sflag:s18] =	ssyncset.done $0x0  }
0x23: {  	[sflag:s18] =	ssyncadd.s32 $0xFFFFC000  }
0x24: {  	[spmem:s2] =	stream.indirect.scatter.add.f32 [tilespmem:s17], [sflag:$0x3], $0x80, s15, s16, $0xb8;
	[tilespmem:$0x1E800] =	vst v63  }
0x25: {  	s23 =	simm.s32 $0x2;
	s24 =	simm.s32 $0x100;
	s25 =	simm.s32 $0x1480  }
0x26: {  	[tilespmem:s19], [sflag:$0x2] =	stream.indirect.gather [hbm4b:s4+s16], $0x80, s16, s16, $0xb8;
	[tilespmem:$0x1E800] =	vst v63  }
.LBB2_2:
0x27: {  	s26 =	sadd.s32 $0xFFFFFFFF, s23  }
0x28: {  	s26 =	sand.u32 $0x1, s26  }
0x29: {  	s28 =	sadd.s32 $0x1, s26  }
0x2a: {  	_ =	swait.ge [sflag:s28], $0x4000  }
0x2b: {  	p0 =	seq.s32 s23, $0x28;
	s29 =	sshll.u32 s26, $0xE;
	[sflag:s28] =	ssyncset.done $0x0  }
0x2c: {  	s26 =	sadd.s32 $0x3, s26;
	s29 =	sor.u32 $0x2800, s29;
	[sflag:s28] =	ssyncadd.s32 $0xFFFFC000  }
0x2d: {  	[spmem:s2] =	stream.indirect.scatter.add.f32 [tilespmem:s29], [sflag:s26], $0x80, s25, s16, $0xb8;
	[tilespmem:$0x1E800] =	vst v63  }
0x2e: {  	s26 =	sand.u32 @!p0 $0x1, s23;
	s23 =	sadd.s32 @!p0 $0x1, s23  }
0x2f: {  	s28 =	sadd.s32 @!p0 $0x3, s26;
	p1 =	sne.s32 @!p0 s23, $0x29  }
0x30: {  	_ =	swait.ge @!p0 [sflag:s28], $0x4000;
	p1 =	por p0, !p1  }
.Ltmp0:
0x31: {  	[sflag:s28] =	ssyncset.done @!p0 $0x0;
	(pc) =	sbr.rel @!p1 .LBB2_2-.Ltmp0, $4  }
0x32: {  	[sflag:s28] =	ssyncadd.s32 @!p0 $0xFFFFC000;
	s28 =	sshll.u32 @!p0 s26, $0xE  }
0x33: {  	s29 =	simm.s32 @!p0 $0x80;
	s26 =	sadd.s32 @!p0 $0x1, s26;
	s28 =	sor.u32 @!p0 $0x2800, s28  }
0x34: {  	[tilespmem:s28], [sflag:s26] =	stream.indirect.gather @!p0 [hbm4b:s4+s29], $0x80, s24, s29, $0xb8;
	[tilespmem:$0x1E800] =	vst v63  }
0x35: {  	s25 =	sadd.s32 @!p0 $0x80, s25;
	s24 =	sadd.s32 @!p0 $0x80, s24  }
0x36: {  	_ =	swait.ge [sflag:s20], $0x4000  }
0x37: {  	[sflag:s20] =	ssyncset.done $0x0  }
0x38: {  	[sflag:s20] =	ssyncadd.s32 $0xFFFFC000  }
0x39: {  	_ =	swait.ge [sflag:s21], $0x4000  }
0x3a: {  	[sflag:s21] =	ssyncset.done $0x0  }
0x3b: {  	[sflag:s21] =	ssyncadd.s32 $0xFFFFC000  }
0x3c: {  	[tilespmem:s3], [sflag:$0x5] =	stream.linear.gather [hbm4b:s9+s3], $0x1400, $0x38;
	[tilespmem:$0x1E800] =	vst v63  }
0x3d: {  	_ =	swait.ge [sflag:s14], $0x1400  }
0x3e: {  	[sflag:s14] =	ssyncset.done $0x0  }
0x3f: {  	[sflag:s14] =	ssyncadd.s32 $0xFFFFEC00  }
0x40: {  	[tilespmem:s15], [sflag:$0x5] =	stream.linear.gather [hbm4b:s10+s3], $0x1400, $0x38;
	[tilespmem:$0x1E800] =	vst v63  }
0x41: {  	_ =	swait.ge [sflag:s14], $0x1400  }
0x42: {  	[sflag:s14] =	ssyncset.done $0x0  }
0x43: {  	[sflag:s14] =	ssyncadd.s32 $0xFFFFEC00  }
0x44: {  	[tilespmem:s17], [sflag:$0x1] =	stream.indirect.gather [hbm4b:s4+s16], $0x80, s3, s16, $0xb8;
	[tilespmem:$0x1E800] =	vst v63  }
0x45: {  	_ =	swait.ge [sflag:s18], $0x4000  }
0x46: {  	[sflag:s18] =	ssyncset.done $0x0  }
0x47: {  	[sflag:s18] =	ssyncadd.s32 $0xFFFFC000  }
0x48: {  	[spmem:s2] =	stream.indirect.scatter.add.f32 [tilespmem:s17], [sflag:$0x3], $0x80, s15, s16, $0xb8;
	[tilespmem:$0x1E800] =	vst v63  }
0x49: {  	s23 =	simm.s32 $0x2;
	s24 =	simm.s32 $0x100;
	s25 =	simm.s32 $0x1480  }
0x4a: {  	[tilespmem:s19], [sflag:$0x2] =	stream.indirect.gather [hbm4b:s4+s16], $0x80, s16, s16, $0xb8;
	[tilespmem:$0x1E800] =	vst v63  }
.LBB2_4:
0x4b: {  	s26 =	sadd.s32 $0xFFFFFFFF, s23  }
0x4c: {  	s26 =	sand.u32 $0x1, s26  }
0x4d: {  	s28 =	sadd.s32 $0x1, s26  }
0x4e: {  	_ =	swait.ge [sflag:s28], $0x4000  }
0x4f: {  	p0 =	seq.s32 s23, $0x28;
	s29 =	sshll.u32 s26, $0xE;
	[sflag:s28] =	ssyncset.done $0x0  }
0x50: {  	s26 =	sadd.s32 $0x3, s26;
	s29 =	sor.u32 $0x2800, s29;
	[sflag:s28] =	ssyncadd.s32 $0xFFFFC000  }
0x51: {  	[spmem:s2] =	stream.indirect.scatter.add.f32 [tilespmem:s29], [sflag:s26], $0x80, s25, s16, $0xb8;
	[tilespmem:$0x1E800] =	vst v63  }
0x52: {  	s26 =	sand.u32 @!p0 $0x1, s23;
	s23 =	sadd.s32 @!p0 $0x1, s23  }
0x53: {  	s28 =	sadd.s32 @!p0 $0x3, s26;
	p1 =	sne.s32 @!p0 s23, $0x29  }
0x54: {  	_ =	swait.ge @!p0 [sflag:s28], $0x4000;
	p1 =	por p0, !p1  }
.Ltmp1:
0x55: {  	[sflag:s28] =	ssyncset.done @!p0 $0x0;
	(pc) =	sbr.rel @!p1 .LBB2_4-.Ltmp1, $4  }
0x56: {  	[sflag:s28] =	ssyncadd.s32 @!p0 $0xFFFFC000;
	s28 =	sshll.u32 @!p0 s26, $0xE  }
0x57: {  	s29 =	simm.s32 @!p0 $0x80;
	s26 =	sadd.s32 @!p0 $0x1, s26;
	s28 =	sor.u32 @!p0 $0x2800, s28  }
0x58: {  	[tilespmem:s28], [sflag:s26] =	stream.indirect.gather @!p0 [hbm4b:s4+s29], $0x80, s24, s29, $0xb8;
	[tilespmem:$0x1E800] =	vst v63  }
0x59: {  	s25 =	sadd.s32 @!p0 $0x80, s25;
	s24 =	sadd.s32 @!p0 $0x80, s24  }
0x5a: {  	_ =	swait.ge [sflag:s20], $0x4000  }
0x5b: {  	[sflag:s20] =	ssyncset.done $0x0  }
0x5c: {  	[sflag:s20] =	ssyncadd.s32 $0xFFFFC000  }
0x5d: {  	_ =	swait.ge [sflag:s21], $0x4000  }
0x5e: {  	s22 =	sadd.s32 $0x1, s22;
	[sflag:s21] =	ssyncset.done $0x0  }
0x5f: {  	p0 =	sne.s32 s22, s12;
	[sflag:s21] =	ssyncadd.s32 $0xFFFFC000  }
.Ltmp2:
0x60: {  	[bflag:$0x0] =	sbarrier.arrive $0xFFFF;
	(pc) =	sbr.rel @p0 .LBB2_1-.Ltmp2, $4  }
0x61: {  	[hbm:s11], [sflag:s6] =	dma.local [spmem:s13], $0x2800  }
0x62: {  	_ =	swait.ge [sflag:s14], $0x2800  }
0x63: {  	[sflag:s14] =	ssyncset.done $0x0  }
0x64: {  	[sflag:s14] =	ssyncadd.s32 $0xFFFFD800  }
0x65: {  	_ =	sfence.sel $0x180000  }
0x66: {  	[bflag:$0x0] =	sbarrier.arrive $0xFFFF  }
0x67: {  	p0 =	sne.s32 s1, $0x0;
	_ =	strace $0x90000050  }
0x68: {  	s0 =	sadd.s32 @!p0 $0x100000, s0;
	[bflag:$0x2] =	sbarrier.arrive $0xFFFF  }
0x69: {  	[sflag:s0] =	ssyncadd.tile.s32 @!p0 $0x1;
	_ =	shalt  }
.Lfunc_end2:
_tile_overlayer_lowered:
.L_overlay_start_2:
0x6a: {  	(tag) =	ssettag $0x2  }
0x6b: {  	s0 =	rddreg [dreg:$0x0];
	s2 =	stileid.u32  }
0x6c: {  	s1 =	rddreg [dreg:$0x1];
	p0 =	sne.s32 s2, $0x0  }
0x6d: {  	s3 =	rddreg [dreg:$0x2];
	[bflag:$0x3] =	sbarrier.arrive $0xFFFF;
	s2 =	simm.s32 @!p0 $0x1C05  }
0x6e: {  	[timem:s3], [sflag:s2] =	dma.local @!p0 [hbm:s0], s1  }
0x6f: {  	s0 =	simm.s32 @!p0 $0x5  }
0x70: {  	_ =	swait.ge @!p0 [sflag:s0], s1  }
0x71: {  	s1 =	ssub.s32 @!p0 $0x0, s1;
	[sflag:s0] =	ssyncset.done @!p0 $0x0  }
0x72: {  	[sflag:s0] =	ssyncadd.s32 @!p0 s1  }
0x73: {  	[bflag:$0x3] =	sbarrier.arrive $0xFFFF  }
0x74: {  	_ =	shalt  }

</sc_bundles>
